<compile_context>
chip_gen: v7x
topology: tpu7x:2x2x1
jax: 0.10.2.dev20260603
libtpu: 0.0.44.dev20260713+nightly
codegen_flags: <defaults>
</compile_context>

<pallas_src>
import functools

import jax
import jax.numpy as jnp
from jax import lax
from jax.experimental import pallas as pl
from jax.experimental.pallas import tpu as pltpu
from jax.experimental.pallas import tpu_sc as plsc

N = 10000
E = 320000
D = 128
H = 256
HH = 128

NPAD = 10240

DEG_CHUNK = 80
DEG_ROWS_PER_SUB = 125

AGG_CHUNK = 125
AGG_ROWS_PER_SUB = 160
ROWS_PER_TILE = 640

_MESH = plsc.VectorSubcoreMesh(core_axis_name="c", subcore_axis_name="s")


@functools.partial(
    pl.kernel,
    out_type=jax.ShapeDtypeStruct((2, NPAD), jnp.float32),
    mesh=_MESH,
    scratch_types=[
        pltpu.VMEM((DEG_ROWS_PER_SUB, DEG_CHUNK), jnp.int32),
        pltpu.VMEM((DEG_CHUNK,), jnp.float32),
        pltpu.VMEM((640,), jnp.float32),
        pltpu.VMEM_SHARED((NPAD,), jnp.float32),
    ],
)
def _sc_deg(dst_hbm, out_hbm, idx_v, ones_v, zero_v, deg_sh):
    c = lax.axis_index("c")
    s = lax.axis_index("s")

    pltpu.sync_copy(dst_hbm.at[c, s], idx_v)

    def _fill_ones(k, _):
        ones_v[pl.ds(pl.multiple_of(k * 16, 16), 16)] = jnp.ones((16,), jnp.float32)
        return 0
    lax.fori_loop(0, DEG_CHUNK // 16, _fill_ones, 0)

    def _fill_zero(k, _):
        zero_v[pl.ds(pl.multiple_of(k * 16, 16), 16)] = jnp.zeros((16,), jnp.float32)
        return 0
    lax.fori_loop(0, 40, _fill_zero, 0)

    pltpu.sync_copy(zero_v, deg_sh.at[pl.ds(pl.multiple_of(s * 640, 8), 640)])
    plsc.subcore_barrier()

    def _scat(j, _):
        pltpu.sync_copy(ones_v, deg_sh.at[idx_v.at[j]], add=True)
        return 0
    lax.fori_loop(0, DEG_ROWS_PER_SUB, _scat, 0)

    plsc.subcore_barrier()

    @pl.when(s == 0)
    def _():
        pltpu.sync_copy(deg_sh, out_hbm.at[c])


@functools.partial(
    pl.kernel,
    out_type=jax.ShapeDtypeStruct((2, NPAD, HH), jnp.float32),
    mesh=_MESH,
    scratch_types=[
        pltpu.VMEM((16, AGG_CHUNK), jnp.int32),
        pltpu.VMEM((16, AGG_CHUNK), jnp.int32),
        pltpu.VMEM((AGG_CHUNK, HH), jnp.float32),
        pltpu.VMEM((AGG_CHUNK, HH), jnp.float32),
        pltpu.VMEM_SHARED((NPAD, HH), jnp.float32),
        pltpu.SemaphoreType.DMA,
        pltpu.SemaphoreType.DMA,
        pltpu.SemaphoreType.DMA,
        pltpu.SemaphoreType.DMA,
    ],
)
def _sc_agg(p_hbm, srcidx_hbm, dstidx_hbm, zeros_hbm, out_hbm,
            src_v, dst_v, rows0_v, rows1_v, acc_sh, sem0, sem1, ssem0, ssem1):
    c = lax.axis_index("c")
    s = lax.axis_index("s")

    base = s * AGG_ROWS_PER_SUB

    r0 = pl.multiple_of(s * ROWS_PER_TILE, 8)
    pltpu.sync_copy(zeros_hbm.at[pl.ds(r0, ROWS_PER_TILE)],
                    acc_sh.at[pl.ds(r0, ROWS_PER_TILE)])
    plsc.subcore_barrier()

    rows = (rows0_v, rows1_v)
    sems = (sem0, sem1)
    ssems = (ssem0, ssem1)

    def _group(g, _):
        off = pl.multiple_of(base + g * 16, 8)
        pltpu.sync_copy(srcidx_hbm.at[c, pl.ds(off, 16)], src_v)
        pltpu.sync_copy(dstidx_hbm.at[pl.ds(off, 16)], dst_v)

        gd = [None, None]
        sd = [None, None]
        gd[0] = pltpu.async_copy(p_hbm.at[src_v.at[0]], rows[0], sems[0])
        for j in range(16):
            b = j & 1
            if j < 15:
                if sd[1 - b] is not None:
                    sd[1 - b].wait()
                gd[1 - b] = pltpu.async_copy(
                    p_hbm.at[src_v.at[j + 1]], rows[1 - b], sems[1 - b])
            gd[b].wait()
            sd[b] = pltpu.async_copy(rows[b], acc_sh.at[dst_v.at[j]],
                                     ssems[b], add=True)
        sd[0].wait()
        sd[1].wait()
        return 0
    lax.fori_loop(0, AGG_ROWS_PER_SUB // 16, _group, 0)

    plsc.subcore_barrier()
    pltpu.sync_copy(acc_sh.at[pl.ds(r0, ROWS_PER_TILE)],
                    out_hbm.at[c, pl.ds(r0, ROWS_PER_TILE)])


_BLK = 1000


def _mm1_body(x_ref, w_ref, b_ref, deg_ref, p_ref):
    dinv = lax.rsqrt(deg_ref[:, 0:1] + deg_ref[:, 1:2] + 1.0)
    h = jnp.dot(x_ref[...], w_ref[...], preferred_element_type=jnp.float32, precision=lax.Precision.HIGHEST)
    p_ref[0] = (h + b_ref[0, 0:1, :]) * dinv


def _tc_mm1(x, W1, b1r, degT):
    return pl.pallas_call(
        _mm1_body,
        grid=(2, N // _BLK),
        in_specs=[
            pl.BlockSpec((_BLK, D), lambda c, i: (i, 0)),
            pl.BlockSpec((D, HH), lambda c, i: (0, c)),
            pl.BlockSpec((1, 8, HH), lambda c, i: (c, 0, 0)),
            pl.BlockSpec((_BLK, 2), lambda c, i: (i, 0)),
        ],
        out_specs=pl.BlockSpec((1, _BLK, HH), lambda c, i: (c, i, 0)),
        out_shape=jax.ShapeDtypeStruct((2, N, HH), jnp.float32),
    )(x, W1, b1r, degT)


def _mm2_body(acc_ref, p_ref, deg_ref, w_ref, b_ref, out_ref):
    dinv = lax.rsqrt(deg_ref[:, 0:1] + deg_ref[:, 1:2] + 1.0)
    h0 = jnp.maximum(dinv * (acc_ref[0] + p_ref[0]), 0.0)
    h1 = jnp.maximum(dinv * (acc_ref[1] + p_ref[1]), 0.0)
    h = jnp.concatenate([h0, h1], axis=1)
    out_ref[0] = (jnp.dot(h, w_ref[...], preferred_element_type=jnp.float32, precision=lax.Precision.HIGHEST)
                  + b_ref[0, 0:1, :]) * dinv


def _tc_mm2(acc1, p1, degT, W2, b2r):
    return pl.pallas_call(
        _mm2_body,
        grid=(2, N // _BLK),
        in_specs=[
            pl.BlockSpec((2, _BLK, HH), lambda c, i: (0, i, 0)),
            pl.BlockSpec((2, _BLK, HH), lambda c, i: (0, i, 0)),
            pl.BlockSpec((_BLK, 2), lambda c, i: (i, 0)),
            pl.BlockSpec((H, HH), lambda c, i: (0, c)),
            pl.BlockSpec((1, 8, HH), lambda c, i: (c, 0, 0)),
        ],
        out_specs=pl.BlockSpec((1, _BLK, HH), lambda c, i: (c, i, 0)),
        out_shape=jax.ShapeDtypeStruct((2, N, HH), jnp.float32),
    )(acc1, p1, degT, W2, b2r)


def _final_body(acc_ref, p_ref, deg_ref, wr1t_ref, br1_ref, wr2_ref, br2_ref,
                wot_ref, bo_ref, out_ref, sum_ref):
    i = pl.program_id(0)
    dinv = lax.rsqrt(deg_ref[:, 0:1] + deg_ref[:, 1:2] + 1.0)
    h0 = jnp.maximum(dinv * (acc_ref[0] + p_ref[0]), 0.0)
    h1 = jnp.maximum(dinv * (acc_ref[1] + p_ref[1]), 0.0)
    part = jnp.concatenate(
        [jnp.sum(h0, axis=0, keepdims=True), jnp.sum(h1, axis=0, keepdims=True)],
        axis=1)

    @pl.when(i == 0)
    def _():
        sum_ref[0:1] = part

    @pl.when(i > 0)
    def _():
        sum_ref[0:1] = sum_ref[0:1] + part

    @pl.when(i == pl.num_programs(0) - 1)
    def _():
        def _bw(w):
            return w.astype(jnp.bfloat16).astype(jnp.float32)

        pooled = sum_ref[0:1] * (1.0 / N)
        r1 = jnp.sum(_bw(wr1t_ref[...]) * _bw(pooled), axis=1,
                     keepdims=True) + br1_ref[...]
        r2 = jnp.sum(_bw(wr2_ref[...]) * _bw(r1), axis=0,
                     keepdims=True) + br2_ref[...]
        out_ref[...] = jnp.sum(wot_ref[...] * r2, axis=1,
                               keepdims=True) + bo_ref[...]


def _tc_final(acc2, p2, degT, Wr1, br1r, Wr2, br2r, Wo, bor):
    return pl.pallas_call(
        _final_body,
        grid=(N // _BLK,),
        in_specs=[
            pl.BlockSpec((2, _BLK, HH), lambda i: (0, i, 0)),
            pl.BlockSpec((2, _BLK, HH), lambda i: (0, i, 0)),
            pl.BlockSpec((_BLK, 2), lambda i: (i, 0)),
            pl.BlockSpec((H, H), lambda i: (0, 0)),
            pl.BlockSpec((H, 1), lambda i: (0, 0)),
            pl.BlockSpec((H, H), lambda i: (0, 0)),
            pl.BlockSpec((1, H), lambda i: (0, 0)),
            pl.BlockSpec((1, H), lambda i: (0, 0)),
            pl.BlockSpec((1, 1), lambda i: (0, 0)),
        ],
        out_specs=pl.BlockSpec((1, 1), lambda i: (0, 0)),
        out_shape=jax.ShapeDtypeStruct((1, 1), jnp.float32),
        scratch_shapes=[pltpu.VMEM((8, H), jnp.float32)],
    )(acc2, p2, degT, Wr1, br1r, Wr2, br2r, Wo, bor)


def kernel(x, edge_index, graph_id, W1, b1, W2, b2, Wr1, br1, Wr2, br2, Wo, bo):
    del graph_id
    src = edge_index[0]
    dst = edge_index[1]

    dst_deg = dst.reshape(2, 16, DEG_ROWS_PER_SUB, DEG_CHUNK)
    src2d = src.reshape(E // AGG_CHUNK, AGG_CHUNK)
    src_idx2 = jnp.stack([src2d, src2d + N])
    dst2d = dst.reshape(E // AGG_CHUNK, AGG_CHUNK)
    zeros_b = jnp.zeros((NPAD, HH), jnp.float32)

    deg2 = _sc_deg(dst_deg)
    degT = deg2[:, :N].T

    b1r = jnp.broadcast_to(b1.reshape(2, 1, HH), (2, 8, HH))
    b2r = jnp.broadcast_to(b2.reshape(2, 1, HH), (2, 8, HH))

    p1 = _tc_mm1(x, W1, b1r, degT)
    acc1 = _sc_agg(p1.reshape(2 * N, HH), src_idx2, dst2d, zeros_b)
    p2 = _tc_mm2(acc1, p1, degT, W2, b2r)
    acc2 = _sc_agg(p2.reshape(2 * N, HH), src_idx2, dst2d, zeros_b)
    return _tc_final(acc2, p2, degT, Wr1.T, br1.reshape(H, 1), Wr2,
                     br2.reshape(1, H), Wo.T, bo.reshape(1, 1))

# --- scband reference (transcript-rebuilt; emitter-appended) ---
"""Pipeline reference for scband-qin-gnn-81432579932318 (READ-ONLY COPY).

The authoritative reference and input builder live on the scoring server;
editing this copy changes nothing except your own understanding.
"""

import jax, jax.numpy as jnp
import numpy as np

N = 10000
E = 320000
D = 128
H = 256


def setup_inputs(seed: int = 0) -> dict:
    key = jax.random.key(seed)
    ks = jax.random.split(key, 16)
    x = jax.random.normal(ks[0], (N, D), dtype=jnp.float32)
    edge_index = jax.random.randint(ks[1], (2, E), 0, N, dtype=jnp.int32)
    graph_id = jnp.zeros((N,), dtype=jnp.int32)
    s = 0.05
    W1 = jax.random.normal(ks[2], (D, H), dtype=jnp.float32) * s
    b1 = jnp.zeros((H,), dtype=jnp.float32)
    W2 = jax.random.normal(ks[3], (H, H), dtype=jnp.float32) * s
    b2 = jnp.zeros((H,), dtype=jnp.float32)
    Wr1 = jax.random.normal(ks[4], (H, H), dtype=jnp.float32) * s
    br1 = jnp.zeros((H,), dtype=jnp.float32)
    Wr2 = jax.random.normal(ks[5], (H, H), dtype=jnp.float32) * s
    br2 = jnp.zeros((H,), dtype=jnp.float32)
    Wo = jax.random.normal(ks[6], (H, 1), dtype=jnp.float32) * s
    bo = jnp.zeros((1,), dtype=jnp.float32)
    return {
        'x': x, 'edge_index': edge_index, 'graph_id': graph_id,
        'W1': W1, 'b1': b1, 'W2': W2, 'b2': b2,
        'Wr1': Wr1, 'br1': br1, 'Wr2': Wr2, 'br2': br2,
        'Wo': Wo, 'bo': bo,
    }


def _gcn_layer(x, src, dst, W, b, n_nodes):
    # GCNConv: out = relu(D^{-1/2} (A + I) D^{-1/2} X W + b)
    loop = jnp.arange(n_nodes, dtype=src.dtype)
    s = jnp.concatenate([src, loop])
    d = jnp.concatenate([dst, loop])
    deg = jnp.zeros((n_nodes,), x.dtype).at[d].add(1.0)
    dinv = jax.lax.rsqrt(deg)  # deg >= 1 due to self loops
    ew = dinv[s] * dinv[d]
    h = x @ W + b
    msg = h[s] * ew[:, None]
    agg = jnp.zeros((n_nodes, h.shape[1]), h.dtype).at[d].add(msg)
    return jax.nn.relu(agg)


def reference(x, edge_index, graph_id, W1, b1, W2, b2, Wr1, br1, Wr2, br2, Wo, bo):
    src = edge_index[0]
    dst = edge_index[1]
    n_nodes = x.shape[0]
    h = _gcn_layer(x, src, dst, W1, b1, n_nodes)
    h = _gcn_layer(h, src, dst, W2, b2, n_nodes)
    # GlobalAvgPool (single graph mode): mean over node axis
    pooled = jnp.mean(h, axis=0, keepdims=True)
    r = pooled @ Wr1 + br1
    r = r @ Wr2 + br2
    out = r @ Wo + bo
    return out

if __name__ == "__main__":
    import jax
    _d = setup_inputs()
    print(jax.jit(kernel)(*tuple(_d.values())))

</pallas_src>

<mosaic_0001>
#map = affine_map<(d0, d1) -> (0, 0, 0, 0)>
#map1 = affine_map<(d0, d1) -> (0, 0)>
module attributes {stable_mosaic.version = 14 : i64} {
  func.func @_sc_deg(%arg0: i32, %arg1: i32, %arg2: memref<2x16x125x80xi32, #tpu.memory_space<hbm>>, %arg3: memref<2x10240xf32, #tpu.memory_space<hbm>>, %arg4: memref<125x80xi32, #tpu.memory_space<vmem>>, %arg5: memref<80xf32, #tpu.memory_space<vmem>>, %arg6: memref<640xf32, #tpu.memory_space<vmem>>, %arg7: memref<10240xf32, #tpu.memory_space<vmem_shared>>) attributes {dimension_semantics = [#tpu.dimension_semantics<core_parallel>, #tpu.dimension_semantics<subcore_parallel>], iteration_bounds = array<i64: 2, 16>, scalar_prefetch = 0 : i64, scratch_operands = 4 : i64, tpu.core_type = #tpu.core_type<sc_vector_subcore>, window_params = [{transform_indices = #map}, {transform_indices = #map1}]} {
    "tpu.region"() ({
      %run_scoped3A = tpu.sem_alloc : memref<!tpu.dma_semaphore, #tpu.memory_space<semaphore_mem>>
      %dma_start3A = arith.constant 0 : i32
      %dma_start3A_24 = arith.constant 0 : i32
      %dma_start3A_25 = tpu.memref_slice %arg2[%arg0, %arg1, %dma_start3A, %dma_start3A_24] : memref<2x16x125x80xi32, #tpu.memory_space<hbm>> -> memref<1x1x125x80xi32, #tpu.memory_space<hbm>>
      %dma_start3A_26 = tpu.memref_squeeze %dma_start3A_25 : memref<1x1x125x80xi32, #tpu.memory_space<hbm>> -> memref<125x80xi32, #tpu.memory_space<hbm>>
      %dma_start3A_27 = arith.constant 0 : i32
      %dma_start3A_28 = arith.constant 0 : i32
      %dma_start3A_29 = tpu.memref_slice %arg2[%arg0, %arg1, %dma_start3A_27, %dma_start3A_28] : memref<2x16x125x80xi32, #tpu.memory_space<hbm>> -> memref<1x1x125x80xi32, #tpu.memory_space<hbm>>
      %dma_start3A_30 = tpu.memref_squeeze %dma_start3A_29 : memref<1x1x125x80xi32, #tpu.memory_space<hbm>> -> memref<125x80xi32, #tpu.memory_space<hbm>>
      tpu.enqueue_dma source(%dma_start3A_30 : memref<125x80xi32, #tpu.memory_space<hbm>>) target(%arg4 : memref<125x80xi32, #tpu.memory_space<vmem>>) target_semaphore(%run_scoped3A : memref<!tpu.dma_semaphore, #tpu.memory_space<semaphore_mem>>)
      %dma_wait3A = arith.constant 0 : i32
      %dma_wait3A_31 = arith.constant 0 : i32
      %dma_wait3A_32 = tpu.memref_slice %arg2[%arg0, %arg1, %dma_wait3A, %dma_wait3A_31] : memref<2x16x125x80xi32, #tpu.memory_space<hbm>> -> memref<1x1x125x80xi32, #tpu.memory_space<hbm>>
      %dma_wait3A_33 = tpu.memref_squeeze %dma_wait3A_32 : memref<1x1x125x80xi32, #tpu.memory_space<hbm>> -> memref<125x80xi32, #tpu.memory_space<hbm>>
      %dma_wait3A_34 = arith.constant 0 : i32
      %dma_wait3A_35 = arith.constant 0 : i32
      %dma_wait3A_36 = tpu.memref_slice %arg2[%arg0, %arg1, %dma_wait3A_34, %dma_wait3A_35] : memref<2x16x125x80xi32, #tpu.memory_space<hbm>> -> memref<1x1x125x80xi32, #tpu.memory_space<hbm>>
      %dma_wait3A_37 = tpu.memref_squeeze %dma_wait3A_36 : memref<1x1x125x80xi32, #tpu.memory_space<hbm>> -> memref<125x80xi32, #tpu.memory_space<hbm>>
      tpu.wait_dma2 semaphore(%run_scoped3A : memref<!tpu.dma_semaphore, #tpu.memory_space<semaphore_mem>>) src(%dma_wait3A_37 : memref<125x80xi32, #tpu.memory_space<hbm>>) dst(%arg4 : memref<125x80xi32, #tpu.memory_space<vmem>>)
      tpu.yield
    }) : () -> ()
    %scan3A = arith.constant 0 : i32
    %scan3A_0 = arith.constant 0 : i32
    %scan3A_1 = arith.constant 5 : i32
    %scan3A_2 = arith.addi %scan3A_0, %scan3A_1 : i32
    %scan3A_3 = arith.constant 1 : i32
    %scan3A_4 = scf.for %scan3A_24 = %scan3A_0 to %scan3A_2 step %scan3A_3 iter_args(%scan3A_25 = %scan3A) -> (i32)  : i32 {
      %broadcast_in_dim3A = arith.constant 1.000000e+00 : f32
      %broadcast_in_dim3A_26 = vector.broadcast %broadcast_in_dim3A : f32 to vector<16xf32>
      %mul3A_27 = arith.constant 16 : i32
      %mul3A_28 = arith.muli %scan3A_24, %mul3A_27 : i32
      %multiple_of3A_29 = tpu.assume_multiple %mul3A_28, 16 : i32
      %swap3A = arith.index_cast %multiple_of3A_29 : i32 to index
      %swap3A_30 = tpu.vector_load %arg5[%swap3A] {strides = array<i32>} : memref<80xf32, #tpu.memory_space<vmem>>, vector<16xf32>,
      %swap3A_31 = vector.shape_cast %swap3A_30 : vector<16xf32> to vector<16xf32>
      %swap3A_32 = vector.shape_cast %broadcast_in_dim3A_26 : vector<16xf32> to vector<16xf32>
      tpu.vector_store %arg5[%swap3A], %swap3A_32 {strides = array<i32>} : memref<80xf32, #tpu.memory_space<vmem>>, vector<16xf32>,
      %scan3A_33 = arith.constant 0 : i32
      scf.yield %scan3A_33 : i32
    }
    %scan3A_5 = arith.constant 5 : i32
    %scan3A_6 = arith.constant 0 : i32
    %scan3A_7 = arith.constant 0 : i32
    %scan3A_8 = arith.constant 40 : i32
    %scan3A_9 = arith.addi %scan3A_7, %scan3A_8 : i32
    %scan3A_10 = arith.constant 1 : i32
    %scan3A_11 = scf.for %scan3A_24 = %scan3A_7 to %scan3A_9 step %scan3A_10 iter_args(%scan3A_25 = %scan3A_6) -> (i32)  : i32 {
      %broadcast_in_dim3A = arith.constant 0.000000e+00 : f32
      %broadcast_in_dim3A_26 = vector.broadcast %broadcast_in_dim3A : f32 to vector<16xf32>
      %mul3A_27 = arith.constant 16 : i32
      %mul3A_28 = arith.muli %scan3A_24, %mul3A_27 : i32
      %multiple_of3A_29 = tpu.assume_multiple %mul3A_28, 16 : i32
      %swap3A = arith.index_cast %multiple_of3A_29 : i32 to index
      %swap3A_30 = tpu.vector_load %arg6[%swap3A] {strides = array<i32>} : memref<640xf32, #tpu.memory_space<vmem>>, vector<16xf32>,
      %swap3A_31 = vector.shape_cast %swap3A_30 : vector<16xf32> to vector<16xf32>
      %swap3A_32 = vector.shape_cast %broadcast_in_dim3A_26 : vector<16xf32> to vector<16xf32>
      tpu.vector_store %arg6[%swap3A], %swap3A_32 {strides = array<i32>} : memref<640xf32, #tpu.memory_space<vmem>>, vector<16xf32>,
      %scan3A_33 = arith.constant 0 : i32
      scf.yield %scan3A_33 : i32
    }
    %scan3A_12 = arith.constant 40 : i32
    %mul3A = arith.constant 640 : i32
    %mul3A_13 = arith.muli %arg1, %mul3A : i32
    %multiple_of3A = tpu.assume_multiple %mul3A_13, 8 : i32
    "tpu.region"() ({
      %run_scoped3A = tpu.sem_alloc : memref<!tpu.dma_semaphore, #tpu.memory_space<semaphore_mem>>
      %dma_start3A = tpu.memref_slice %arg7[%multiple_of3A] : memref<10240xf32, #tpu.memory_space<vmem_shared>> -> memref<640xf32, #tpu.memory_space<vmem_shared>>
      %dma_start3A_24 = tpu.memref_slice %arg7[%multiple_of3A] : memref<10240xf32, #tpu.memory_space<vmem_shared>> -> memref<640xf32, #tpu.memory_space<vmem_shared>>
      tpu.enqueue_dma source(%arg6 : memref<640xf32, #tpu.memory_space<vmem>>) target(%dma_start3A_24 : memref<640xf32, #tpu.memory_space<vmem_shared>>) target_semaphore(%run_scoped3A : memref<!tpu.dma_semaphore, #tpu.memory_space<semaphore_mem>>)
      %dma_wait3A = tpu.memref_slice %arg7[%multiple_of3A] : memref<10240xf32, #tpu.memory_space<vmem_shared>> -> memref<640xf32, #tpu.memory_space<vmem_shared>>
      %dma_wait3A_25 = tpu.memref_slice %arg7[%multiple_of3A] : memref<10240xf32, #tpu.memory_space<vmem_shared>> -> memref<640xf32, #tpu.memory_space<vmem_shared>>
      tpu.wait_dma2 semaphore(%run_scoped3A : memref<!tpu.dma_semaphore, #tpu.memory_space<semaphore_mem>>) src(%arg6 : memref<640xf32, #tpu.memory_space<vmem>>) dst(%dma_wait3A_25 : memref<640xf32, #tpu.memory_space<vmem_shared>>)
      tpu.yield
    }) : () -> ()
    %barrier3A = arith.constant 0 : index
    tpu.barrier barrier_id(%barrier3A)
    %scan3A_14 = arith.constant 0 : i32
    %scan3A_15 = arith.constant 0 : i32
    %scan3A_16 = arith.constant 125 : i32
    %scan3A_17 = arith.addi %scan3A_15, %scan3A_16 : i32
    %scan3A_18 = arith.constant 1 : i32
    %scan3A_19 = scf.for %scan3A_24 = %scan3A_15 to %scan3A_17 step %scan3A_18 iter_args(%scan3A_25 = %scan3A_14) -> (i32)  : i32 {
      "tpu.region"() ({
        %run_scoped3A = tpu.sem_alloc : memref<!tpu.dma_semaphore, #tpu.memory_space<semaphore_mem>>
        %dma_start3A = arith.constant 0 : i32
        %dma_start3A_27 = tpu.memref_slice %arg4[%scan3A_24, %dma_start3A] : memref<125x80xi32, #tpu.memory_space<vmem>> -> memref<1x80xi32, #tpu.memory_space<vmem>>
        %dma_start3A_28 = tpu.memref_squeeze %dma_start3A_27 : memref<1x80xi32, #tpu.memory_space<vmem>> -> memref<80xi32, #tpu.memory_space<vmem>>
        %dma_start3A_29 = arith.constant 0 : i32
        %dma_start3A_30 = tpu.memref_slice %arg7[%dma_start3A_29] : memref<10240xf32, #tpu.memory_space<vmem_shared>> -> memref<10240xf32, #tpu.memory_space<vmem_shared>>
        tpu.enqueue_indirect_dma source(%arg5 : memref<80xf32, #tpu.memory_space<vmem>>) target(%dma_start3A_30 : memref<10240xf32, #tpu.memory_space<vmem_shared>>) offsets(%dma_start3A_28 : memref<80xi32, #tpu.memory_space<vmem>>) semaphore(%run_scoped3A : memref<!tpu.dma_semaphore, #tpu.memory_space<semaphore_mem>>) {add = true}
        %dma_wait3A = arith.constant 0 : i32
        %dma_wait3A_31 = tpu.memref_slice %arg4[%scan3A_24, %dma_wait3A] : memref<125x80xi32, #tpu.memory_space<vmem>> -> memref<1x80xi32, #tpu.memory_space<vmem>>
        %dma_wait3A_32 = tpu.memref_squeeze %dma_wait3A_31 : memref<1x80xi32, #tpu.memory_space<vmem>> -> memref<80xi32, #tpu.memory_space<vmem>>
        %dma_wait3A_33 = arith.constant 0 : i32
        %dma_wait3A_34 = tpu.memref_slice %arg7[%dma_wait3A_33] : memref<10240xf32, #tpu.memory_space<vmem_shared>> -> memref<10240xf32, #tpu.memory_space<vmem_shared>>
        tpu.wait_indirect_dma semaphore(%run_scoped3A : memref<!tpu.dma_semaphore, #tpu.memory_space<semaphore_mem>>) src(%arg5 : memref<80xf32, #tpu.memory_space<vmem>>) dst(%dma_wait3A_34 : memref<10240xf32, #tpu.memory_space<vmem_shared>>)
        tpu.yield
      }) : () -> ()
      %scan3A_26 = arith.constant 0 : i32
      scf.yield %scan3A_26 : i32
    }
    %scan3A_20 = arith.constant 125 : i32
    %barrier3A_21 = arith.constant 0 : index
    tpu.barrier barrier_id(%barrier3A_21)
    %eq3A = arith.constant 0 : i32
    %eq3A_22 = arith.cmpi eq, %arg1, %eq3A : i32
    %convert_element_type3A = arith.extui %eq3A_22 : i1 to i32
    %cond3A = arith.constant 0 : i32
    %cond3A_23 = arith.cmpi ne, %convert_element_type3A, %cond3A : i32
    scf.if %cond3A_23 {
      "tpu.region"() ({
        %run_scoped3A = tpu.sem_alloc : memref<!tpu.dma_semaphore, #tpu.memory_space<semaphore_mem>>
        %dma_start3A = arith.constant 0 : i32
        %dma_start3A_24 = tpu.memref_slice %arg3[%arg0, %dma_start3A] : memref<2x10240xf32, #tpu.memory_space<hbm>> -> memref<1x10240xf32, #tpu.memory_space<hbm>>
        %dma_start3A_25 = tpu.memref_squeeze %dma_start3A_24 : memref<1x10240xf32, #tpu.memory_space<hbm>> -> memref<10240xf32, #tpu.memory_space<hbm>>
        tpu.enqueue_dma source(%arg7 : memref<10240xf32, #tpu.memory_space<vmem_shared>>) target(%dma_start3A_25 : memref<10240xf32, #tpu.memory_space<hbm>>) target_semaphore(%run_scoped3A : memref<!tpu.dma_semaphore, #tpu.memory_space<semaphore_mem>>)
        %dma_wait3A = arith.constant 0 : i32
        %dma_wait3A_26 = tpu.memref_slice %arg3[%arg0, %dma_wait3A] : memref<2x10240xf32, #tpu.memory_space<hbm>> -> memref<1x10240xf32, #tpu.memory_space<hbm>>
        %dma_wait3A_27 = tpu.memref_squeeze %dma_wait3A_26 : memref<1x10240xf32, #tpu.memory_space<hbm>> -> memref<10240xf32, #tpu.memory_space<hbm>>
        tpu.wait_dma2 semaphore(%run_scoped3A : memref<!tpu.dma_semaphore, #tpu.memory_space<semaphore_mem>>) src(%arg7 : memref<10240xf32, #tpu.memory_space<vmem_shared>>) dst(%dma_wait3A_27 : memref<10240xf32, #tpu.memory_space<hbm>>)
        tpu.yield
      }) : () -> ()
    } else {
    }
    return
  }
}

#map = affine_map<(d0, d1) -> (0, 0)>
#map1 = affine_map<(d0, d1) -> (0, 0, 0)>
module attributes {stable_mosaic.version = 14 : i64} {
  func.func @_sc_agg(%arg0: i32, %arg1: i32, %arg2: memref<20000x128xf32, #tpu.memory_space<hbm>>, %arg3: memref<2x2560x125xi32, #tpu.memory_space<hbm>>, %arg4: memref<2560x125xi32, #tpu.memory_space<hbm>>, %arg5: memref<10240x128xf32, #tpu.memory_space<hbm>>, %arg6: memref<2x10240x128xf32, #tpu.memory_space<hbm>>, %arg7: memref<16x125xi32, #tpu.memory_space<vmem>>, %arg8: memref<16x125xi32, #tpu.memory_space<vmem>>, %arg9: memref<125x128xf32, #tpu.memory_space<vmem>>, %arg10: memref<125x128xf32, #tpu.memory_space<vmem>>, %arg11: memref<10240x128xf32, #tpu.memory_space<vmem_shared>>, %arg12: memref<!tpu.dma_semaphore, #tpu.memory_space<semaphore_mem>>, %arg13: memref<!tpu.dma_semaphore, #tpu.memory_space<semaphore_mem>>, %arg14: memref<!tpu.dma_semaphore, #tpu.memory_space<semaphore_mem>>, %arg15: memref<!tpu.dma_semaphore, #tpu.memory_space<semaphore_mem>>) attributes {dimension_semantics = [#tpu.dimension_semantics<core_parallel>, #tpu.dimension_semantics<subcore_parallel>], iteration_bounds = array<i64: 2, 16>, scalar_prefetch = 0 : i64, scratch_operands = 9 : i64, tpu.core_type = #tpu.core_type<sc_vector_subcore>, window_params = [{transform_indices = #map}, {transform_indices = #map1}, {transform_indices = #map}, {transform_indices = #map}, {transform_indices = #map1}]} {
    %mul3A = arith.constant 160 : i32
    %mul3A_0 = arith.muli %arg1, %mul3A : i32
    %mul3A_1 = arith.constant 640 : i32
    %mul3A_2 = arith.muli %arg1, %mul3A_1 : i32
    %multiple_of3A = tpu.assume_multiple %mul3A_2, 8 : i32
    "tpu.region"() ({
      %run_scoped3A = tpu.sem_alloc : memref<!tpu.dma_semaphore, #tpu.memory_space<semaphore_mem>>
      %dma_start3A = arith.constant 0 : i32
      %dma_start3A_10 = tpu.memref_slice %arg11[%multiple_of3A, %dma_start3A] : memref<10240x128xf32, #tpu.memory_space<vmem_shared>> -> memref<640x128xf32, #tpu.memory_space<vmem_shared>>
      %dma_start3A_11 = arith.constant 0 : i32
      %dma_start3A_12 = tpu.memref_slice %arg5[%multiple_of3A, %dma_start3A_11] : memref<10240x128xf32, #tpu.memory_space<hbm>> -> memref<640x128xf32, #tpu.memory_space<hbm>>
      tpu.enqueue_dma source(%dma_start3A_12 : memref<640x128xf32, #tpu.memory_space<hbm>>) target(%dma_start3A_10 : memref<640x128xf32, #tpu.memory_space<vmem_shared>>) target_semaphore(%run_scoped3A : memref<!tpu.dma_semaphore, #tpu.memory_space<semaphore_mem>>)
      %dma_wait3A = arith.constant 0 : i32
      %dma_wait3A_13 = tpu.memref_slice %arg11[%multiple_of3A, %dma_wait3A] : memref<10240x128xf32, #tpu.memory_space<vmem_shared>> -> memref<640x128xf32, #tpu.memory_space<vmem_shared>>
      %dma_wait3A_14 = arith.constant 0 : i32
      %dma_wait3A_15 = tpu.memref_slice %arg5[%multiple_of3A, %dma_wait3A_14] : memref<10240x128xf32, #tpu.memory_space<hbm>> -> memref<640x128xf32, #tpu.memory_space<hbm>>
      tpu.wait_dma2 semaphore(%run_scoped3A : memref<!tpu.dma_semaphore, #tpu.memory_space<semaphore_mem>>) src(%dma_wait3A_15 : memref<640x128xf32, #tpu.memory_space<hbm>>) dst(%dma_wait3A_13 : memref<640x128xf32, #tpu.memory_space<vmem_shared>>)
      tpu.yield
    }) : () -> ()
    %barrier3A = arith.constant 0 : index
    tpu.barrier barrier_id(%barrier3A)
    %scan3A = arith.constant 0 : i32
    %scan3A_3 = arith.constant 0 : i32
    %scan3A_4 = arith.constant 10 : i32
    %scan3A_5 = arith.addi %scan3A_3, %scan3A_4 : i32
    %scan3A_6 = arith.constant 1 : i32
    %scan3A_7 = scf.for %scan3A_10 = %scan3A_3 to %scan3A_5 step %scan3A_6 iter_args(%scan3A_11 = %scan3A) -> (i32)  : i32 {
      %mul3A_12 = arith.constant 16 : i32
      %mul3A_13 = arith.muli %scan3A_10, %mul3A_12 : i32
      %add3A = arith.addi %mul3A_0, %mul3A_13 : i32
      %multiple_of3A_14 = tpu.assume_multiple %add3A, 8 : i32
      "tpu.region"() ({
        %run_scoped3A = tpu.sem_alloc : memref<!tpu.dma_semaphore, #tpu.memory_space<semaphore_mem>>
        %dma_start3A_462 = arith.constant 0 : i32
        %dma_start3A_463 = tpu.memref_slice %arg3[%arg0, %multiple_of3A_14, %dma_start3A_462] : memref<2x2560x125xi32, #tpu.memory_space<hbm>> -> memref<1x16x125xi32, #tpu.memory_space<hbm>>
        %dma_start3A_464 = tpu.memref_squeeze %dma_start3A_463 : memref<1x16x125xi32, #tpu.memory_space<hbm>> -> memref<16x125xi32, #tpu.memory_space<hbm>>
        %dma_start3A_465 = arith.constant 0 : i32
        %dma_start3A_466 = tpu.memref_slice %arg3[%arg0, %multiple_of3A_14, %dma_start3A_465] : memref<2x2560x125xi32, #tpu.memory_space<hbm>> -> memref<1x16x125xi32, #tpu.memory_space<hbm>>
        %dma_start3A_467 = tpu.memref_squeeze %dma_start3A_466 : memref<1x16x125xi32, #tpu.memory_space<hbm>> -> memref<16x125xi32, #tpu.memory_space<hbm>>
        tpu.enqueue_dma source(%dma_start3A_467 : memref<16x125xi32, #tpu.memory_space<hbm>>) target(%arg7 : memref<16x125xi32, #tpu.memory_space<vmem>>) target_semaphore(%run_scoped3A : memref<!tpu.dma_semaphore, #tpu.memory_space<semaphore_mem>>)
        %dma_wait3A_468 = arith.constant 0 : i32
        %dma_wait3A_469 = tpu.memref_slice %arg3[%arg0, %multiple_of3A_14, %dma_wait3A_468] : memref<2x2560x125xi32, #tpu.memory_space<hbm>> -> memref<1x16x125xi32, #tpu.memory_space<hbm>>
        %dma_wait3A_470 = tpu.memref_squeeze %dma_wait3A_469 : memref<1x16x125xi32, #tpu.memory_space<hbm>> -> memref<16x125xi32, #tpu.memory_space<hbm>>
        %dma_wait3A_471 = arith.constant 0 : i32
        %dma_wait3A_472 = tpu.memref_slice %arg3[%arg0, %multiple_of3A_14, %dma_wait3A_471] : memref<2x2560x125xi32, #tpu.memory_space<hbm>> -> memref<1x16x125xi32, #tpu.memory_space<hbm>>
        %dma_wait3A_473 = tpu.memref_squeeze %dma_wait3A_472 : memref<1x16x125xi32, #tpu.memory_space<hbm>> -> memref<16x125xi32, #tpu.memory_space<hbm>>
        tpu.wait_dma2 semaphore(%run_scoped3A : memref<!tpu.dma_semaphore, #tpu.memory_space<semaphore_mem>>) src(%dma_wait3A_473 : memref<16x125xi32, #tpu.memory_space<hbm>>) dst(%arg7 : memref<16x125xi32, #tpu.memory_space<vmem>>)
        tpu.yield
      }) : () -> ()
      "tpu.region"() ({
        %run_scoped3A = tpu.sem_alloc : memref<!tpu.dma_semaphore, #tpu.memory_space<semaphore_mem>>
        %dma_start3A_462 = arith.constant 0 : i32
        %dma_start3A_463 = tpu.memref_slice %arg4[%multiple_of3A_14, %dma_start3A_462] : memref<2560x125xi32, #tpu.memory_space<hbm>> -> memref<16x125xi32, #tpu.memory_space<hbm>>
        %dma_start3A_464 = arith.constant 0 : i32
        %dma_start3A_465 = tpu.memref_slice %arg4[%multiple_of3A_14, %dma_start3A_464] : memref<2560x125xi32, #tpu.memory_space<hbm>> -> memref<16x125xi32, #tpu.memory_space<hbm>>
        tpu.enqueue_dma source(%dma_start3A_465 : memref<16x125xi32, #tpu.memory_space<hbm>>) target(%arg8 : memref<16x125xi32, #tpu.memory_space<vmem>>) target_semaphore(%run_scoped3A : memref<!tpu.dma_semaphore, #tpu.memory_space<semaphore_mem>>)
        %dma_wait3A_466 = arith.constant 0 : i32
        %dma_wait3A_467 = tpu.memref_slice %arg4[%multiple_of3A_14, %dma_wait3A_466] : memref<2560x125xi32, #tpu.memory_space<hbm>> -> memref<16x125xi32, #tpu.memory_space<hbm>>
        %dma_wait3A_468 = arith.constant 0 : i32
        %dma_wait3A_469 = tpu.memref_slice %arg4[%multiple_of3A_14, %dma_wait3A_468] : memref<2560x125xi32, #tpu.memory_space<hbm>> -> memref<16x125xi32, #tpu.memory_space<hbm>>
        tpu.wait_dma2 semaphore(%run_scoped3A : memref<!tpu.dma_semaphore, #tpu.memory_space<semaphore_mem>>) src(%dma_wait3A_469 : memref<16x125xi32, #tpu.memory_space<hbm>>) dst(%arg8 : memref<16x125xi32, #tpu.memory_space<vmem>>)
        tpu.yield
      }) : () -> ()
      %dma_start3A = arith.constant 0 : i32
      %dma_start3A_15 = arith.constant 0 : i32
      %dma_start3A_16 = tpu.memref_slice %arg7[%dma_start3A, %dma_start3A_15] : memref<16x125xi32, #tpu.memory_space<vmem>> -> memref<1x125xi32, #tpu.memory_space<vmem>>
      %dma_start3A_17 = tpu.memref_squeeze %dma_start3A_16 : memref<1x125xi32, #tpu.memory_space<vmem>> -> memref<125xi32, #tpu.memory_space<vmem>>
      %dma_start3A_18 = arith.constant 0 : i32
      %dma_start3A_19 = arith.constant 0 : i32
      %dma_start3A_20 = tpu.memref_slice %arg2[%dma_start3A_18, %dma_start3A_19] : memref<20000x128xf32, #tpu.memory_space<hbm>> -> memref<20000x128xf32, #tpu.memory_space<hbm>>
      tpu.enqueue_indirect_dma source(%dma_start3A_20 : memref<20000x128xf32, #tpu.memory_space<hbm>>) target(%arg9 : memref<125x128xf32, #tpu.memory_space<vmem>>) offsets(%dma_start3A_17 : memref<125xi32, #tpu.memory_space<vmem>>) semaphore(%arg12 : memref<!tpu.dma_semaphore, #tpu.memory_space<semaphore_mem>>)
      %dma_start3A_21 = arith.constant 1 : i32
      %dma_start3A_22 = arith.constant 0 : i32
      %dma_start3A_23 = tpu.memref_slice %arg7[%dma_start3A_21, %dma_start3A_22] : memref<16x125xi32, #tpu.memory_space<vmem>> -> memref<1x125xi32, #tpu.memory_space<vmem>>
      %dma_start3A_24 = tpu.memref_squeeze %dma_start3A_23 : memref<1x125xi32, #tpu.memory_space<vmem>> -> memref<125xi32, #tpu.memory_space<vmem>>
      %dma_start3A_25 = arith.constant 0 : i32
      %dma_start3A_26 = arith.constant 0 : i32
      %dma_start3A_27 = tpu.memref_slice %arg2[%dma_start3A_25, %dma_start3A_26] : memref<20000x128xf32, #tpu.memory_space<hbm>> -> memref<20000x128xf32, #tpu.memory_space<hbm>>
      tpu.enqueue_indirect_dma source(%dma_start3A_27 : memref<20000x128xf32, #tpu.memory_space<hbm>>) target(%arg10 : memref<125x128xf32, #tpu.memory_space<vmem>>) offsets(%dma_start3A_24 : memref<125xi32, #tpu.memory_space<vmem>>) semaphore(%arg13 : memref<!tpu.dma_semaphore, #tpu.memory_space<semaphore_mem>>)
      %dma_wait3A = arith.constant 0 : i32
      %dma_wait3A_28 = arith.constant 0 : i32
      %dma_wait3A_29 = tpu.memref_slice %arg7[%dma_wait3A, %dma_wait3A_28] : memref<16x125xi32, #tpu.memory_space<vmem>> -> memref<1x125xi32, #tpu.memory_space<vmem>>
      %dma_wait3A_30 = tpu.memref_squeeze %dma_wait3A_29 : memref<1x125xi32, #tpu.memory_space<vmem>> -> memref<125xi32, #tpu.memory_space<vmem>>
      %dma_wait3A_31 = arith.constant 0 : i32
      %dma_wait3A_32 = arith.constant 0 : i32
      %dma_wait3A_33 = tpu.memref_slice %arg2[%dma_wait3A_31, %dma_wait3A_32] : memref<20000x128xf32, #tpu.memory_space<hbm>> -> memref<20000x128xf32, #tpu.memory_space<hbm>>
      tpu.wait_indirect_dma semaphore(%arg12 : memref<!tpu.dma_semaphore, #tpu.memory_space<semaphore_mem>>) src(%dma_wait3A_33 : memref<20000x128xf32, #tpu.memory_space<hbm>>) dst(%arg9 : memref<125x128xf32, #tpu.memory_space<vmem>>)
      %dma_start3A_34 = arith.constant 0 : i32
      %dma_start3A_35 = arith.constant 0 : i32
      %dma_start3A_36 = tpu.memref_slice %arg8[%dma_start3A_34, %dma_start3A_35] : memref<16x125xi32, #tpu.memory_space<vmem>> -> memref<1x125xi32, #tpu.memory_space<vmem>>
      %dma_start3A_37 = tpu.memref_squeeze %dma_start3A_36 : memref<1x125xi32, #tpu.memory_space<vmem>> -> memref<125xi32, #tpu.memory_space<vmem>>
      %dma_start3A_38 = arith.constant 0 : i32
      %dma_start3A_39 = arith.constant 0 : i32
      %dma_start3A_40 = tpu.memref_slice %arg11[%dma_start3A_38, %dma_start3A_39] : memref<10240x128xf32, #tpu.memory_space<vmem_shared>> -> memref<10240x128xf32, #tpu.memory_space<vmem_shared>>
      tpu.enqueue_indirect_dma source(%arg9 : memref<125x128xf32, #tpu.memory_space<vmem>>) target(%dma_start3A_40 : memref<10240x128xf32, #tpu.memory_space<vmem_shared>>) offsets(%dma_start3A_37 : memref<125xi32, #tpu.memory_space<vmem>>) semaphore(%arg14 : memref<!tpu.dma_semaphore, #tpu.memory_space<semaphore_mem>>) {add = true}
      %dma_wait3A_41 = arith.constant 0 : i32
      %dma_wait3A_42 = arith.constant 0 : i32
      %dma_wait3A_43 = tpu.memref_slice %arg8[%dma_wait3A_41, %dma_wait3A_42] : memref<16x125xi32, #tpu.memory_space<vmem>> -> memref<1x125xi32, #tpu.memory_space<vmem>>
      %dma_wait3A_44 = tpu.memref_squeeze %dma_wait3A_43 : memref<1x125xi32, #tpu.memory_space<vmem>> -> memref<125xi32, #tpu.memory_space<vmem>>
      %dma_wait3A_45 = arith.constant 0 : i32
      %dma_wait3A_46 = arith.constant 0 : i32
      %dma_wait3A_47 = tpu.memref_slice %arg11[%dma_wait3A_45, %dma_wait3A_46] : memref<10240x128xf32, #tpu.memory_space<vmem_shared>> -> memref<10240x128xf32, #tpu.memory_space<vmem_shared>>
      tpu.wait_indirect_dma semaphore(%arg14 : memref<!tpu.dma_semaphore, #tpu.memory_space<semaphore_mem>>) src(%arg9 : memref<125x128xf32, #tpu.memory_space<vmem>>) dst(%dma_wait3A_47 : memref<10240x128xf32, #tpu.memory_space<vmem_shared>>)
      %dma_start3A_48 = arith.constant 2 : i32
      %dma_start3A_49 = arith.constant 0 : i32
      %dma_start3A_50 = tpu.memref_slice %arg7[%dma_start3A_48, %dma_start3A_49] : memref<16x125xi32, #tpu.memory_space<vmem>> -> memref<1x125xi32, #tpu.memory_space<vmem>>
      %dma_start3A_51 = tpu.memref_squeeze %dma_start3A_50 : memref<1x125xi32, #tpu.memory_space<vmem>> -> memref<125xi32, #tpu.memory_space<vmem>>
      %dma_start3A_52 = arith.constant 0 : i32
      %dma_start3A_53 = arith.constant 0 : i32
      %dma_start3A_54 = tpu.memref_slice %arg2[%dma_start3A_52, %dma_start3A_53] : memref<20000x128xf32, #tpu.memory_space<hbm>> -> memref<20000x128xf32, #tpu.memory_space<hbm>>
      tpu.enqueue_indirect_dma source(%dma_start3A_54 : memref<20000x128xf32, #tpu.memory_space<hbm>>) target(%arg9 : memref<125x128xf32, #tpu.memory_space<vmem>>) offsets(%dma_start3A_51 : memref<125xi32, #tpu.memory_space<vmem>>) semaphore(%arg12 : memref<!tpu.dma_semaphore, #tpu.memory_space<semaphore_mem>>)
      %dma_wait3A_55 = arith.constant 1 : i32
      %dma_wait3A_56 = arith.constant 0 : i32
      %dma_wait3A_57 = tpu.memref_slice %arg7[%dma_wait3A_55, %dma_wait3A_56] : memref<16x125xi32, #tpu.memory_space<vmem>> -> memref<1x125xi32, #tpu.memory_space<vmem>>
      %dma_wait3A_58 = tpu.memref_squeeze %dma_wait3A_57 : memref<1x125xi32, #tpu.memory_space<vmem>> -> memref<125xi32, #tpu.memory_space<vmem>>
      %dma_wait3A_59 = arith.constant 0 : i32
      %dma_wait3A_60 = arith.constant 0 : i32
      %dma_wait3A_61 = tpu.memref_slice %arg2[%dma_wait3A_59, %dma_wait3A_60] : memref<20000x128xf32, #tpu.memory_space<hbm>> -> memref<20000x128xf32, #tpu.memory_space<hbm>>
      tpu.wait_indirect_dma semaphore(%arg13 : memref<!tpu.dma_semaphore, #tpu.memory_space<semaphore_mem>>) src(%dma_wait3A_61 : memref<20000x128xf32, #tpu.memory_space<hbm>>) dst(%arg10 : memref<125x128xf32, #tpu.memory_space<vmem>>)
      %dma_start3A_62 = arith.constant 1 : i32
      %dma_start3A_63 = arith.constant 0 : i32
      %dma_start3A_64 = tpu.memref_slice %arg8[%dma_start3A_62, %dma_start3A_63] : memref<16x125xi32, #tpu.memory_space<vmem>> -> memref<1x125xi32, #tpu.memory_space<vmem>>
      %dma_start3A_65 = tpu.memref_squeeze %dma_start3A_64 : memref<1x125xi32, #tpu.memory_space<vmem>> -> memref<125xi32, #tpu.memory_space<vmem>>
      %dma_start3A_66 = arith.constant 0 : i32
      %dma_start3A_67 = arith.constant 0 : i32
      %dma_start3A_68 = tpu.memref_slice %arg11[%dma_start3A_66, %dma_start3A_67] : memref<10240x128xf32, #tpu.memory_space<vmem_shared>> -> memref<10240x128xf32, #tpu.memory_space<vmem_shared>>
      tpu.enqueue_indirect_dma source(%arg10 : memref<125x128xf32, #tpu.memory_space<vmem>>) target(%dma_start3A_68 : memref<10240x128xf32, #tpu.memory_space<vmem_shared>>) offsets(%dma_start3A_65 : memref<125xi32, #tpu.memory_space<vmem>>) semaphore(%arg15 : memref<!tpu.dma_semaphore, #tpu.memory_space<semaphore_mem>>) {add = true}
      %dma_wait3A_69 = arith.constant 1 : i32
      %dma_wait3A_70 = arith.constant 0 : i32
      %dma_wait3A_71 = tpu.memref_slice %arg8[%dma_wait3A_69, %dma_wait3A_70] : memref<16x125xi32, #tpu.memory_space<vmem>> -> memref<1x125xi32, #tpu.memory_space<vmem>>
      %dma_wait3A_72 = tpu.memref_squeeze %dma_wait3A_71 : memref<1x125xi32, #tpu.memory_space<vmem>> -> memref<125xi32, #tpu.memory_space<vmem>>
      %dma_wait3A_73 = arith.constant 0 : i32
      %dma_wait3A_74 = arith.constant 0 : i32
      %dma_wait3A_75 = tpu.memref_slice %arg11[%dma_wait3A_73, %dma_wait3A_74] : memref<10240x128xf32, #tpu.memory_space<vmem_shared>> -> memref<10240x128xf32, #tpu.memory_space<vmem_shared>>
      tpu.wait_indirect_dma semaphore(%arg15 : memref<!tpu.dma_semaphore, #tpu.memory_space<semaphore_mem>>) src(%arg10 : memref<125x128xf32, #tpu.memory_space<vmem>>) dst(%dma_wait3A_75 : memref<10240x128xf32, #tpu.memory_space<vmem_shared>>)
      %dma_start3A_76 = arith.constant 3 : i32
      %dma_start3A_77 = arith.constant 0 : i32
      %dma_start3A_78 = tpu.memref_slice %arg7[%dma_start3A_76, %dma_start3A_77] : memref<16x125xi32, #tpu.memory_space<vmem>> -> memref<1x125xi32, #tpu.memory_space<vmem>>
      %dma_start3A_79 = tpu.memref_squeeze %dma_start3A_78 : memref<1x125xi32, #tpu.memory_space<vmem>> -> memref<125xi32, #tpu.memory_space<vmem>>
      %dma_start3A_80 = arith.constant 0 : i32
      %dma_start3A_81 = arith.constant 0 : i32
      %dma_start3A_82 = tpu.memref_slice %arg2[%dma_start3A_80, %dma_start3A_81] : memref<20000x128xf32, #tpu.memory_space<hbm>> -> memref<20000x128xf32, #tpu.memory_space<hbm>>
      tpu.enqueue_indirect_dma source(%dma_start3A_82 : memref<20000x128xf32, #tpu.memory_space<hbm>>) target(%arg10 : memref<125x128xf32, #tpu.memory_space<vmem>>) offsets(%dma_start3A_79 : memref<125xi32, #tpu.memory_space<vmem>>) semaphore(%arg13 : memref<!tpu.dma_semaphore, #tpu.memory_space<semaphore_mem>>)
      %dma_wait3A_83 = arith.constant 2 : i32
      %dma_wait3A_84 = arith.constant 0 : i32
      %dma_wait3A_85 = tpu.memref_slice %arg7[%dma_wait3A_83, %dma_wait3A_84] : memref<16x125xi32, #tpu.memory_space<vmem>> -> memref<1x125xi32, #tpu.memory_space<vmem>>
      %dma_wait3A_86 = tpu.memref_squeeze %dma_wait3A_85 : memref<1x125xi32, #tpu.memory_space<vmem>> -> memref<125xi32, #tpu.memory_space<vmem>>
      %dma_wait3A_87 = arith.constant 0 : i32
      %dma_wait3A_88 = arith.constant 0 : i32
      %dma_wait3A_89 = tpu.memref_slice %arg2[%dma_wait3A_87, %dma_wait3A_88] : memref<20000x128xf32, #tpu.memory_space<hbm>> -> memref<20000x128xf32, #tpu.memory_space<hbm>>
      tpu.wait_indirect_dma semaphore(%arg12 : memref<!tpu.dma_semaphore, #tpu.memory_space<semaphore_mem>>) src(%dma_wait3A_89 : memref<20000x128xf32, #tpu.memory_space<hbm>>) dst(%arg9 : memref<125x128xf32, #tpu.memory_space<vmem>>)
      %dma_start3A_90 = arith.constant 2 : i32
      %dma_start3A_91 = arith.constant 0 : i32
      %dma_start3A_92 = tpu.memref_slice %arg8[%dma_start3A_90, %dma_start3A_91] : memref<16x125xi32, #tpu.memory_space<vmem>> -> memref<1x125xi32, #tpu.memory_space<vmem>>
      %dma_start3A_93 = tpu.memref_squeeze %dma_start3A_92 : memref<1x125xi32, #tpu.memory_space<vmem>> -> memref<125xi32, #tpu.memory_space<vmem>>
      %dma_start3A_94 = arith.constant 0 : i32
      %dma_start3A_95 = arith.constant 0 : i32
      %dma_start3A_96 = tpu.memref_slice %arg11[%dma_start3A_94, %dma_start3A_95] : memref<10240x128xf32, #tpu.memory_space<vmem_shared>> -> memref<10240x128xf32, #tpu.memory_space<vmem_shared>>
      tpu.enqueue_indirect_dma source(%arg9 : memref<125x128xf32, #tpu.memory_space<vmem>>) target(%dma_start3A_96 : memref<10240x128xf32, #tpu.memory_space<vmem_shared>>) offsets(%dma_start3A_93 : memref<125xi32, #tpu.memory_space<vmem>>) semaphore(%arg14 : memref<!tpu.dma_semaphore, #tpu.memory_space<semaphore_mem>>) {add = true}
      %dma_wait3A_97 = arith.constant 2 : i32
      %dma_wait3A_98 = arith.constant 0 : i32
      %dma_wait3A_99 = tpu.memref_slice %arg8[%dma_wait3A_97, %dma_wait3A_98] : memref<16x125xi32, #tpu.memory_space<vmem>> -> memref<1x125xi32, #tpu.memory_space<vmem>>
      %dma_wait3A_100 = tpu.memref_squeeze %dma_wait3A_99 : memref<1x125xi32, #tpu.memory_space<vmem>> -> memref<125xi32, #tpu.memory_space<vmem>>
      %dma_wait3A_101 = arith.constant 0 : i32
      %dma_wait3A_102 = arith.constant 0 : i32
      %dma_wait3A_103 = tpu.memref_slice %arg11[%dma_wait3A_101, %dma_wait3A_102] : memref<10240x128xf32, #tpu.memory_space<vmem_shared>> -> memref<10240x128xf32, #tpu.memory_space<vmem_shared>>
      tpu.wait_indirect_dma semaphore(%arg14 : memref<!tpu.dma_semaphore, #tpu.memory_space<semaphore_mem>>) src(%arg9 : memref<125x128xf32, #tpu.memory_space<vmem>>) dst(%dma_wait3A_103 : memref<10240x128xf32, #tpu.memory_space<vmem_shared>>)
      %dma_start3A_104 = arith.constant 4 : i32
      %dma_start3A_105 = arith.constant 0 : i32
      %dma_start3A_106 = tpu.memref_slice %arg7[%dma_start3A_104, %dma_start3A_105] : memref<16x125xi32, #tpu.memory_space<vmem>> -> memref<1x125xi32, #tpu.memory_space<vmem>>
      %dma_start3A_107 = tpu.memref_squeeze %dma_start3A_106 : memref<1x125xi32, #tpu.memory_space<vmem>> -> memref<125xi32, #tpu.memory_space<vmem>>
      %dma_start3A_108 = arith.constant 0 : i32
      %dma_start3A_109 = arith.constant 0 : i32
      %dma_start3A_110 = tpu.memref_slice %arg2[%dma_start3A_108, %dma_start3A_109] : memref<20000x128xf32, #tpu.memory_space<hbm>> -> memref<20000x128xf32, #tpu.memory_space<hbm>>
      tpu.enqueue_indirect_dma source(%dma_start3A_110 : memref<20000x128xf32, #tpu.memory_space<hbm>>) target(%arg9 : memref<125x128xf32, #tpu.memory_space<vmem>>) offsets(%dma_start3A_107 : memref<125xi32, #tpu.memory_space<vmem>>) semaphore(%arg12 : memref<!tpu.dma_semaphore, #tpu.memory_space<semaphore_mem>>)
      %dma_wait3A_111 = arith.constant 3 : i32
      %dma_wait3A_112 = arith.constant 0 : i32
      %dma_wait3A_113 = tpu.memref_slice %arg7[%dma_wait3A_111, %dma_wait3A_112] : memref<16x125xi32, #tpu.memory_space<vmem>> -> memref<1x125xi32, #tpu.memory_space<vmem>>
      %dma_wait3A_114 = tpu.memref_squeeze %dma_wait3A_113 : memref<1x125xi32, #tpu.memory_space<vmem>> -> memref<125xi32, #tpu.memory_space<vmem>>
      %dma_wait3A_115 = arith.constant 0 : i32
      %dma_wait3A_116 = arith.constant 0 : i32
      %dma_wait3A_117 = tpu.memref_slice %arg2[%dma_wait3A_115, %dma_wait3A_116] : memref<20000x128xf32, #tpu.memory_space<hbm>> -> memref<20000x128xf32, #tpu.memory_space<hbm>>
      tpu.wait_indirect_dma semaphore(%arg13 : memref<!tpu.dma_semaphore, #tpu.memory_space<semaphore_mem>>) src(%dma_wait3A_117 : memref<20000x128xf32, #tpu.memory_space<hbm>>) dst(%arg10 : memref<125x128xf32, #tpu.memory_space<vmem>>)
      %dma_start3A_118 = arith.constant 3 : i32
      %dma_start3A_119 = arith.constant 0 : i32
      %dma_start3A_120 = tpu.memref_slice %arg8[%dma_start3A_118, %dma_start3A_119] : memref<16x125xi32, #tpu.memory_space<vmem>> -> memref<1x125xi32, #tpu.memory_space<vmem>>
      %dma_start3A_121 = tpu.memref_squeeze %dma_start3A_120 : memref<1x125xi32, #tpu.memory_space<vmem>> -> memref<125xi32, #tpu.memory_space<vmem>>
      %dma_start3A_122 = arith.constant 0 : i32
      %dma_start3A_123 = arith.constant 0 : i32
      %dma_start3A_124 = tpu.memref_slice %arg11[%dma_start3A_122, %dma_start3A_123] : memref<10240x128xf32, #tpu.memory_space<vmem_shared>> -> memref<10240x128xf32, #tpu.memory_space<vmem_shared>>
      tpu.enqueue_indirect_dma source(%arg10 : memref<125x128xf32, #tpu.memory_space<vmem>>) target(%dma_start3A_124 : memref<10240x128xf32, #tpu.memory_space<vmem_shared>>) offsets(%dma_start3A_121 : memref<125xi32, #tpu.memory_space<vmem>>) semaphore(%arg15 : memref<!tpu.dma_semaphore, #tpu.memory_space<semaphore_mem>>) {add = true}
      %dma_wait3A_125 = arith.constant 3 : i32
      %dma_wait3A_126 = arith.constant 0 : i32
      %dma_wait3A_127 = tpu.memref_slice %arg8[%dma_wait3A_125, %dma_wait3A_126] : memref<16x125xi32, #tpu.memory_space<vmem>> -> memref<1x125xi32, #tpu.memory_space<vmem>>
      %dma_wait3A_128 = tpu.memref_squeeze %dma_wait3A_127 : memref<1x125xi32, #tpu.memory_space<vmem>> -> memref<125xi32, #tpu.memory_space<vmem>>
      %dma_wait3A_129 = arith.constant 0 : i32
      %dma_wait3A_130 = arith.constant 0 : i32
      %dma_wait3A_131 = tpu.memref_slice %arg11[%dma_wait3A_129, %dma_wait3A_130] : memref<10240x128xf32, #tpu.memory_space<vmem_shared>> -> memref<10240x128xf32, #tpu.memory_space<vmem_shared>>
      tpu.wait_indirect_dma semaphore(%arg15 : memref<!tpu.dma_semaphore, #tpu.memory_space<semaphore_mem>>) src(%arg10 : memref<125x128xf32, #tpu.memory_space<vmem>>) dst(%dma_wait3A_131 : memref<10240x128xf32, #tpu.memory_space<vmem_shared>>)
      %dma_start3A_132 = arith.constant 5 : i32
      %dma_start3A_133 = arith.constant 0 : i32
      %dma_start3A_134 = tpu.memref_slice %arg7[%dma_start3A_132, %dma_start3A_133] : memref<16x125xi32, #tpu.memory_space<vmem>> -> memref<1x125xi32, #tpu.memory_space<vmem>>
      %dma_start3A_135 = tpu.memref_squeeze %dma_start3A_134 : memref<1x125xi32, #tpu.memory_space<vmem>> -> memref<125xi32, #tpu.memory_space<vmem>>
      %dma_start3A_136 = arith.constant 0 : i32
      %dma_start3A_137 = arith.constant 0 : i32
      %dma_start3A_138 = tpu.memref_slice %arg2[%dma_start3A_136, %dma_start3A_137] : memref<20000x128xf32, #tpu.memory_space<hbm>> -> memref<20000x128xf32, #tpu.memory_space<hbm>>
      tpu.enqueue_indirect_dma source(%dma_start3A_138 : memref<20000x128xf32, #tpu.memory_space<hbm>>) target(%arg10 : memref<125x128xf32, #tpu.memory_space<vmem>>) offsets(%dma_start3A_135 : memref<125xi32, #tpu.memory_space<vmem>>) semaphore(%arg13 : memref<!tpu.dma_semaphore, #tpu.memory_space<semaphore_mem>>)
      %dma_wait3A_139 = arith.constant 4 : i32
      %dma_wait3A_140 = arith.constant 0 : i32
      %dma_wait3A_141 = tpu.memref_slice %arg7[%dma_wait3A_139, %dma_wait3A_140] : memref<16x125xi32, #tpu.memory_space<vmem>> -> memref<1x125xi32, #tpu.memory_space<vmem>>
      %dma_wait3A_142 = tpu.memref_squeeze %dma_wait3A_141 : memref<1x125xi32, #tpu.memory_space<vmem>> -> memref<125xi32, #tpu.memory_space<vmem>>
      %dma_wait3A_143 = arith.constant 0 : i32
      %dma_wait3A_144 = arith.constant 0 : i32
      %dma_wait3A_145 = tpu.memref_slice %arg2[%dma_wait3A_143, %dma_wait3A_144] : memref<20000x128xf32, #tpu.memory_space<hbm>> -> memref<20000x128xf32, #tpu.memory_space<hbm>>
      tpu.wait_indirect_dma semaphore(%arg12 : memref<!tpu.dma_semaphore, #tpu.memory_space<semaphore_mem>>) src(%dma_wait3A_145 : memref<20000x128xf32, #tpu.memory_space<hbm>>) dst(%arg9 : memref<125x128xf32, #tpu.memory_space<vmem>>)
      %dma_start3A_146 = arith.constant 4 : i32
      %dma_start3A_147 = arith.constant 0 : i32
      %dma_start3A_148 = tpu.memref_slice %arg8[%dma_start3A_146, %dma_start3A_147] : memref<16x125xi32, #tpu.memory_space<vmem>> -> memref<1x125xi32, #tpu.memory_space<vmem>>
      %dma_start3A_149 = tpu.memref_squeeze %dma_start3A_148 : memref<1x125xi32, #tpu.memory_space<vmem>> -> memref<125xi32, #tpu.memory_space<vmem>>
      %dma_start3A_150 = arith.constant 0 : i32
      %dma_start3A_151 = arith.constant 0 : i32
      %dma_start3A_152 = tpu.memref_slice %arg11[%dma_start3A_150, %dma_start3A_151] : memref<10240x128xf32, #tpu.memory_space<vmem_shared>> -> memref<10240x128xf32, #tpu.memory_space<vmem_shared>>
      tpu.enqueue_indirect_dma source(%arg9 : memref<125x128xf32, #tpu.memory_space<vmem>>) target(%dma_start3A_152 : memref<10240x128xf32, #tpu.memory_space<vmem_shared>>) offsets(%dma_start3A_149 : memref<125xi32, #tpu.memory_space<vmem>>) semaphore(%arg14 : memref<!tpu.dma_semaphore, #tpu.memory_space<semaphore_mem>>) {add = true}
      %dma_wait3A_153 = arith.constant 4 : i32
      %dma_wait3A_154 = arith.constant 0 : i32
      %dma_wait3A_155 = tpu.memref_slice %arg8[%dma_wait3A_153, %dma_wait3A_154] : memref<16x125xi32, #tpu.memory_space<vmem>> -> memref<1x125xi32, #tpu.memory_space<vmem>>
      %dma_wait3A_156 = tpu.memref_squeeze %dma_wait3A_155 : memref<1x125xi32, #tpu.memory_space<vmem>> -> memref<125xi32, #tpu.memory_space<vmem>>
      %dma_wait3A_157 = arith.constant 0 : i32
      %dma_wait3A_158 = arith.constant 0 : i32
      %dma_wait3A_159 = tpu.memref_slice %arg11[%dma_wait3A_157, %dma_wait3A_158] : memref<10240x128xf32, #tpu.memory_space<vmem_shared>> -> memref<10240x128xf32, #tpu.memory_space<vmem_shared>>
      tpu.wait_indirect_dma semaphore(%arg14 : memref<!tpu.dma_semaphore, #tpu.memory_space<semaphore_mem>>) src(%arg9 : memref<125x128xf32, #tpu.memory_space<vmem>>) dst(%dma_wait3A_159 : memref<10240x128xf32, #tpu.memory_space<vmem_shared>>)
      %dma_start3A_160 = arith.constant 6 : i32
      %dma_start3A_161 = arith.constant 0 : i32
      %dma_start3A_162 = tpu.memref_slice %arg7[%dma_start3A_160, %dma_start3A_161] : memref<16x125xi32, #tpu.memory_space<vmem>> -> memref<1x125xi32, #tpu.memory_space<vmem>>
      %dma_start3A_163 = tpu.memref_squeeze %dma_start3A_162 : memref<1x125xi32, #tpu.memory_space<vmem>> -> memref<125xi32, #tpu.memory_space<vmem>>
      %dma_start3A_164 = arith.constant 0 : i32
      %dma_start3A_165 = arith.constant 0 : i32
      %dma_start3A_166 = tpu.memref_slice %arg2[%dma_start3A_164, %dma_start3A_165] : memref<20000x128xf32, #tpu.memory_space<hbm>> -> memref<20000x128xf32, #tpu.memory_space<hbm>>
      tpu.enqueue_indirect_dma source(%dma_start3A_166 : memref<20000x128xf32, #tpu.memory_space<hbm>>) target(%arg9 : memref<125x128xf32, #tpu.memory_space<vmem>>) offsets(%dma_start3A_163 : memref<125xi32, #tpu.memory_space<vmem>>) semaphore(%arg12 : memref<!tpu.dma_semaphore, #tpu.memory_space<semaphore_mem>>)
      %dma_wait3A_167 = arith.constant 5 : i32
      %dma_wait3A_168 = arith.constant 0 : i32
      %dma_wait3A_169 = tpu.memref_slice %arg7[%dma_wait3A_167, %dma_wait3A_168] : memref<16x125xi32, #tpu.memory_space<vmem>> -> memref<1x125xi32, #tpu.memory_space<vmem>>
      %dma_wait3A_170 = tpu.memref_squeeze %dma_wait3A_169 : memref<1x125xi32, #tpu.memory_space<vmem>> -> memref<125xi32, #tpu.memory_space<vmem>>
      %dma_wait3A_171 = arith.constant 0 : i32
      %dma_wait3A_172 = arith.constant 0 : i32
      %dma_wait3A_173 = tpu.memref_slice %arg2[%dma_wait3A_171, %dma_wait3A_172] : memref<20000x128xf32, #tpu.memory_space<hbm>> -> memref<20000x128xf32, #tpu.memory_space<hbm>>
      tpu.wait_indirect_dma semaphore(%arg13 : memref<!tpu.dma_semaphore, #tpu.memory_space<semaphore_mem>>) src(%dma_wait3A_173 : memref<20000x128xf32, #tpu.memory_space<hbm>>) dst(%arg10 : memref<125x128xf32, #tpu.memory_space<vmem>>)
      %dma_start3A_174 = arith.constant 5 : i32
      %dma_start3A_175 = arith.constant 0 : i32
      %dma_start3A_176 = tpu.memref_slice %arg8[%dma_start3A_174, %dma_start3A_175] : memref<16x125xi32, #tpu.memory_space<vmem>> -> memref<1x125xi32, #tpu.memory_space<vmem>>
      %dma_start3A_177 = tpu.memref_squeeze %dma_start3A_176 : memref<1x125xi32, #tpu.memory_space<vmem>> -> memref<125xi32, #tpu.memory_space<vmem>>
      %dma_start3A_178 = arith.constant 0 : i32
      %dma_start3A_179 = arith.constant 0 : i32
      %dma_start3A_180 = tpu.memref_slice %arg11[%dma_start3A_178, %dma_start3A_179] : memref<10240x128xf32, #tpu.memory_space<vmem_shared>> -> memref<10240x128xf32, #tpu.memory_space<vmem_shared>>
      tpu.enqueue_indirect_dma source(%arg10 : memref<125x128xf32, #tpu.memory_space<vmem>>) target(%dma_start3A_180 : memref<10240x128xf32, #tpu.memory_space<vmem_shared>>) offsets(%dma_start3A_177 : memref<125xi32, #tpu.memory_space<vmem>>) semaphore(%arg15 : memref<!tpu.dma_semaphore, #tpu.memory_space<semaphore_mem>>) {add = true}
      %dma_wait3A_181 = arith.constant 5 : i32
      %dma_wait3A_182 = arith.constant 0 : i32
      %dma_wait3A_183 = tpu.memref_slice %arg8[%dma_wait3A_181, %dma_wait3A_182] : memref<16x125xi32, #tpu.memory_space<vmem>> -> memref<1x125xi32, #tpu.memory_space<vmem>>
      %dma_wait3A_184 = tpu.memref_squeeze %dma_wait3A_183 : memref<1x125xi32, #tpu.memory_space<vmem>> -> memref<125xi32, #tpu.memory_space<vmem>>
      %dma_wait3A_185 = arith.constant 0 : i32
      %dma_wait3A_186 = arith.constant 0 : i32
      %dma_wait3A_187 = tpu.memref_slice %arg11[%dma_wait3A_185, %dma_wait3A_186] : memref<10240x128xf32, #tpu.memory_space<vmem_shared>> -> memref<10240x128xf32, #tpu.memory_space<vmem_shared>>
      tpu.wait_indirect_dma semaphore(%arg15 : memref<!tpu.dma_semaphore, #tpu.memory_space<semaphore_mem>>) src(%arg10 : memref<125x128xf32, #tpu.memory_space<vmem>>) dst(%dma_wait3A_187 : memref<10240x128xf32, #tpu.memory_space<vmem_shared>>)
      %dma_start3A_188 = arith.constant 7 : i32
      %dma_start3A_189 = arith.constant 0 : i32
      %dma_start3A_190 = tpu.memref_slice %arg7[%dma_start3A_188, %dma_start3A_189] : memref<16x125xi32, #tpu.memory_space<vmem>> -> memref<1x125xi32, #tpu.memory_space<vmem>>
      %dma_start3A_191 = tpu.memref_squeeze %dma_start3A_190 : memref<1x125xi32, #tpu.memory_space<vmem>> -> memref<125xi32, #tpu.memory_space<vmem>>
      %dma_start3A_192 = arith.constant 0 : i32
      %dma_start3A_193 = arith.constant 0 : i32
      %dma_start3A_194 = tpu.memref_slice %arg2[%dma_start3A_192, %dma_start3A_193] : memref<20000x128xf32, #tpu.memory_space<hbm>> -> memref<20000x128xf32, #tpu.memory_space<hbm>>
      tpu.enqueue_indirect_dma source(%dma_start3A_194 : memref<20000x128xf32, #tpu.memory_space<hbm>>) target(%arg10 : memref<125x128xf32, #tpu.memory_space<vmem>>) offsets(%dma_start3A_191 : memref<125xi32, #tpu.memory_space<vmem>>) semaphore(%arg13 : memref<!tpu.dma_semaphore, #tpu.memory_space<semaphore_mem>>)
      %dma_wait3A_195 = arith.constant 6 : i32
      %dma_wait3A_196 = arith.constant 0 : i32
      %dma_wait3A_197 = tpu.memref_slice %arg7[%dma_wait3A_195, %dma_wait3A_196] : memref<16x125xi32, #tpu.memory_space<vmem>> -> memref<1x125xi32, #tpu.memory_space<vmem>>
      %dma_wait3A_198 = tpu.memref_squeeze %dma_wait3A_197 : memref<1x125xi32, #tpu.memory_space<vmem>> -> memref<125xi32, #tpu.memory_space<vmem>>
      %dma_wait3A_199 = arith.constant 0 : i32
      %dma_wait3A_200 = arith.constant 0 : i32
      %dma_wait3A_201 = tpu.memref_slice %arg2[%dma_wait3A_199, %dma_wait3A_200] : memref<20000x128xf32, #tpu.memory_space<hbm>> -> memref<20000x128xf32, #tpu.memory_space<hbm>>
      tpu.wait_indirect_dma semaphore(%arg12 : memref<!tpu.dma_semaphore, #tpu.memory_space<semaphore_mem>>) src(%dma_wait3A_201 : memref<20000x128xf32, #tpu.memory_space<hbm>>) dst(%arg9 : memref<125x128xf32, #tpu.memory_space<vmem>>)
      %dma_start3A_202 = arith.constant 6 : i32
      %dma_start3A_203 = arith.constant 0 : i32
      %dma_start3A_204 = tpu.memref_slice %arg8[%dma_start3A_202, %dma_start3A_203] : memref<16x125xi32, #tpu.memory_space<vmem>> -> memref<1x125xi32, #tpu.memory_space<vmem>>
      %dma_start3A_205 = tpu.memref_squeeze %dma_start3A_204 : memref<1x125xi32, #tpu.memory_space<vmem>> -> memref<125xi32, #tpu.memory_space<vmem>>
      %dma_start3A_206 = arith.constant 0 : i32
      %dma_start3A_207 = arith.constant 0 : i32
      %dma_start3A_208 = tpu.memref_slice %arg11[%dma_start3A_206, %dma_start3A_207] : memref<10240x128xf32, #tpu.memory_space<vmem_shared>> -> memref<10240x128xf32, #tpu.memory_space<vmem_shared>>
      tpu.enqueue_indirect_dma source(%arg9 : memref<125x128xf32, #tpu.memory_space<vmem>>) target(%dma_start3A_208 : memref<10240x128xf32, #tpu.memory_space<vmem_shared>>) offsets(%dma_start3A_205 : memref<125xi32, #tpu.memory_space<vmem>>) semaphore(%arg14 : memref<!tpu.dma_semaphore, #tpu.memory_space<semaphore_mem>>) {add = true}
      %dma_wait3A_209 = arith.constant 6 : i32
      %dma_wait3A_210 = arith.constant 0 : i32
      %dma_wait3A_211 = tpu.memref_slice %arg8[%dma_wait3A_209, %dma_wait3A_210] : memref<16x125xi32, #tpu.memory_space<vmem>> -> memref<1x125xi32, #tpu.memory_space<vmem>>
      %dma_wait3A_212 = tpu.memref_squeeze %dma_wait3A_211 : memref<1x125xi32, #tpu.memory_space<vmem>> -> memref<125xi32, #tpu.memory_space<vmem>>
      %dma_wait3A_213 = arith.constant 0 : i32
      %dma_wait3A_214 = arith.constant 0 : i32
      %dma_wait3A_215 = tpu.memref_slice %arg11[%dma_wait3A_213, %dma_wait3A_214] : memref<10240x128xf32, #tpu.memory_space<vmem_shared>> -> memref<10240x128xf32, #tpu.memory_space<vmem_shared>>
      tpu.wait_indirect_dma semaphore(%arg14 : memref<!tpu.dma_semaphore, #tpu.memory_space<semaphore_mem>>) src(%arg9 : memref<125x128xf32, #tpu.memory_space<vmem>>) dst(%dma_wait3A_215 : memref<10240x128xf32, #tpu.memory_space<vmem_shared>>)
      %dma_start3A_216 = arith.constant 8 : i32
      %dma_start3A_217 = arith.constant 0 : i32
      %dma_start3A_218 = tpu.memref_slice %arg7[%dma_start3A_216, %dma_start3A_217] : memref<16x125xi32, #tpu.memory_space<vmem>> -> memref<1x125xi32, #tpu.memory_space<vmem>>
      %dma_start3A_219 = tpu.memref_squeeze %dma_start3A_218 : memref<1x125xi32, #tpu.memory_space<vmem>> -> memref<125xi32, #tpu.memory_space<vmem>>
      %dma_start3A_220 = arith.constant 0 : i32
      %dma_start3A_221 = arith.constant 0 : i32
      %dma_start3A_222 = tpu.memref_slice %arg2[%dma_start3A_220, %dma_start3A_221] : memref<20000x128xf32, #tpu.memory_space<hbm>> -> memref<20000x128xf32, #tpu.memory_space<hbm>>
      tpu.enqueue_indirect_dma source(%dma_start3A_222 : memref<20000x128xf32, #tpu.memory_space<hbm>>) target(%arg9 : memref<125x128xf32, #tpu.memory_space<vmem>>) offsets(%dma_start3A_219 : memref<125xi32, #tpu.memory_space<vmem>>) semaphore(%arg12 : memref<!tpu.dma_semaphore, #tpu.memory_space<semaphore_mem>>)
      %dma_wait3A_223 = arith.constant 7 : i32
      %dma_wait3A_224 = arith.constant 0 : i32
      %dma_wait3A_225 = tpu.memref_slice %arg7[%dma_wait3A_223, %dma_wait3A_224] : memref<16x125xi32, #tpu.memory_space<vmem>> -> memref<1x125xi32, #tpu.memory_space<vmem>>
      %dma_wait3A_226 = tpu.memref_squeeze %dma_wait3A_225 : memref<1x125xi32, #tpu.memory_space<vmem>> -> memref<125xi32, #tpu.memory_space<vmem>>
      %dma_wait3A_227 = arith.constant 0 : i32
      %dma_wait3A_228 = arith.constant 0 : i32
      %dma_wait3A_229 = tpu.memref_slice %arg2[%dma_wait3A_227, %dma_wait3A_228] : memref<20000x128xf32, #tpu.memory_space<hbm>> -> memref<20000x128xf32, #tpu.memory_space<hbm>>
      tpu.wait_indirect_dma semaphore(%arg13 : memref<!tpu.dma_semaphore, #tpu.memory_space<semaphore_mem>>) src(%dma_wait3A_229 : memref<20000x128xf32, #tpu.memory_space<hbm>>) dst(%arg10 : memref<125x128xf32, #tpu.memory_space<vmem>>)
      %dma_start3A_230 = arith.constant 7 : i32
      %dma_start3A_231 = arith.constant 0 : i32
      %dma_start3A_232 = tpu.memref_slice %arg8[%dma_start3A_230, %dma_start3A_231] : memref<16x125xi32, #tpu.memory_space<vmem>> -> memref<1x125xi32, #tpu.memory_space<vmem>>
      %dma_start3A_233 = tpu.memref_squeeze %dma_start3A_232 : memref<1x125xi32, #tpu.memory_space<vmem>> -> memref<125xi32, #tpu.memory_space<vmem>>
      %dma_start3A_234 = arith.constant 0 : i32
      %dma_start3A_235 = arith.constant 0 : i32
      %dma_start3A_236 = tpu.memref_slice %arg11[%dma_start3A_234, %dma_start3A_235] : memref<10240x128xf32, #tpu.memory_space<vmem_shared>> -> memref<10240x128xf32, #tpu.memory_space<vmem_shared>>
      tpu.enqueue_indirect_dma source(%arg10 : memref<125x128xf32, #tpu.memory_space<vmem>>) target(%dma_start3A_236 : memref<10240x128xf32, #tpu.memory_space<vmem_shared>>) offsets(%dma_start3A_233 : memref<125xi32, #tpu.memory_space<vmem>>) semaphore(%arg15 : memref<!tpu.dma_semaphore, #tpu.memory_space<semaphore_mem>>) {add = true}
      %dma_wait3A_237 = arith.constant 7 : i32
      %dma_wait3A_238 = arith.constant 0 : i32
      %dma_wait3A_239 = tpu.memref_slice %arg8[%dma_wait3A_237, %dma_wait3A_238] : memref<16x125xi32, #tpu.memory_space<vmem>> -> memref<1x125xi32, #tpu.memory_space<vmem>>
      %dma_wait3A_240 = tpu.memref_squeeze %dma_wait3A_239 : memref<1x125xi32, #tpu.memory_space<vmem>> -> memref<125xi32, #tpu.memory_space<vmem>>
      %dma_wait3A_241 = arith.constant 0 : i32
      %dma_wait3A_242 = arith.constant 0 : i32
      %dma_wait3A_243 = tpu.memref_slice %arg11[%dma_wait3A_241, %dma_wait3A_242] : memref<10240x128xf32, #tpu.memory_space<vmem_shared>> -> memref<10240x128xf32, #tpu.memory_space<vmem_shared>>
      tpu.wait_indirect_dma semaphore(%arg15 : memref<!tpu.dma_semaphore, #tpu.memory_space<semaphore_mem>>) src(%arg10 : memref<125x128xf32, #tpu.memory_space<vmem>>) dst(%dma_wait3A_243 : memref<10240x128xf32, #tpu.memory_space<vmem_shared>>)
      %dma_start3A_244 = arith.constant 9 : i32
      %dma_start3A_245 = arith.constant 0 : i32
      %dma_start3A_246 = tpu.memref_slice %arg7[%dma_start3A_244, %dma_start3A_245] : memref<16x125xi32, #tpu.memory_space<vmem>> -> memref<1x125xi32, #tpu.memory_space<vmem>>
      %dma_start3A_247 = tpu.memref_squeeze %dma_start3A_246 : memref<1x125xi32, #tpu.memory_space<vmem>> -> memref<125xi32, #tpu.memory_space<vmem>>
      %dma_start3A_248 = arith.constant 0 : i32
      %dma_start3A_249 = arith.constant 0 : i32
      %dma_start3A_250 = tpu.memref_slice %arg2[%dma_start3A_248, %dma_start3A_249] : memref<20000x128xf32, #tpu.memory_space<hbm>> -> memref<20000x128xf32, #tpu.memory_space<hbm>>
      tpu.enqueue_indirect_dma source(%dma_start3A_250 : memref<20000x128xf32, #tpu.memory_space<hbm>>) target(%arg10 : memref<125x128xf32, #tpu.memory_space<vmem>>) offsets(%dma_start3A_247 : memref<125xi32, #tpu.memory_space<vmem>>) semaphore(%arg13 : memref<!tpu.dma_semaphore, #tpu.memory_space<semaphore_mem>>)
      %dma_wait3A_251 = arith.constant 8 : i32
      %dma_wait3A_252 = arith.constant 0 : i32
      %dma_wait3A_253 = tpu.memref_slice %arg7[%dma_wait3A_251, %dma_wait3A_252] : memref<16x125xi32, #tpu.memory_space<vmem>> -> memref<1x125xi32, #tpu.memory_space<vmem>>
      %dma_wait3A_254 = tpu.memref_squeeze %dma_wait3A_253 : memref<1x125xi32, #tpu.memory_space<vmem>> -> memref<125xi32, #tpu.memory_space<vmem>>
      %dma_wait3A_255 = arith.constant 0 : i32
      %dma_wait3A_256 = arith.constant 0 : i32
      %dma_wait3A_257 = tpu.memref_slice %arg2[%dma_wait3A_255, %dma_wait3A_256] : memref<20000x128xf32, #tpu.memory_space<hbm>> -> memref<20000x128xf32, #tpu.memory_space<hbm>>
      tpu.wait_indirect_dma semaphore(%arg12 : memref<!tpu.dma_semaphore, #tpu.memory_space<semaphore_mem>>) src(%dma_wait3A_257 : memref<20000x128xf32, #tpu.memory_space<hbm>>) dst(%arg9 : memref<125x128xf32, #tpu.memory_space<vmem>>)
      %dma_start3A_258 = arith.constant 8 : i32
      %dma_start3A_259 = arith.constant 0 : i32
      %dma_start3A_260 = tpu.memref_slice %arg8[%dma_start3A_258, %dma_start3A_259] : memref<16x125xi32, #tpu.memory_space<vmem>> -> memref<1x125xi32, #tpu.memory_space<vmem>>
      %dma_start3A_261 = tpu.memref_squeeze %dma_start3A_260 : memref<1x125xi32, #tpu.memory_space<vmem>> -> memref<125xi32, #tpu.memory_space<vmem>>
      %dma_start3A_262 = arith.constant 0 : i32
      %dma_start3A_263 = arith.constant 0 : i32
      %dma_start3A_264 = tpu.memref_slice %arg11[%dma_start3A_262, %dma_start3A_263] : memref<10240x128xf32, #tpu.memory_space<vmem_shared>> -> memref<10240x128xf32, #tpu.memory_space<vmem_shared>>
      tpu.enqueue_indirect_dma source(%arg9 : memref<125x128xf32, #tpu.memory_space<vmem>>) target(%dma_start3A_264 : memref<10240x128xf32, #tpu.memory_space<vmem_shared>>) offsets(%dma_start3A_261 : memref<125xi32, #tpu.memory_space<vmem>>) semaphore(%arg14 : memref<!tpu.dma_semaphore, #tpu.memory_space<semaphore_mem>>) {add = true}
      %dma_wait3A_265 = arith.constant 8 : i32
      %dma_wait3A_266 = arith.constant 0 : i32
      %dma_wait3A_267 = tpu.memref_slice %arg8[%dma_wait3A_265, %dma_wait3A_266] : memref<16x125xi32, #tpu.memory_space<vmem>> -> memref<1x125xi32, #tpu.memory_space<vmem>>
      %dma_wait3A_268 = tpu.memref_squeeze %dma_wait3A_267 : memref<1x125xi32, #tpu.memory_space<vmem>> -> memref<125xi32, #tpu.memory_space<vmem>>
      %dma_wait3A_269 = arith.constant 0 : i32
      %dma_wait3A_270 = arith.constant 0 : i32
      %dma_wait3A_271 = tpu.memref_slice %arg11[%dma_wait3A_269, %dma_wait3A_270] : memref<10240x128xf32, #tpu.memory_space<vmem_shared>> -> memref<10240x128xf32, #tpu.memory_space<vmem_shared>>
      tpu.wait_indirect_dma semaphore(%arg14 : memref<!tpu.dma_semaphore, #tpu.memory_space<semaphore_mem>>) src(%arg9 : memref<125x128xf32, #tpu.memory_space<vmem>>) dst(%dma_wait3A_271 : memref<10240x128xf32, #tpu.memory_space<vmem_shared>>)
      %dma_start3A_272 = arith.constant 10 : i32
      %dma_start3A_273 = arith.constant 0 : i32
      %dma_start3A_274 = tpu.memref_slice %arg7[%dma_start3A_272, %dma_start3A_273] : memref<16x125xi32, #tpu.memory_space<vmem>> -> memref<1x125xi32, #tpu.memory_space<vmem>>
      %dma_start3A_275 = tpu.memref_squeeze %dma_start3A_274 : memref<1x125xi32, #tpu.memory_space<vmem>> -> memref<125xi32, #tpu.memory_space<vmem>>
      %dma_start3A_276 = arith.constant 0 : i32
      %dma_start3A_277 = arith.constant 0 : i32
      %dma_start3A_278 = tpu.memref_slice %arg2[%dma_start3A_276, %dma_start3A_277] : memref<20000x128xf32, #tpu.memory_space<hbm>> -> memref<20000x128xf32, #tpu.memory_space<hbm>>
      tpu.enqueue_indirect_dma source(%dma_start3A_278 : memref<20000x128xf32, #tpu.memory_space<hbm>>) target(%arg9 : memref<125x128xf32, #tpu.memory_space<vmem>>) offsets(%dma_start3A_275 : memref<125xi32, #tpu.memory_space<vmem>>) semaphore(%arg12 : memref<!tpu.dma_semaphore, #tpu.memory_space<semaphore_mem>>)
      %dma_wait3A_279 = arith.constant 9 : i32
      %dma_wait3A_280 = arith.constant 0 : i32
      %dma_wait3A_281 = tpu.memref_slice %arg7[%dma_wait3A_279, %dma_wait3A_280] : memref<16x125xi32, #tpu.memory_space<vmem>> -> memref<1x125xi32, #tpu.memory_space<vmem>>
      %dma_wait3A_282 = tpu.memref_squeeze %dma_wait3A_281 : memref<1x125xi32, #tpu.memory_space<vmem>> -> memref<125xi32, #tpu.memory_space<vmem>>
      %dma_wait3A_283 = arith.constant 0 : i32
      %dma_wait3A_284 = arith.constant 0 : i32
      %dma_wait3A_285 = tpu.memref_slice %arg2[%dma_wait3A_283, %dma_wait3A_284] : memref<20000x128xf32, #tpu.memory_space<hbm>> -> memref<20000x128xf32, #tpu.memory_space<hbm>>
      tpu.wait_indirect_dma semaphore(%arg13 : memref<!tpu.dma_semaphore, #tpu.memory_space<semaphore_mem>>) src(%dma_wait3A_285 : memref<20000x128xf32, #tpu.memory_space<hbm>>) dst(%arg10 : memref<125x128xf32, #tpu.memory_space<vmem>>)
      %dma_start3A_286 = arith.constant 9 : i32
      %dma_start3A_287 = arith.constant 0 : i32
      %dma_start3A_288 = tpu.memref_slice %arg8[%dma_start3A_286, %dma_start3A_287] : memref<16x125xi32, #tpu.memory_space<vmem>> -> memref<1x125xi32, #tpu.memory_space<vmem>>
      %dma_start3A_289 = tpu.memref_squeeze %dma_start3A_288 : memref<1x125xi32, #tpu.memory_space<vmem>> -> memref<125xi32, #tpu.memory_space<vmem>>
      %dma_start3A_290 = arith.constant 0 : i32
      %dma_start3A_291 = arith.constant 0 : i32
      %dma_start3A_292 = tpu.memref_slice %arg11[%dma_start3A_290, %dma_start3A_291] : memref<10240x128xf32, #tpu.memory_space<vmem_shared>> -> memref<10240x128xf32, #tpu.memory_space<vmem_shared>>
      tpu.enqueue_indirect_dma source(%arg10 : memref<125x128xf32, #tpu.memory_space<vmem>>) target(%dma_start3A_292 : memref<10240x128xf32, #tpu.memory_space<vmem_shared>>) offsets(%dma_start3A_289 : memref<125xi32, #tpu.memory_space<vmem>>) semaphore(%arg15 : memref<!tpu.dma_semaphore, #tpu.memory_space<semaphore_mem>>) {add = true}
      %dma_wait3A_293 = arith.constant 9 : i32
      %dma_wait3A_294 = arith.constant 0 : i32
      %dma_wait3A_295 = tpu.memref_slice %arg8[%dma_wait3A_293, %dma_wait3A_294] : memref<16x125xi32, #tpu.memory_space<vmem>> -> memref<1x125xi32, #tpu.memory_space<vmem>>
      %dma_wait3A_296 = tpu.memref_squeeze %dma_wait3A_295 : memref<1x125xi32, #tpu.memory_space<vmem>> -> memref<125xi32, #tpu.memory_space<vmem>>
      %dma_wait3A_297 = arith.constant 0 : i32
      %dma_wait3A_298 = arith.constant 0 : i32
      %dma_wait3A_299 = tpu.memref_slice %arg11[%dma_wait3A_297, %dma_wait3A_298] : memref<10240x128xf32, #tpu.memory_space<vmem_shared>> -> memref<10240x128xf32, #tpu.memory_space<vmem_shared>>
      tpu.wait_indirect_dma semaphore(%arg15 : memref<!tpu.dma_semaphore, #tpu.memory_space<semaphore_mem>>) src(%arg10 : memref<125x128xf32, #tpu.memory_space<vmem>>) dst(%dma_wait3A_299 : memref<10240x128xf32, #tpu.memory_space<vmem_shared>>)
      %dma_start3A_300 = arith.constant 11 : i32
      %dma_start3A_301 = arith.constant 0 : i32
      %dma_start3A_302 = tpu.memref_slice %arg7[%dma_start3A_300, %dma_start3A_301] : memref<16x125xi32, #tpu.memory_space<vmem>> -> memref<1x125xi32, #tpu.memory_space<vmem>>
      %dma_start3A_303 = tpu.memref_squeeze %dma_start3A_302 : memref<1x125xi32, #tpu.memory_space<vmem>> -> memref<125xi32, #tpu.memory_space<vmem>>
      %dma_start3A_304 = arith.constant 0 : i32
      %dma_start3A_305 = arith.constant 0 : i32
      %dma_start3A_306 = tpu.memref_slice %arg2[%dma_start3A_304, %dma_start3A_305] : memref<20000x128xf32, #tpu.memory_space<hbm>> -> memref<20000x128xf32, #tpu.memory_space<hbm>>
      tpu.enqueue_indirect_dma source(%dma_start3A_306 : memref<20000x128xf32, #tpu.memory_space<hbm>>) target(%arg10 : memref<125x128xf32, #tpu.memory_space<vmem>>) offsets(%dma_start3A_303 : memref<125xi32, #tpu.memory_space<vmem>>) semaphore(%arg13 : memref<!tpu.dma_semaphore, #tpu.memory_space<semaphore_mem>>)
      %dma_wait3A_307 = arith.constant 10 : i32
      %dma_wait3A_308 = arith.constant 0 : i32
      %dma_wait3A_309 = tpu.memref_slice %arg7[%dma_wait3A_307, %dma_wait3A_308] : memref<16x125xi32, #tpu.memory_space<vmem>> -> memref<1x125xi32, #tpu.memory_space<vmem>>
      %dma_wait3A_310 = tpu.memref_squeeze %dma_wait3A_309 : memref<1x125xi32, #tpu.memory_space<vmem>> -> memref<125xi32, #tpu.memory_space<vmem>>
      %dma_wait3A_311 = arith.constant 0 : i32
      %dma_wait3A_312 = arith.constant 0 : i32
      %dma_wait3A_313 = tpu.memref_slice %arg2[%dma_wait3A_311, %dma_wait3A_312] : memref<20000x128xf32, #tpu.memory_space<hbm>> -> memref<20000x128xf32, #tpu.memory_space<hbm>>
      tpu.wait_indirect_dma semaphore(%arg12 : memref<!tpu.dma_semaphore, #tpu.memory_space<semaphore_mem>>) src(%dma_wait3A_313 : memref<20000x128xf32, #tpu.memory_space<hbm>>) dst(%arg9 : memref<125x128xf32, #tpu.memory_space<vmem>>)
      %dma_start3A_314 = arith.constant 10 : i32
      %dma_start3A_315 = arith.constant 0 : i32
      %dma_start3A_316 = tpu.memref_slice %arg8[%dma_start3A_314, %dma_start3A_315] : memref<16x125xi32, #tpu.memory_space<vmem>> -> memref<1x125xi32, #tpu.memory_space<vmem>>
      %dma_start3A_317 = tpu.memref_squeeze %dma_start3A_316 : memref<1x125xi32, #tpu.memory_space<vmem>> -> memref<125xi32, #tpu.memory_space<vmem>>
      %dma_start3A_318 = arith.constant 0 : i32
      %dma_start3A_319 = arith.constant 0 : i32
      %dma_start3A_320 = tpu.memref_slice %arg11[%dma_start3A_318, %dma_start3A_319] : memref<10240x128xf32, #tpu.memory_space<vmem_shared>> -> memref<10240x128xf32, #tpu.memory_space<vmem_shared>>
      tpu.enqueue_indirect_dma source(%arg9 : memref<125x128xf32, #tpu.memory_space<vmem>>) target(%dma_start3A_320 : memref<10240x128xf32, #tpu.memory_space<vmem_shared>>) offsets(%dma_start3A_317 : memref<125xi32, #tpu.memory_space<vmem>>) semaphore(%arg14 : memref<!tpu.dma_semaphore, #tpu.memory_space<semaphore_mem>>) {add = true}
      %dma_wait3A_321 = arith.constant 10 : i32
      %dma_wait3A_322 = arith.constant 0 : i32
      %dma_wait3A_323 = tpu.memref_slice %arg8[%dma_wait3A_321, %dma_wait3A_322] : memref<16x125xi32, #tpu.memory_space<vmem>> -> memref<1x125xi32, #tpu.memory_space<vmem>>
      %dma_wait3A_324 = tpu.memref_squeeze %dma_wait3A_323 : memref<1x125xi32, #tpu.memory_space<vmem>> -> memref<125xi32, #tpu.memory_space<vmem>>
      %dma_wait3A_325 = arith.constant 0 : i32
      %dma_wait3A_326 = arith.constant 0 : i32
      %dma_wait3A_327 = tpu.memref_slice %arg11[%dma_wait3A_325, %dma_wait3A_326] : memref<10240x128xf32, #tpu.memory_space<vmem_shared>> -> memref<10240x128xf32, #tpu.memory_space<vmem_shared>>
      tpu.wait_indirect_dma semaphore(%arg14 : memref<!tpu.dma_semaphore, #tpu.memory_space<semaphore_mem>>) src(%arg9 : memref<125x128xf32, #tpu.memory_space<vmem>>) dst(%dma_wait3A_327 : memref<10240x128xf32, #tpu.memory_space<vmem_shared>>)
      %dma_start3A_328 = arith.constant 12 : i32
      %dma_start3A_329 = arith.constant 0 : i32
      %dma_start3A_330 = tpu.memref_slice %arg7[%dma_start3A_328, %dma_start3A_329] : memref<16x125xi32, #tpu.memory_space<vmem>> -> memref<1x125xi32, #tpu.memory_space<vmem>>
      %dma_start3A_331 = tpu.memref_squeeze %dma_start3A_330 : memref<1x125xi32, #tpu.memory_space<vmem>> -> memref<125xi32, #tpu.memory_space<vmem>>
      %dma_start3A_332 = arith.constant 0 : i32
      %dma_start3A_333 = arith.constant 0 : i32
      %dma_start3A_334 = tpu.memref_slice %arg2[%dma_start3A_332, %dma_start3A_333] : memref<20000x128xf32, #tpu.memory_space<hbm>> -> memref<20000x128xf32, #tpu.memory_space<hbm>>
      tpu.enqueue_indirect_dma source(%dma_start3A_334 : memref<20000x128xf32, #tpu.memory_space<hbm>>) target(%arg9 : memref<125x128xf32, #tpu.memory_space<vmem>>) offsets(%dma_start3A_331 : memref<125xi32, #tpu.memory_space<vmem>>) semaphore(%arg12 : memref<!tpu.dma_semaphore, #tpu.memory_space<semaphore_mem>>)
      %dma_wait3A_335 = arith.constant 11 : i32
      %dma_wait3A_336 = arith.constant 0 : i32
      %dma_wait3A_337 = tpu.memref_slice %arg7[%dma_wait3A_335, %dma_wait3A_336] : memref<16x125xi32, #tpu.memory_space<vmem>> -> memref<1x125xi32, #tpu.memory_space<vmem>>
      %dma_wait3A_338 = tpu.memref_squeeze %dma_wait3A_337 : memref<1x125xi32, #tpu.memory_space<vmem>> -> memref<125xi32, #tpu.memory_space<vmem>>
      %dma_wait3A_339 = arith.constant 0 : i32
      %dma_wait3A_340 = arith.constant 0 : i32
      %dma_wait3A_341 = tpu.memref_slice %arg2[%dma_wait3A_339, %dma_wait3A_340] : memref<20000x128xf32, #tpu.memory_space<hbm>> -> memref<20000x128xf32, #tpu.memory_space<hbm>>
      tpu.wait_indirect_dma semaphore(%arg13 : memref<!tpu.dma_semaphore, #tpu.memory_space<semaphore_mem>>) src(%dma_wait3A_341 : memref<20000x128xf32, #tpu.memory_space<hbm>>) dst(%arg10 : memref<125x128xf32, #tpu.memory_space<vmem>>)
      %dma_start3A_342 = arith.constant 11 : i32
      %dma_start3A_343 = arith.constant 0 : i32
      %dma_start3A_344 = tpu.memref_slice %arg8[%dma_start3A_342, %dma_start3A_343] : memref<16x125xi32, #tpu.memory_space<vmem>> -> memref<1x125xi32, #tpu.memory_space<vmem>>
      %dma_start3A_345 = tpu.memref_squeeze %dma_start3A_344 : memref<1x125xi32, #tpu.memory_space<vmem>> -> memref<125xi32, #tpu.memory_space<vmem>>
      %dma_start3A_346 = arith.constant 0 : i32
      %dma_start3A_347 = arith.constant 0 : i32
      %dma_start3A_348 = tpu.memref_slice %arg11[%dma_start3A_346, %dma_start3A_347] : memref<10240x128xf32, #tpu.memory_space<vmem_shared>> -> memref<10240x128xf32, #tpu.memory_space<vmem_shared>>
      tpu.enqueue_indirect_dma source(%arg10 : memref<125x128xf32, #tpu.memory_space<vmem>>) target(%dma_start3A_348 : memref<10240x128xf32, #tpu.memory_space<vmem_shared>>) offsets(%dma_start3A_345 : memref<125xi32, #tpu.memory_space<vmem>>) semaphore(%arg15 : memref<!tpu.dma_semaphore, #tpu.memory_space<semaphore_mem>>) {add = true}
      %dma_wait3A_349 = arith.constant 11 : i32
      %dma_wait3A_350 = arith.constant 0 : i32
      %dma_wait3A_351 = tpu.memref_slice %arg8[%dma_wait3A_349, %dma_wait3A_350] : memref<16x125xi32, #tpu.memory_space<vmem>> -> memref<1x125xi32, #tpu.memory_space<vmem>>
      %dma_wait3A_352 = tpu.memref_squeeze %dma_wait3A_351 : memref<1x125xi32, #tpu.memory_space<vmem>> -> memref<125xi32, #tpu.memory_space<vmem>>
      %dma_wait3A_353 = arith.constant 0 : i32
      %dma_wait3A_354 = arith.constant 0 : i32
      %dma_wait3A_355 = tpu.memref_slice %arg11[%dma_wait3A_353, %dma_wait3A_354] : memref<10240x128xf32, #tpu.memory_space<vmem_shared>> -> memref<10240x128xf32, #tpu.memory_space<vmem_shared>>
      tpu.wait_indirect_dma semaphore(%arg15 : memref<!tpu.dma_semaphore, #tpu.memory_space<semaphore_mem>>) src(%arg10 : memref<125x128xf32, #tpu.memory_space<vmem>>) dst(%dma_wait3A_355 : memref<10240x128xf32, #tpu.memory_space<vmem_shared>>)
      %dma_start3A_356 = arith.constant 13 : i32
      %dma_start3A_357 = arith.constant 0 : i32
      %dma_start3A_358 = tpu.memref_slice %arg7[%dma_start3A_356, %dma_start3A_357] : memref<16x125xi32, #tpu.memory_space<vmem>> -> memref<1x125xi32, #tpu.memory_space<vmem>>
      %dma_start3A_359 = tpu.memref_squeeze %dma_start3A_358 : memref<1x125xi32, #tpu.memory_space<vmem>> -> memref<125xi32, #tpu.memory_space<vmem>>
      %dma_start3A_360 = arith.constant 0 : i32
      %dma_start3A_361 = arith.constant 0 : i32
      %dma_start3A_362 = tpu.memref_slice %arg2[%dma_start3A_360, %dma_start3A_361] : memref<20000x128xf32, #tpu.memory_space<hbm>> -> memref<20000x128xf32, #tpu.memory_space<hbm>>
      tpu.enqueue_indirect_dma source(%dma_start3A_362 : memref<20000x128xf32, #tpu.memory_space<hbm>>) target(%arg10 : memref<125x128xf32, #tpu.memory_space<vmem>>) offsets(%dma_start3A_359 : memref<125xi32, #tpu.memory_space<vmem>>) semaphore(%arg13 : memref<!tpu.dma_semaphore, #tpu.memory_space<semaphore_mem>>)
      %dma_wait3A_363 = arith.constant 12 : i32
      %dma_wait3A_364 = arith.constant 0 : i32
      %dma_wait3A_365 = tpu.memref_slice %arg7[%dma_wait3A_363, %dma_wait3A_364] : memref<16x125xi32, #tpu.memory_space<vmem>> -> memref<1x125xi32, #tpu.memory_space<vmem>>
      %dma_wait3A_366 = tpu.memref_squeeze %dma_wait3A_365 : memref<1x125xi32, #tpu.memory_space<vmem>> -> memref<125xi32, #tpu.memory_space<vmem>>
      %dma_wait3A_367 = arith.constant 0 : i32
      %dma_wait3A_368 = arith.constant 0 : i32
      %dma_wait3A_369 = tpu.memref_slice %arg2[%dma_wait3A_367, %dma_wait3A_368] : memref<20000x128xf32, #tpu.memory_space<hbm>> -> memref<20000x128xf32, #tpu.memory_space<hbm>>
      tpu.wait_indirect_dma semaphore(%arg12 : memref<!tpu.dma_semaphore, #tpu.memory_space<semaphore_mem>>) src(%dma_wait3A_369 : memref<20000x128xf32, #tpu.memory_space<hbm>>) dst(%arg9 : memref<125x128xf32, #tpu.memory_space<vmem>>)
      %dma_start3A_370 = arith.constant 12 : i32
      %dma_start3A_371 = arith.constant 0 : i32
      %dma_start3A_372 = tpu.memref_slice %arg8[%dma_start3A_370, %dma_start3A_371] : memref<16x125xi32, #tpu.memory_space<vmem>> -> memref<1x125xi32, #tpu.memory_space<vmem>>
      %dma_start3A_373 = tpu.memref_squeeze %dma_start3A_372 : memref<1x125xi32, #tpu.memory_space<vmem>> -> memref<125xi32, #tpu.memory_space<vmem>>
      %dma_start3A_374 = arith.constant 0 : i32
      %dma_start3A_375 = arith.constant 0 : i32
      %dma_start3A_376 = tpu.memref_slice %arg11[%dma_start3A_374, %dma_start3A_375] : memref<10240x128xf32, #tpu.memory_space<vmem_shared>> -> memref<10240x128xf32, #tpu.memory_space<vmem_shared>>
      tpu.enqueue_indirect_dma source(%arg9 : memref<125x128xf32, #tpu.memory_space<vmem>>) target(%dma_start3A_376 : memref<10240x128xf32, #tpu.memory_space<vmem_shared>>) offsets(%dma_start3A_373 : memref<125xi32, #tpu.memory_space<vmem>>) semaphore(%arg14 : memref<!tpu.dma_semaphore, #tpu.memory_space<semaphore_mem>>) {add = true}
      %dma_wait3A_377 = arith.constant 12 : i32
      %dma_wait3A_378 = arith.constant 0 : i32
      %dma_wait3A_379 = tpu.memref_slice %arg8[%dma_wait3A_377, %dma_wait3A_378] : memref<16x125xi32, #tpu.memory_space<vmem>> -> memref<1x125xi32, #tpu.memory_space<vmem>>
      %dma_wait3A_380 = tpu.memref_squeeze %dma_wait3A_379 : memref<1x125xi32, #tpu.memory_space<vmem>> -> memref<125xi32, #tpu.memory_space<vmem>>
      %dma_wait3A_381 = arith.constant 0 : i32
      %dma_wait3A_382 = arith.constant 0 : i32
      %dma_wait3A_383 = tpu.memref_slice %arg11[%dma_wait3A_381, %dma_wait3A_382] : memref<10240x128xf32, #tpu.memory_space<vmem_shared>> -> memref<10240x128xf32, #tpu.memory_space<vmem_shared>>
      tpu.wait_indirect_dma semaphore(%arg14 : memref<!tpu.dma_semaphore, #tpu.memory_space<semaphore_mem>>) src(%arg9 : memref<125x128xf32, #tpu.memory_space<vmem>>) dst(%dma_wait3A_383 : memref<10240x128xf32, #tpu.memory_space<vmem_shared>>)
      %dma_start3A_384 = arith.constant 14 : i32
      %dma_start3A_385 = arith.constant 0 : i32
      %dma_start3A_386 = tpu.memref_slice %arg7[%dma_start3A_384, %dma_start3A_385] : memref<16x125xi32, #tpu.memory_space<vmem>> -> memref<1x125xi32, #tpu.memory_space<vmem>>
      %dma_start3A_387 = tpu.memref_squeeze %dma_start3A_386 : memref<1x125xi32, #tpu.memory_space<vmem>> -> memref<125xi32, #tpu.memory_space<vmem>>
      %dma_start3A_388 = arith.constant 0 : i32
      %dma_start3A_389 = arith.constant 0 : i32
      %dma_start3A_390 = tpu.memref_slice %arg2[%dma_start3A_388, %dma_start3A_389] : memref<20000x128xf32, #tpu.memory_space<hbm>> -> memref<20000x128xf32, #tpu.memory_space<hbm>>
      tpu.enqueue_indirect_dma source(%dma_start3A_390 : memref<20000x128xf32, #tpu.memory_space<hbm>>) target(%arg9 : memref<125x128xf32, #tpu.memory_space<vmem>>) offsets(%dma_start3A_387 : memref<125xi32, #tpu.memory_space<vmem>>) semaphore(%arg12 : memref<!tpu.dma_semaphore, #tpu.memory_space<semaphore_mem>>)
      %dma_wait3A_391 = arith.constant 13 : i32
      %dma_wait3A_392 = arith.constant 0 : i32
      %dma_wait3A_393 = tpu.memref_slice %arg7[%dma_wait3A_391, %dma_wait3A_392] : memref<16x125xi32, #tpu.memory_space<vmem>> -> memref<1x125xi32, #tpu.memory_space<vmem>>
      %dma_wait3A_394 = tpu.memref_squeeze %dma_wait3A_393 : memref<1x125xi32, #tpu.memory_space<vmem>> -> memref<125xi32, #tpu.memory_space<vmem>>
      %dma_wait3A_395 = arith.constant 0 : i32
      %dma_wait3A_396 = arith.constant 0 : i32
      %dma_wait3A_397 = tpu.memref_slice %arg2[%dma_wait3A_395, %dma_wait3A_396] : memref<20000x128xf32, #tpu.memory_space<hbm>> -> memref<20000x128xf32, #tpu.memory_space<hbm>>
      tpu.wait_indirect_dma semaphore(%arg13 : memref<!tpu.dma_semaphore, #tpu.memory_space<semaphore_mem>>) src(%dma_wait3A_397 : memref<20000x128xf32, #tpu.memory_space<hbm>>) dst(%arg10 : memref<125x128xf32, #tpu.memory_space<vmem>>)
      %dma_start3A_398 = arith.constant 13 : i32
      %dma_start3A_399 = arith.constant 0 : i32
      %dma_start3A_400 = tpu.memref_slice %arg8[%dma_start3A_398, %dma_start3A_399] : memref<16x125xi32, #tpu.memory_space<vmem>> -> memref<1x125xi32, #tpu.memory_space<vmem>>
      %dma_start3A_401 = tpu.memref_squeeze %dma_start3A_400 : memref<1x125xi32, #tpu.memory_space<vmem>> -> memref<125xi32, #tpu.memory_space<vmem>>
      %dma_start3A_402 = arith.constant 0 : i32
      %dma_start3A_403 = arith.constant 0 : i32
      %dma_start3A_404 = tpu.memref_slice %arg11[%dma_start3A_402, %dma_start3A_403] : memref<10240x128xf32, #tpu.memory_space<vmem_shared>> -> memref<10240x128xf32, #tpu.memory_space<vmem_shared>>
      tpu.enqueue_indirect_dma source(%arg10 : memref<125x128xf32, #tpu.memory_space<vmem>>) target(%dma_start3A_404 : memref<10240x128xf32, #tpu.memory_space<vmem_shared>>) offsets(%dma_start3A_401 : memref<125xi32, #tpu.memory_space<vmem>>) semaphore(%arg15 : memref<!tpu.dma_semaphore, #tpu.memory_space<semaphore_mem>>) {add = true}
      %dma_wait3A_405 = arith.constant 13 : i32
      %dma_wait3A_406 = arith.constant 0 : i32
      %dma_wait3A_407 = tpu.memref_slice %arg8[%dma_wait3A_405, %dma_wait3A_406] : memref<16x125xi32, #tpu.memory_space<vmem>> -> memref<1x125xi32, #tpu.memory_space<vmem>>
      %dma_wait3A_408 = tpu.memref_squeeze %dma_wait3A_407 : memref<1x125xi32, #tpu.memory_space<vmem>> -> memref<125xi32, #tpu.memory_space<vmem>>
      %dma_wait3A_409 = arith.constant 0 : i32
      %dma_wait3A_410 = arith.constant 0 : i32
      %dma_wait3A_411 = tpu.memref_slice %arg11[%dma_wait3A_409, %dma_wait3A_410] : memref<10240x128xf32, #tpu.memory_space<vmem_shared>> -> memref<10240x128xf32, #tpu.memory_space<vmem_shared>>
      tpu.wait_indirect_dma semaphore(%arg15 : memref<!tpu.dma_semaphore, #tpu.memory_space<semaphore_mem>>) src(%arg10 : memref<125x128xf32, #tpu.memory_space<vmem>>) dst(%dma_wait3A_411 : memref<10240x128xf32, #tpu.memory_space<vmem_shared>>)
      %dma_start3A_412 = arith.constant 15 : i32
      %dma_start3A_413 = arith.constant 0 : i32
      %dma_start3A_414 = tpu.memref_slice %arg7[%dma_start3A_412, %dma_start3A_413] : memref<16x125xi32, #tpu.memory_space<vmem>> -> memref<1x125xi32, #tpu.memory_space<vmem>>
      %dma_start3A_415 = tpu.memref_squeeze %dma_start3A_414 : memref<1x125xi32, #tpu.memory_space<vmem>> -> memref<125xi32, #tpu.memory_space<vmem>>
      %dma_start3A_416 = arith.constant 0 : i32
      %dma_start3A_417 = arith.constant 0 : i32
      %dma_start3A_418 = tpu.memref_slice %arg2[%dma_start3A_416, %dma_start3A_417] : memref<20000x128xf32, #tpu.memory_space<hbm>> -> memref<20000x128xf32, #tpu.memory_space<hbm>>
      tpu.enqueue_indirect_dma source(%dma_start3A_418 : memref<20000x128xf32, #tpu.memory_space<hbm>>) target(%arg10 : memref<125x128xf32, #tpu.memory_space<vmem>>) offsets(%dma_start3A_415 : memref<125xi32, #tpu.memory_space<vmem>>) semaphore(%arg13 : memref<!tpu.dma_semaphore, #tpu.memory_space<semaphore_mem>>)
      %dma_wait3A_419 = arith.constant 14 : i32
      %dma_wait3A_420 = arith.constant 0 : i32
      %dma_wait3A_421 = tpu.memref_slice %arg7[%dma_wait3A_419, %dma_wait3A_420] : memref<16x125xi32, #tpu.memory_space<vmem>> -> memref<1x125xi32, #tpu.memory_space<vmem>>
      %dma_wait3A_422 = tpu.memref_squeeze %dma_wait3A_421 : memref<1x125xi32, #tpu.memory_space<vmem>> -> memref<125xi32, #tpu.memory_space<vmem>>
      %dma_wait3A_423 = arith.constant 0 : i32
      %dma_wait3A_424 = arith.constant 0 : i32
      %dma_wait3A_425 = tpu.memref_slice %arg2[%dma_wait3A_423, %dma_wait3A_424] : memref<20000x128xf32, #tpu.memory_space<hbm>> -> memref<20000x128xf32, #tpu.memory_space<hbm>>
      tpu.wait_indirect_dma semaphore(%arg12 : memref<!tpu.dma_semaphore, #tpu.memory_space<semaphore_mem>>) src(%dma_wait3A_425 : memref<20000x128xf32, #tpu.memory_space<hbm>>) dst(%arg9 : memref<125x128xf32, #tpu.memory_space<vmem>>)
      %dma_start3A_426 = arith.constant 14 : i32
      %dma_start3A_427 = arith.constant 0 : i32
      %dma_start3A_428 = tpu.memref_slice %arg8[%dma_start3A_426, %dma_start3A_427] : memref<16x125xi32, #tpu.memory_space<vmem>> -> memref<1x125xi32, #tpu.memory_space<vmem>>
      %dma_start3A_429 = tpu.memref_squeeze %dma_start3A_428 : memref<1x125xi32, #tpu.memory_space<vmem>> -> memref<125xi32, #tpu.memory_space<vmem>>
      %dma_start3A_430 = arith.constant 0 : i32
      %dma_start3A_431 = arith.constant 0 : i32
      %dma_start3A_432 = tpu.memref_slice %arg11[%dma_start3A_430, %dma_start3A_431] : memref<10240x128xf32, #tpu.memory_space<vmem_shared>> -> memref<10240x128xf32, #tpu.memory_space<vmem_shared>>
      tpu.enqueue_indirect_dma source(%arg9 : memref<125x128xf32, #tpu.memory_space<vmem>>) target(%dma_start3A_432 : memref<10240x128xf32, #tpu.memory_space<vmem_shared>>) offsets(%dma_start3A_429 : memref<125xi32, #tpu.memory_space<vmem>>) semaphore(%arg14 : memref<!tpu.dma_semaphore, #tpu.memory_space<semaphore_mem>>) {add = true}
      %dma_wait3A_433 = arith.constant 15 : i32
      %dma_wait3A_434 = arith.constant 0 : i32
      %dma_wait3A_435 = tpu.memref_slice %arg7[%dma_wait3A_433, %dma_wait3A_434] : memref<16x125xi32, #tpu.memory_space<vmem>> -> memref<1x125xi32, #tpu.memory_space<vmem>>
      %dma_wait3A_436 = tpu.memref_squeeze %dma_wait3A_435 : memref<1x125xi32, #tpu.memory_space<vmem>> -> memref<125xi32, #tpu.memory_space<vmem>>
      %dma_wait3A_437 = arith.constant 0 : i32
      %dma_wait3A_438 = arith.constant 0 : i32
      %dma_wait3A_439 = tpu.memref_slice %arg2[%dma_wait3A_437, %dma_wait3A_438] : memref<20000x128xf32, #tpu.memory_space<hbm>> -> memref<20000x128xf32, #tpu.memory_space<hbm>>
      tpu.wait_indirect_dma semaphore(%arg13 : memref<!tpu.dma_semaphore, #tpu.memory_space<semaphore_mem>>) src(%dma_wait3A_439 : memref<20000x128xf32, #tpu.memory_space<hbm>>) dst(%arg10 : memref<125x128xf32, #tpu.memory_space<vmem>>)
      %dma_start3A_440 = arith.constant 15 : i32
      %dma_start3A_441 = arith.constant 0 : i32
      %dma_start3A_442 = tpu.memref_slice %arg8[%dma_start3A_440, %dma_start3A_441] : memref<16x125xi32, #tpu.memory_space<vmem>> -> memref<1x125xi32, #tpu.memory_space<vmem>>
      %dma_start3A_443 = tpu.memref_squeeze %dma_start3A_442 : memref<1x125xi32, #tpu.memory_space<vmem>> -> memref<125xi32, #tpu.memory_space<vmem>>
      %dma_start3A_444 = arith.constant 0 : i32
      %dma_start3A_445 = arith.constant 0 : i32
      %dma_start3A_446 = tpu.memref_slice %arg11[%dma_start3A_444, %dma_start3A_445] : memref<10240x128xf32, #tpu.memory_space<vmem_shared>> -> memref<10240x128xf32, #tpu.memory_space<vmem_shared>>
      tpu.enqueue_indirect_dma source(%arg10 : memref<125x128xf32, #tpu.memory_space<vmem>>) target(%dma_start3A_446 : memref<10240x128xf32, #tpu.memory_space<vmem_shared>>) offsets(%dma_start3A_443 : memref<125xi32, #tpu.memory_space<vmem>>) semaphore(%arg15 : memref<!tpu.dma_semaphore, #tpu.memory_space<semaphore_mem>>) {add = true}
      %dma_wait3A_447 = arith.constant 14 : i32
      %dma_wait3A_448 = arith.constant 0 : i32
      %dma_wait3A_449 = tpu.memref_slice %arg8[%dma_wait3A_447, %dma_wait3A_448] : memref<16x125xi32, #tpu.memory_space<vmem>> -> memref<1x125xi32, #tpu.memory_space<vmem>>
      %dma_wait3A_450 = tpu.memref_squeeze %dma_wait3A_449 : memref<1x125xi32, #tpu.memory_space<vmem>> -> memref<125xi32, #tpu.memory_space<vmem>>
      %dma_wait3A_451 = arith.constant 0 : i32
      %dma_wait3A_452 = arith.constant 0 : i32
      %dma_wait3A_453 = tpu.memref_slice %arg11[%dma_wait3A_451, %dma_wait3A_452] : memref<10240x128xf32, #tpu.memory_space<vmem_shared>> -> memref<10240x128xf32, #tpu.memory_space<vmem_shared>>
      tpu.wait_indirect_dma semaphore(%arg14 : memref<!tpu.dma_semaphore, #tpu.memory_space<semaphore_mem>>) src(%arg9 : memref<125x128xf32, #tpu.memory_space<vmem>>) dst(%dma_wait3A_453 : memref<10240x128xf32, #tpu.memory_space<vmem_shared>>)
      %dma_wait3A_454 = arith.constant 15 : i32
      %dma_wait3A_455 = arith.constant 0 : i32
      %dma_wait3A_456 = tpu.memref_slice %arg8[%dma_wait3A_454, %dma_wait3A_455] : memref<16x125xi32, #tpu.memory_space<vmem>> -> memref<1x125xi32, #tpu.memory_space<vmem>>
      %dma_wait3A_457 = tpu.memref_squeeze %dma_wait3A_456 : memref<1x125xi32, #tpu.memory_space<vmem>> -> memref<125xi32, #tpu.memory_space<vmem>>
      %dma_wait3A_458 = arith.constant 0 : i32
      %dma_wait3A_459 = arith.constant 0 : i32
      %dma_wait3A_460 = tpu.memref_slice %arg11[%dma_wait3A_458, %dma_wait3A_459] : memref<10240x128xf32, #tpu.memory_space<vmem_shared>> -> memref<10240x128xf32, #tpu.memory_space<vmem_shared>>
      tpu.wait_indirect_dma semaphore(%arg15 : memref<!tpu.dma_semaphore, #tpu.memory_space<semaphore_mem>>) src(%arg10 : memref<125x128xf32, #tpu.memory_space<vmem>>) dst(%dma_wait3A_460 : memref<10240x128xf32, #tpu.memory_space<vmem_shared>>)
      %scan3A_461 = arith.constant 0 : i32
      scf.yield %scan3A_461 : i32
    }
    %scan3A_8 = arith.constant 10 : i32
    %barrier3A_9 = arith.constant 0 : index
    tpu.barrier barrier_id(%barrier3A_9)
    "tpu.region"() ({
      %run_scoped3A = tpu.sem_alloc : memref<!tpu.dma_semaphore, #tpu.memory_space<semaphore_mem>>
      %dma_start3A = arith.constant 0 : i32
      %dma_start3A_10 = tpu.memref_slice %arg6[%arg0, %multiple_of3A, %dma_start3A] : memref<2x10240x128xf32, #tpu.memory_space<hbm>> -> memref<1x640x128xf32, #tpu.memory_space<hbm>>
      %dma_start3A_11 = tpu.memref_squeeze %dma_start3A_10 : memref<1x640x128xf32, #tpu.memory_space<hbm>> -> memref<640x128xf32, #tpu.memory_space<hbm>>
      %dma_start3A_12 = arith.constant 0 : i32
      %dma_start3A_13 = tpu.memref_slice %arg11[%multiple_of3A, %dma_start3A_12] : memref<10240x128xf32, #tpu.memory_space<vmem_shared>> -> memref<640x128xf32, #tpu.memory_space<vmem_shared>>
      tpu.enqueue_dma source(%dma_start3A_13 : memref<640x128xf32, #tpu.memory_space<vmem_shared>>) target(%dma_start3A_11 : memref<640x128xf32, #tpu.memory_space<hbm>>) target_semaphore(%run_scoped3A : memref<!tpu.dma_semaphore, #tpu.memory_space<semaphore_mem>>)
      %dma_wait3A = arith.constant 0 : i32
      %dma_wait3A_14 = tpu.memref_slice %arg6[%arg0, %multiple_of3A, %dma_wait3A] : memref<2x10240x128xf32, #tpu.memory_space<hbm>> -> memref<1x640x128xf32, #tpu.memory_space<hbm>>
      %dma_wait3A_15 = tpu.memref_squeeze %dma_wait3A_14 : memref<1x640x128xf32, #tpu.memory_space<hbm>> -> memref<640x128xf32, #tpu.memory_space<hbm>>
      %dma_wait3A_16 = arith.constant 0 : i32
      %dma_wait3A_17 = tpu.memref_slice %arg11[%multiple_of3A, %dma_wait3A_16] : memref<10240x128xf32, #tpu.memory_space<vmem_shared>> -> memref<640x128xf32, #tpu.memory_space<vmem_shared>>
      tpu.wait_dma2 semaphore(%run_scoped3A : memref<!tpu.dma_semaphore, #tpu.memory_space<semaphore_mem>>) src(%dma_wait3A_17 : memref<640x128xf32, #tpu.memory_space<vmem_shared>>) dst(%dma_wait3A_15 : memref<640x128xf32, #tpu.memory_space<hbm>>)
      tpu.yield
    }) : () -> ()
    return
  }
}

#map = affine_map<(d0, d1) -> (0, 0)>
#map1 = affine_map<(d0, d1) -> (0, 0, 0)>
module attributes {stable_mosaic.version = 14 : i64} {
  func.func @_sc_agg(%arg0: i32, %arg1: i32, %arg2: memref<20000x128xf32, #tpu.memory_space<hbm>>, %arg3: memref<2x2560x125xi32, #tpu.memory_space<hbm>>, %arg4: memref<2560x125xi32, #tpu.memory_space<hbm>>, %arg5: memref<10240x128xf32, #tpu.memory_space<hbm>>, %arg6: memref<2x10240x128xf32, #tpu.memory_space<hbm>>, %arg7: memref<16x125xi32, #tpu.memory_space<vmem>>, %arg8: memref<16x125xi32, #tpu.memory_space<vmem>>, %arg9: memref<125x128xf32, #tpu.memory_space<vmem>>, %arg10: memref<125x128xf32, #tpu.memory_space<vmem>>, %arg11: memref<10240x128xf32, #tpu.memory_space<vmem_shared>>, %arg12: memref<!tpu.dma_semaphore, #tpu.memory_space<semaphore_mem>>, %arg13: memref<!tpu.dma_semaphore, #tpu.memory_space<semaphore_mem>>, %arg14: memref<!tpu.dma_semaphore, #tpu.memory_space<semaphore_mem>>, %arg15: memref<!tpu.dma_semaphore, #tpu.memory_space<semaphore_mem>>) attributes {dimension_semantics = [#tpu.dimension_semantics<core_parallel>, #tpu.dimension_semantics<subcore_parallel>], iteration_bounds = array<i64: 2, 16>, scalar_prefetch = 0 : i64, scratch_operands = 9 : i64, tpu.core_type = #tpu.core_type<sc_vector_subcore>, window_params = [{transform_indices = #map}, {transform_indices = #map1}, {transform_indices = #map}, {transform_indices = #map}, {transform_indices = #map1}]} {
    %mul3A = arith.constant 160 : i32
    %mul3A_0 = arith.muli %arg1, %mul3A : i32
    %mul3A_1 = arith.constant 640 : i32
    %mul3A_2 = arith.muli %arg1, %mul3A_1 : i32
    %multiple_of3A = tpu.assume_multiple %mul3A_2, 8 : i32
    "tpu.region"() ({
      %run_scoped3A = tpu.sem_alloc : memref<!tpu.dma_semaphore, #tpu.memory_space<semaphore_mem>>
      %dma_start3A = arith.constant 0 : i32
      %dma_start3A_10 = tpu.memref_slice %arg11[%multiple_of3A, %dma_start3A] : memref<10240x128xf32, #tpu.memory_space<vmem_shared>> -> memref<640x128xf32, #tpu.memory_space<vmem_shared>>
      %dma_start3A_11 = arith.constant 0 : i32
      %dma_start3A_12 = tpu.memref_slice %arg5[%multiple_of3A, %dma_start3A_11] : memref<10240x128xf32, #tpu.memory_space<hbm>> -> memref<640x128xf32, #tpu.memory_space<hbm>>
      tpu.enqueue_dma source(%dma_start3A_12 : memref<640x128xf32, #tpu.memory_space<hbm>>) target(%dma_start3A_10 : memref<640x128xf32, #tpu.memory_space<vmem_shared>>) target_semaphore(%run_scoped3A : memref<!tpu.dma_semaphore, #tpu.memory_space<semaphore_mem>>)
      %dma_wait3A = arith.constant 0 : i32
      %dma_wait3A_13 = tpu.memref_slice %arg11[%multiple_of3A, %dma_wait3A] : memref<10240x128xf32, #tpu.memory_space<vmem_shared>> -> memref<640x128xf32, #tpu.memory_space<vmem_shared>>
      %dma_wait3A_14 = arith.constant 0 : i32
      %dma_wait3A_15 = tpu.memref_slice %arg5[%multiple_of3A, %dma_wait3A_14] : memref<10240x128xf32, #tpu.memory_space<hbm>> -> memref<640x128xf32, #tpu.memory_space<hbm>>
      tpu.wait_dma2 semaphore(%run_scoped3A : memref<!tpu.dma_semaphore, #tpu.memory_space<semaphore_mem>>) src(%dma_wait3A_15 : memref<640x128xf32, #tpu.memory_space<hbm>>) dst(%dma_wait3A_13 : memref<640x128xf32, #tpu.memory_space<vmem_shared>>)
      tpu.yield
    }) : () -> ()
    %barrier3A = arith.constant 0 : index
    tpu.barrier barrier_id(%barrier3A)
    %scan3A = arith.constant 0 : i32
    %scan3A_3 = arith.constant 0 : i32
    %scan3A_4 = arith.constant 10 : i32
    %scan3A_5 = arith.addi %scan3A_3, %scan3A_4 : i32
    %scan3A_6 = arith.constant 1 : i32
    %scan3A_7 = scf.for %scan3A_10 = %scan3A_3 to %scan3A_5 step %scan3A_6 iter_args(%scan3A_11 = %scan3A) -> (i32)  : i32 {
      %mul3A_12 = arith.constant 16 : i32
      %mul3A_13 = arith.muli %scan3A_10, %mul3A_12 : i32
      %add3A = arith.addi %mul3A_0, %mul3A_13 : i32
      %multiple_of3A_14 = tpu.assume_multiple %add3A, 8 : i32
      "tpu.region"() ({
        %run_scoped3A = tpu.sem_alloc : memref<!tpu.dma_semaphore, #tpu.memory_space<semaphore_mem>>
        %dma_start3A_462 = arith.constant 0 : i32
        %dma_start3A_463 = tpu.memref_slice %arg3[%arg0, %multiple_of3A_14, %dma_start3A_462] : memref<2x2560x125xi32, #tpu.memory_space<hbm>> -> memref<1x16x125xi32, #tpu.memory_space<hbm>>
        %dma_start3A_464 = tpu.memref_squeeze %dma_start3A_463 : memref<1x16x125xi32, #tpu.memory_space<hbm>> -> memref<16x125xi32, #tpu.memory_space<hbm>>
        %dma_start3A_465 = arith.constant 0 : i32
        %dma_start3A_466 = tpu.memref_slice %arg3[%arg0, %multiple_of3A_14, %dma_start3A_465] : memref<2x2560x125xi32, #tpu.memory_space<hbm>> -> memref<1x16x125xi32, #tpu.memory_space<hbm>>
        %dma_start3A_467 = tpu.memref_squeeze %dma_start3A_466 : memref<1x16x125xi32, #tpu.memory_space<hbm>> -> memref<16x125xi32, #tpu.memory_space<hbm>>
        tpu.enqueue_dma source(%dma_start3A_467 : memref<16x125xi32, #tpu.memory_space<hbm>>) target(%arg7 : memref<16x125xi32, #tpu.memory_space<vmem>>) target_semaphore(%run_scoped3A : memref<!tpu.dma_semaphore, #tpu.memory_space<semaphore_mem>>)
        %dma_wait3A_468 = arith.constant 0 : i32
        %dma_wait3A_469 = tpu.memref_slice %arg3[%arg0, %multiple_of3A_14, %dma_wait3A_468] : memref<2x2560x125xi32, #tpu.memory_space<hbm>> -> memref<1x16x125xi32, #tpu.memory_space<hbm>>
        %dma_wait3A_470 = tpu.memref_squeeze %dma_wait3A_469 : memref<1x16x125xi32, #tpu.memory_space<hbm>> -> memref<16x125xi32, #tpu.memory_space<hbm>>
        %dma_wait3A_471 = arith.constant 0 : i32
        %dma_wait3A_472 = tpu.memref_slice %arg3[%arg0, %multiple_of3A_14, %dma_wait3A_471] : memref<2x2560x125xi32, #tpu.memory_space<hbm>> -> memref<1x16x125xi32, #tpu.memory_space<hbm>>
        %dma_wait3A_473 = tpu.memref_squeeze %dma_wait3A_472 : memref<1x16x125xi32, #tpu.memory_space<hbm>> -> memref<16x125xi32, #tpu.memory_space<hbm>>
        tpu.wait_dma2 semaphore(%run_scoped3A : memref<!tpu.dma_semaphore, #tpu.memory_space<semaphore_mem>>) src(%dma_wait3A_473 : memref<16x125xi32, #tpu.memory_space<hbm>>) dst(%arg7 : memref<16x125xi32, #tpu.memory_space<vmem>>)
        tpu.yield
      }) : () -> ()
      "tpu.region"() ({
        %run_scoped3A = tpu.sem_alloc : memref<!tpu.dma_semaphore, #tpu.memory_space<semaphore_mem>>
        %dma_start3A_462 = arith.constant 0 : i32
        %dma_start3A_463 = tpu.memref_slice %arg4[%multiple_of3A_14, %dma_start3A_462] : memref<2560x125xi32, #tpu.memory_space<hbm>> -> memref<16x125xi32, #tpu.memory_space<hbm>>
        %dma_start3A_464 = arith.constant 0 : i32
        %dma_start3A_465 = tpu.memref_slice %arg4[%multiple_of3A_14, %dma_start3A_464] : memref<2560x125xi32, #tpu.memory_space<hbm>> -> memref<16x125xi32, #tpu.memory_space<hbm>>
        tpu.enqueue_dma source(%dma_start3A_465 : memref<16x125xi32, #tpu.memory_space<hbm>>) target(%arg8 : memref<16x125xi32, #tpu.memory_space<vmem>>) target_semaphore(%run_scoped3A : memref<!tpu.dma_semaphore, #tpu.memory_space<semaphore_mem>>)
        %dma_wait3A_466 = arith.constant 0 : i32
        %dma_wait3A_467 = tpu.memref_slice %arg4[%multiple_of3A_14, %dma_wait3A_466] : memref<2560x125xi32, #tpu.memory_space<hbm>> -> memref<16x125xi32, #tpu.memory_space<hbm>>
        %dma_wait3A_468 = arith.constant 0 : i32
        %dma_wait3A_469 = tpu.memref_slice %arg4[%multiple_of3A_14, %dma_wait3A_468] : memref<2560x125xi32, #tpu.memory_space<hbm>> -> memref<16x125xi32, #tpu.memory_space<hbm>>
        tpu.wait_dma2 semaphore(%run_scoped3A : memref<!tpu.dma_semaphore, #tpu.memory_space<semaphore_mem>>) src(%dma_wait3A_469 : memref<16x125xi32, #tpu.memory_space<hbm>>) dst(%arg8 : memref<16x125xi32, #tpu.memory_space<vmem>>)
        tpu.yield
      }) : () -> ()
      %dma_start3A = arith.constant 0 : i32
      %dma_start3A_15 = arith.constant 0 : i32
      %dma_start3A_16 = tpu.memref_slice %arg7[%dma_start3A, %dma_start3A_15] : memref<16x125xi32, #tpu.memory_space<vmem>> -> memref<1x125xi32, #tpu.memory_space<vmem>>
      %dma_start3A_17 = tpu.memref_squeeze %dma_start3A_16 : memref<1x125xi32, #tpu.memory_space<vmem>> -> memref<125xi32, #tpu.memory_space<vmem>>
      %dma_start3A_18 = arith.constant 0 : i32
      %dma_start3A_19 = arith.constant 0 : i32
      %dma_start3A_20 = tpu.memref_slice %arg2[%dma_start3A_18, %dma_start3A_19] : memref<20000x128xf32, #tpu.memory_space<hbm>> -> memref<20000x128xf32, #tpu.memory_space<hbm>>
      tpu.enqueue_indirect_dma source(%dma_start3A_20 : memref<20000x128xf32, #tpu.memory_space<hbm>>) target(%arg9 : memref<125x128xf32, #tpu.memory_space<vmem>>) offsets(%dma_start3A_17 : memref<125xi32, #tpu.memory_space<vmem>>) semaphore(%arg12 : memref<!tpu.dma_semaphore, #tpu.memory_space<semaphore_mem>>)
      %dma_start3A_21 = arith.constant 1 : i32
      %dma_start3A_22 = arith.constant 0 : i32
      %dma_start3A_23 = tpu.memref_slice %arg7[%dma_start3A_21, %dma_start3A_22] : memref<16x125xi32, #tpu.memory_space<vmem>> -> memref<1x125xi32, #tpu.memory_space<vmem>>
      %dma_start3A_24 = tpu.memref_squeeze %dma_start3A_23 : memref<1x125xi32, #tpu.memory_space<vmem>> -> memref<125xi32, #tpu.memory_space<vmem>>
      %dma_start3A_25 = arith.constant 0 : i32
      %dma_start3A_26 = arith.constant 0 : i32
      %dma_start3A_27 = tpu.memref_slice %arg2[%dma_start3A_25, %dma_start3A_26] : memref<20000x128xf32, #tpu.memory_space<hbm>> -> memref<20000x128xf32, #tpu.memory_space<hbm>>
      tpu.enqueue_indirect_dma source(%dma_start3A_27 : memref<20000x128xf32, #tpu.memory_space<hbm>>) target(%arg10 : memref<125x128xf32, #tpu.memory_space<vmem>>) offsets(%dma_start3A_24 : memref<125xi32, #tpu.memory_space<vmem>>) semaphore(%arg13 : memref<!tpu.dma_semaphore, #tpu.memory_space<semaphore_mem>>)
      %dma_wait3A = arith.constant 0 : i32
      %dma_wait3A_28 = arith.constant 0 : i32
      %dma_wait3A_29 = tpu.memref_slice %arg7[%dma_wait3A, %dma_wait3A_28] : memref<16x125xi32, #tpu.memory_space<vmem>> -> memref<1x125xi32, #tpu.memory_space<vmem>>
      %dma_wait3A_30 = tpu.memref_squeeze %dma_wait3A_29 : memref<1x125xi32, #tpu.memory_space<vmem>> -> memref<125xi32, #tpu.memory_space<vmem>>
      %dma_wait3A_31 = arith.constant 0 : i32
      %dma_wait3A_32 = arith.constant 0 : i32
      %dma_wait3A_33 = tpu.memref_slice %arg2[%dma_wait3A_31, %dma_wait3A_32] : memref<20000x128xf32, #tpu.memory_space<hbm>> -> memref<20000x128xf32, #tpu.memory_space<hbm>>
      tpu.wait_indirect_dma semaphore(%arg12 : memref<!tpu.dma_semaphore, #tpu.memory_space<semaphore_mem>>) src(%dma_wait3A_33 : memref<20000x128xf32, #tpu.memory_space<hbm>>) dst(%arg9 : memref<125x128xf32, #tpu.memory_space<vmem>>)
      %dma_start3A_34 = arith.constant 0 : i32
      %dma_start3A_35 = arith.constant 0 : i32
      %dma_start3A_36 = tpu.memref_slice %arg8[%dma_start3A_34, %dma_start3A_35] : memref<16x125xi32, #tpu.memory_space<vmem>> -> memref<1x125xi32, #tpu.memory_space<vmem>>
      %dma_start3A_37 = tpu.memref_squeeze %dma_start3A_36 : memref<1x125xi32, #tpu.memory_space<vmem>> -> memref<125xi32, #tpu.memory_space<vmem>>
      %dma_start3A_38 = arith.constant 0 : i32
      %dma_start3A_39 = arith.constant 0 : i32
      %dma_start3A_40 = tpu.memref_slice %arg11[%dma_start3A_38, %dma_start3A_39] : memref<10240x128xf32, #tpu.memory_space<vmem_shared>> -> memref<10240x128xf32, #tpu.memory_space<vmem_shared>>
      tpu.enqueue_indirect_dma source(%arg9 : memref<125x128xf32, #tpu.memory_space<vmem>>) target(%dma_start3A_40 : memref<10240x128xf32, #tpu.memory_space<vmem_shared>>) offsets(%dma_start3A_37 : memref<125xi32, #tpu.memory_space<vmem>>) semaphore(%arg14 : memref<!tpu.dma_semaphore, #tpu.memory_space<semaphore_mem>>) {add = true}
      %dma_wait3A_41 = arith.constant 0 : i32
      %dma_wait3A_42 = arith.constant 0 : i32
      %dma_wait3A_43 = tpu.memref_slice %arg8[%dma_wait3A_41, %dma_wait3A_42] : memref<16x125xi32, #tpu.memory_space<vmem>> -> memref<1x125xi32, #tpu.memory_space<vmem>>
      %dma_wait3A_44 = tpu.memref_squeeze %dma_wait3A_43 : memref<1x125xi32, #tpu.memory_space<vmem>> -> memref<125xi32, #tpu.memory_space<vmem>>
      %dma_wait3A_45 = arith.constant 0 : i32
      %dma_wait3A_46 = arith.constant 0 : i32
      %dma_wait3A_47 = tpu.memref_slice %arg11[%dma_wait3A_45, %dma_wait3A_46] : memref<10240x128xf32, #tpu.memory_space<vmem_shared>> -> memref<10240x128xf32, #tpu.memory_space<vmem_shared>>
      tpu.wait_indirect_dma semaphore(%arg14 : memref<!tpu.dma_semaphore, #tpu.memory_space<semaphore_mem>>) src(%arg9 : memref<125x128xf32, #tpu.memory_space<vmem>>) dst(%dma_wait3A_47 : memref<10240x128xf32, #tpu.memory_space<vmem_shared>>)
      %dma_start3A_48 = arith.constant 2 : i32
      %dma_start3A_49 = arith.constant 0 : i32
      %dma_start3A_50 = tpu.memref_slice %arg7[%dma_start3A_48, %dma_start3A_49] : memref<16x125xi32, #tpu.memory_space<vmem>> -> memref<1x125xi32, #tpu.memory_space<vmem>>
      %dma_start3A_51 = tpu.memref_squeeze %dma_start3A_50 : memref<1x125xi32, #tpu.memory_space<vmem>> -> memref<125xi32, #tpu.memory_space<vmem>>
      %dma_start3A_52 = arith.constant 0 : i32
      %dma_start3A_53 = arith.constant 0 : i32
      %dma_start3A_54 = tpu.memref_slice %arg2[%dma_start3A_52, %dma_start3A_53] : memref<20000x128xf32, #tpu.memory_space<hbm>> -> memref<20000x128xf32, #tpu.memory_space<hbm>>
      tpu.enqueue_indirect_dma source(%dma_start3A_54 : memref<20000x128xf32, #tpu.memory_space<hbm>>) target(%arg9 : memref<125x128xf32, #tpu.memory_space<vmem>>) offsets(%dma_start3A_51 : memref<125xi32, #tpu.memory_space<vmem>>) semaphore(%arg12 : memref<!tpu.dma_semaphore, #tpu.memory_space<semaphore_mem>>)
      %dma_wait3A_55 = arith.constant 1 : i32
      %dma_wait3A_56 = arith.constant 0 : i32
      %dma_wait3A_57 = tpu.memref_slice %arg7[%dma_wait3A_55, %dma_wait3A_56] : memref<16x125xi32, #tpu.memory_space<vmem>> -> memref<1x125xi32, #tpu.memory_space<vmem>>
      %dma_wait3A_58 = tpu.memref_squeeze %dma_wait3A_57 : memref<1x125xi32, #tpu.memory_space<vmem>> -> memref<125xi32, #tpu.memory_space<vmem>>
      %dma_wait3A_59 = arith.constant 0 : i32
      %dma_wait3A_60 = arith.constant 0 : i32
      %dma_wait3A_61 = tpu.memref_slice %arg2[%dma_wait3A_59, %dma_wait3A_60] : memref<20000x128xf32, #tpu.memory_space<hbm>> -> memref<20000x128xf32, #tpu.memory_space<hbm>>
      tpu.wait_indirect_dma semaphore(%arg13 : memref<!tpu.dma_semaphore, #tpu.memory_space<semaphore_mem>>) src(%dma_wait3A_61 : memref<20000x128xf32, #tpu.memory_space<hbm>>) dst(%arg10 : memref<125x128xf32, #tpu.memory_space<vmem>>)
      %dma_start3A_62 = arith.constant 1 : i32
      %dma_start3A_63 = arith.constant 0 : i32
      %dma_start3A_64 = tpu.memref_slice %arg8[%dma_start3A_62, %dma_start3A_63] : memref<16x125xi32, #tpu.memory_space<vmem>> -> memref<1x125xi32, #tpu.memory_space<vmem>>
      %dma_start3A_65 = tpu.memref_squeeze %dma_start3A_64 : memref<1x125xi32, #tpu.memory_space<vmem>> -> memref<125xi32, #tpu.memory_space<vmem>>
      %dma_start3A_66 = arith.constant 0 : i32
      %dma_start3A_67 = arith.constant 0 : i32
      %dma_start3A_68 = tpu.memref_slice %arg11[%dma_start3A_66, %dma_start3A_67] : memref<10240x128xf32, #tpu.memory_space<vmem_shared>> -> memref<10240x128xf32, #tpu.memory_space<vmem_shared>>
      tpu.enqueue_indirect_dma source(%arg10 : memref<125x128xf32, #tpu.memory_space<vmem>>) target(%dma_start3A_68 : memref<10240x128xf32, #tpu.memory_space<vmem_shared>>) offsets(%dma_start3A_65 : memref<125xi32, #tpu.memory_space<vmem>>) semaphore(%arg15 : memref<!tpu.dma_semaphore, #tpu.memory_space<semaphore_mem>>) {add = true}
      %dma_wait3A_69 = arith.constant 1 : i32
      %dma_wait3A_70 = arith.constant 0 : i32
      %dma_wait3A_71 = tpu.memref_slice %arg8[%dma_wait3A_69, %dma_wait3A_70] : memref<16x125xi32, #tpu.memory_space<vmem>> -> memref<1x125xi32, #tpu.memory_space<vmem>>
      %dma_wait3A_72 = tpu.memref_squeeze %dma_wait3A_71 : memref<1x125xi32, #tpu.memory_space<vmem>> -> memref<125xi32, #tpu.memory_space<vmem>>
      %dma_wait3A_73 = arith.constant 0 : i32
      %dma_wait3A_74 = arith.constant 0 : i32
      %dma_wait3A_75 = tpu.memref_slice %arg11[%dma_wait3A_73, %dma_wait3A_74] : memref<10240x128xf32, #tpu.memory_space<vmem_shared>> -> memref<10240x128xf32, #tpu.memory_space<vmem_shared>>
      tpu.wait_indirect_dma semaphore(%arg15 : memref<!tpu.dma_semaphore, #tpu.memory_space<semaphore_mem>>) src(%arg10 : memref<125x128xf32, #tpu.memory_space<vmem>>) dst(%dma_wait3A_75 : memref<10240x128xf32, #tpu.memory_space<vmem_shared>>)
      %dma_start3A_76 = arith.constant 3 : i32
      %dma_start3A_77 = arith.constant 0 : i32
      %dma_start3A_78 = tpu.memref_slice %arg7[%dma_start3A_76, %dma_start3A_77] : memref<16x125xi32, #tpu.memory_space<vmem>> -> memref<1x125xi32, #tpu.memory_space<vmem>>
      %dma_start3A_79 = tpu.memref_squeeze %dma_start3A_78 : memref<1x125xi32, #tpu.memory_space<vmem>> -> memref<125xi32, #tpu.memory_space<vmem>>
      %dma_start3A_80 = arith.constant 0 : i32
      %dma_start3A_81 = arith.constant 0 : i32
      %dma_start3A_82 = tpu.memref_slice %arg2[%dma_start3A_80, %dma_start3A_81] : memref<20000x128xf32, #tpu.memory_space<hbm>> -> memref<20000x128xf32, #tpu.memory_space<hbm>>
      tpu.enqueue_indirect_dma source(%dma_start3A_82 : memref<20000x128xf32, #tpu.memory_space<hbm>>) target(%arg10 : memref<125x128xf32, #tpu.memory_space<vmem>>) offsets(%dma_start3A_79 : memref<125xi32, #tpu.memory_space<vmem>>) semaphore(%arg13 : memref<!tpu.dma_semaphore, #tpu.memory_space<semaphore_mem>>)
      %dma_wait3A_83 = arith.constant 2 : i32
      %dma_wait3A_84 = arith.constant 0 : i32
      %dma_wait3A_85 = tpu.memref_slice %arg7[%dma_wait3A_83, %dma_wait3A_84] : memref<16x125xi32, #tpu.memory_space<vmem>> -> memref<1x125xi32, #tpu.memory_space<vmem>>
      %dma_wait3A_86 = tpu.memref_squeeze %dma_wait3A_85 : memref<1x125xi32, #tpu.memory_space<vmem>> -> memref<125xi32, #tpu.memory_space<vmem>>
      %dma_wait3A_87 = arith.constant 0 : i32
      %dma_wait3A_88 = arith.constant 0 : i32
      %dma_wait3A_89 = tpu.memref_slice %arg2[%dma_wait3A_87, %dma_wait3A_88] : memref<20000x128xf32, #tpu.memory_space<hbm>> -> memref<20000x128xf32, #tpu.memory_space<hbm>>
      tpu.wait_indirect_dma semaphore(%arg12 : memref<!tpu.dma_semaphore, #tpu.memory_space<semaphore_mem>>) src(%dma_wait3A_89 : memref<20000x128xf32, #tpu.memory_space<hbm>>) dst(%arg9 : memref<125x128xf32, #tpu.memory_space<vmem>>)
      %dma_start3A_90 = arith.constant 2 : i32
      %dma_start3A_91 = arith.constant 0 : i32
      %dma_start3A_92 = tpu.memref_slice %arg8[%dma_start3A_90, %dma_start3A_91] : memref<16x125xi32, #tpu.memory_space<vmem>> -> memref<1x125xi32, #tpu.memory_space<vmem>>
      %dma_start3A_93 = tpu.memref_squeeze %dma_start3A_92 : memref<1x125xi32, #tpu.memory_space<vmem>> -> memref<125xi32, #tpu.memory_space<vmem>>
      %dma_start3A_94 = arith.constant 0 : i32
      %dma_start3A_95 = arith.constant 0 : i32
      %dma_start3A_96 = tpu.memref_slice %arg11[%dma_start3A_94, %dma_start3A_95] : memref<10240x128xf32, #tpu.memory_space<vmem_shared>> -> memref<10240x128xf32, #tpu.memory_space<vmem_shared>>
      tpu.enqueue_indirect_dma source(%arg9 : memref<125x128xf32, #tpu.memory_space<vmem>>) target(%dma_start3A_96 : memref<10240x128xf32, #tpu.memory_space<vmem_shared>>) offsets(%dma_start3A_93 : memref<125xi32, #tpu.memory_space<vmem>>) semaphore(%arg14 : memref<!tpu.dma_semaphore, #tpu.memory_space<semaphore_mem>>) {add = true}
      %dma_wait3A_97 = arith.constant 2 : i32
      %dma_wait3A_98 = arith.constant 0 : i32
      %dma_wait3A_99 = tpu.memref_slice %arg8[%dma_wait3A_97, %dma_wait3A_98] : memref<16x125xi32, #tpu.memory_space<vmem>> -> memref<1x125xi32, #tpu.memory_space<vmem>>
      %dma_wait3A_100 = tpu.memref_squeeze %dma_wait3A_99 : memref<1x125xi32, #tpu.memory_space<vmem>> -> memref<125xi32, #tpu.memory_space<vmem>>
      %dma_wait3A_101 = arith.constant 0 : i32
      %dma_wait3A_102 = arith.constant 0 : i32
      %dma_wait3A_103 = tpu.memref_slice %arg11[%dma_wait3A_101, %dma_wait3A_102] : memref<10240x128xf32, #tpu.memory_space<vmem_shared>> -> memref<10240x128xf32, #tpu.memory_space<vmem_shared>>
      tpu.wait_indirect_dma semaphore(%arg14 : memref<!tpu.dma_semaphore, #tpu.memory_space<semaphore_mem>>) src(%arg9 : memref<125x128xf32, #tpu.memory_space<vmem>>) dst(%dma_wait3A_103 : memref<10240x128xf32, #tpu.memory_space<vmem_shared>>)
      %dma_start3A_104 = arith.constant 4 : i32
      %dma_start3A_105 = arith.constant 0 : i32
      %dma_start3A_106 = tpu.memref_slice %arg7[%dma_start3A_104, %dma_start3A_105] : memref<16x125xi32, #tpu.memory_space<vmem>> -> memref<1x125xi32, #tpu.memory_space<vmem>>
      %dma_start3A_107 = tpu.memref_squeeze %dma_start3A_106 : memref<1x125xi32, #tpu.memory_space<vmem>> -> memref<125xi32, #tpu.memory_space<vmem>>
      %dma_start3A_108 = arith.constant 0 : i32
      %dma_start3A_109 = arith.constant 0 : i32
      %dma_start3A_110 = tpu.memref_slice %arg2[%dma_start3A_108, %dma_start3A_109] : memref<20000x128xf32, #tpu.memory_space<hbm>> -> memref<20000x128xf32, #tpu.memory_space<hbm>>
      tpu.enqueue_indirect_dma source(%dma_start3A_110 : memref<20000x128xf32, #tpu.memory_space<hbm>>) target(%arg9 : memref<125x128xf32, #tpu.memory_space<vmem>>) offsets(%dma_start3A_107 : memref<125xi32, #tpu.memory_space<vmem>>) semaphore(%arg12 : memref<!tpu.dma_semaphore, #tpu.memory_space<semaphore_mem>>)
      %dma_wait3A_111 = arith.constant 3 : i32
      %dma_wait3A_112 = arith.constant 0 : i32
      %dma_wait3A_113 = tpu.memref_slice %arg7[%dma_wait3A_111, %dma_wait3A_112] : memref<16x125xi32, #tpu.memory_space<vmem>> -> memref<1x125xi32, #tpu.memory_space<vmem>>
      %dma_wait3A_114 = tpu.memref_squeeze %dma_wait3A_113 : memref<1x125xi32, #tpu.memory_space<vmem>> -> memref<125xi32, #tpu.memory_space<vmem>>
      %dma_wait3A_115 = arith.constant 0 : i32
      %dma_wait3A_116 = arith.constant 0 : i32
      %dma_wait3A_117 = tpu.memref_slice %arg2[%dma_wait3A_115, %dma_wait3A_116] : memref<20000x128xf32, #tpu.memory_space<hbm>> -> memref<20000x128xf32, #tpu.memory_space<hbm>>
      tpu.wait_indirect_dma semaphore(%arg13 : memref<!tpu.dma_semaphore, #tpu.memory_space<semaphore_mem>>) src(%dma_wait3A_117 : memref<20000x128xf32, #tpu.memory_space<hbm>>) dst(%arg10 : memref<125x128xf32, #tpu.memory_space<vmem>>)
      %dma_start3A_118 = arith.constant 3 : i32
      %dma_start3A_119 = arith.constant 0 : i32
      %dma_start3A_120 = tpu.memref_slice %arg8[%dma_start3A_118, %dma_start3A_119] : memref<16x125xi32, #tpu.memory_space<vmem>> -> memref<1x125xi32, #tpu.memory_space<vmem>>
      %dma_start3A_121 = tpu.memref_squeeze %dma_start3A_120 : memref<1x125xi32, #tpu.memory_space<vmem>> -> memref<125xi32, #tpu.memory_space<vmem>>
      %dma_start3A_122 = arith.constant 0 : i32
      %dma_start3A_123 = arith.constant 0 : i32
      %dma_start3A_124 = tpu.memref_slice %arg11[%dma_start3A_122, %dma_start3A_123] : memref<10240x128xf32, #tpu.memory_space<vmem_shared>> -> memref<10240x128xf32, #tpu.memory_space<vmem_shared>>
      tpu.enqueue_indirect_dma source(%arg10 : memref<125x128xf32, #tpu.memory_space<vmem>>) target(%dma_start3A_124 : memref<10240x128xf32, #tpu.memory_space<vmem_shared>>) offsets(%dma_start3A_121 : memref<125xi32, #tpu.memory_space<vmem>>) semaphore(%arg15 : memref<!tpu.dma_semaphore, #tpu.memory_space<semaphore_mem>>) {add = true}
      %dma_wait3A_125 = arith.constant 3 : i32
      %dma_wait3A_126 = arith.constant 0 : i32
      %dma_wait3A_127 = tpu.memref_slice %arg8[%dma_wait3A_125, %dma_wait3A_126] : memref<16x125xi32, #tpu.memory_space<vmem>> -> memref<1x125xi32, #tpu.memory_space<vmem>>
      %dma_wait3A_128 = tpu.memref_squeeze %dma_wait3A_127 : memref<1x125xi32, #tpu.memory_space<vmem>> -> memref<125xi32, #tpu.memory_space<vmem>>
      %dma_wait3A_129 = arith.constant 0 : i32
      %dma_wait3A_130 = arith.constant 0 : i32
      %dma_wait3A_131 = tpu.memref_slice %arg11[%dma_wait3A_129, %dma_wait3A_130] : memref<10240x128xf32, #tpu.memory_space<vmem_shared>> -> memref<10240x128xf32, #tpu.memory_space<vmem_shared>>
      tpu.wait_indirect_dma semaphore(%arg15 : memref<!tpu.dma_semaphore, #tpu.memory_space<semaphore_mem>>) src(%arg10 : memref<125x128xf32, #tpu.memory_space<vmem>>) dst(%dma_wait3A_131 : memref<10240x128xf32, #tpu.memory_space<vmem_shared>>)
      %dma_start3A_132 = arith.constant 5 : i32
      %dma_start3A_133 = arith.constant 0 : i32
      %dma_start3A_134 = tpu.memref_slice %arg7[%dma_start3A_132, %dma_start3A_133] : memref<16x125xi32, #tpu.memory_space<vmem>> -> memref<1x125xi32, #tpu.memory_space<vmem>>
      %dma_start3A_135 = tpu.memref_squeeze %dma_start3A_134 : memref<1x125xi32, #tpu.memory_space<vmem>> -> memref<125xi32, #tpu.memory_space<vmem>>
      %dma_start3A_136 = arith.constant 0 : i32
      %dma_start3A_137 = arith.constant 0 : i32
      %dma_start3A_138 = tpu.memref_slice %arg2[%dma_start3A_136, %dma_start3A_137] : memref<20000x128xf32, #tpu.memory_space<hbm>> -> memref<20000x128xf32, #tpu.memory_space<hbm>>
      tpu.enqueue_indirect_dma source(%dma_start3A_138 : memref<20000x128xf32, #tpu.memory_space<hbm>>) target(%arg10 : memref<125x128xf32, #tpu.memory_space<vmem>>) offsets(%dma_start3A_135 : memref<125xi32, #tpu.memory_space<vmem>>) semaphore(%arg13 : memref<!tpu.dma_semaphore, #tpu.memory_space<semaphore_mem>>)
      %dma_wait3A_139 = arith.constant 4 : i32
      %dma_wait3A_140 = arith.constant 0 : i32
      %dma_wait3A_141 = tpu.memref_slice %arg7[%dma_wait3A_139, %dma_wait3A_140] : memref<16x125xi32, #tpu.memory_space<vmem>> -> memref<1x125xi32, #tpu.memory_space<vmem>>
      %dma_wait3A_142 = tpu.memref_squeeze %dma_wait3A_141 : memref<1x125xi32, #tpu.memory_space<vmem>> -> memref<125xi32, #tpu.memory_space<vmem>>
      %dma_wait3A_143 = arith.constant 0 : i32
      %dma_wait3A_144 = arith.constant 0 : i32
      %dma_wait3A_145 = tpu.memref_slice %arg2[%dma_wait3A_143, %dma_wait3A_144] : memref<20000x128xf32, #tpu.memory_space<hbm>> -> memref<20000x128xf32, #tpu.memory_space<hbm>>
      tpu.wait_indirect_dma semaphore(%arg12 : memref<!tpu.dma_semaphore, #tpu.memory_space<semaphore_mem>>) src(%dma_wait3A_145 : memref<20000x128xf32, #tpu.memory_space<hbm>>) dst(%arg9 : memref<125x128xf32, #tpu.memory_space<vmem>>)
      %dma_start3A_146 = arith.constant 4 : i32
      %dma_start3A_147 = arith.constant 0 : i32
      %dma_start3A_148 = tpu.memref_slice %arg8[%dma_start3A_146, %dma_start3A_147] : memref<16x125xi32, #tpu.memory_space<vmem>> -> memref<1x125xi32, #tpu.memory_space<vmem>>
      %dma_start3A_149 = tpu.memref_squeeze %dma_start3A_148 : memref<1x125xi32, #tpu.memory_space<vmem>> -> memref<125xi32, #tpu.memory_space<vmem>>
      %dma_start3A_150 = arith.constant 0 : i32
      %dma_start3A_151 = arith.constant 0 : i32
      %dma_start3A_152 = tpu.memref_slice %arg11[%dma_start3A_150, %dma_start3A_151] : memref<10240x128xf32, #tpu.memory_space<vmem_shared>> -> memref<10240x128xf32, #tpu.memory_space<vmem_shared>>
      tpu.enqueue_indirect_dma source(%arg9 : memref<125x128xf32, #tpu.memory_space<vmem>>) target(%dma_start3A_152 : memref<10240x128xf32, #tpu.memory_space<vmem_shared>>) offsets(%dma_start3A_149 : memref<125xi32, #tpu.memory_space<vmem>>) semaphore(%arg14 : memref<!tpu.dma_semaphore, #tpu.memory_space<semaphore_mem>>) {add = true}
      %dma_wait3A_153 = arith.constant 4 : i32
      %dma_wait3A_154 = arith.constant 0 : i32
      %dma_wait3A_155 = tpu.memref_slice %arg8[%dma_wait3A_153, %dma_wait3A_154] : memref<16x125xi32, #tpu.memory_space<vmem>> -> memref<1x125xi32, #tpu.memory_space<vmem>>
      %dma_wait3A_156 = tpu.memref_squeeze %dma_wait3A_155 : memref<1x125xi32, #tpu.memory_space<vmem>> -> memref<125xi32, #tpu.memory_space<vmem>>
      %dma_wait3A_157 = arith.constant 0 : i32
      %dma_wait3A_158 = arith.constant 0 : i32
      %dma_wait3A_159 = tpu.memref_slice %arg11[%dma_wait3A_157, %dma_wait3A_158] : memref<10240x128xf32, #tpu.memory_space<vmem_shared>> -> memref<10240x128xf32, #tpu.memory_space<vmem_shared>>
      tpu.wait_indirect_dma semaphore(%arg14 : memref<!tpu.dma_semaphore, #tpu.memory_space<semaphore_mem>>) src(%arg9 : memref<125x128xf32, #tpu.memory_space<vmem>>) dst(%dma_wait3A_159 : memref<10240x128xf32, #tpu.memory_space<vmem_shared>>)
      %dma_start3A_160 = arith.constant 6 : i32
      %dma_start3A_161 = arith.constant 0 : i32
      %dma_start3A_162 = tpu.memref_slice %arg7[%dma_start3A_160, %dma_start3A_161] : memref<16x125xi32, #tpu.memory_space<vmem>> -> memref<1x125xi32, #tpu.memory_space<vmem>>
      %dma_start3A_163 = tpu.memref_squeeze %dma_start3A_162 : memref<1x125xi32, #tpu.memory_space<vmem>> -> memref<125xi32, #tpu.memory_space<vmem>>
      %dma_start3A_164 = arith.constant 0 : i32
      %dma_start3A_165 = arith.constant 0 : i32
      %dma_start3A_166 = tpu.memref_slice %arg2[%dma_start3A_164, %dma_start3A_165] : memref<20000x128xf32, #tpu.memory_space<hbm>> -> memref<20000x128xf32, #tpu.memory_space<hbm>>
      tpu.enqueue_indirect_dma source(%dma_start3A_166 : memref<20000x128xf32, #tpu.memory_space<hbm>>) target(%arg9 : memref<125x128xf32, #tpu.memory_space<vmem>>) offsets(%dma_start3A_163 : memref<125xi32, #tpu.memory_space<vmem>>) semaphore(%arg12 : memref<!tpu.dma_semaphore, #tpu.memory_space<semaphore_mem>>)
      %dma_wait3A_167 = arith.constant 5 : i32
      %dma_wait3A_168 = arith.constant 0 : i32
      %dma_wait3A_169 = tpu.memref_slice %arg7[%dma_wait3A_167, %dma_wait3A_168] : memref<16x125xi32, #tpu.memory_space<vmem>> -> memref<1x125xi32, #tpu.memory_space<vmem>>
      %dma_wait3A_170 = tpu.memref_squeeze %dma_wait3A_169 : memref<1x125xi32, #tpu.memory_space<vmem>> -> memref<125xi32, #tpu.memory_space<vmem>>
      %dma_wait3A_171 = arith.constant 0 : i32
      %dma_wait3A_172 = arith.constant 0 : i32
      %dma_wait3A_173 = tpu.memref_slice %arg2[%dma_wait3A_171, %dma_wait3A_172] : memref<20000x128xf32, #tpu.memory_space<hbm>> -> memref<20000x128xf32, #tpu.memory_space<hbm>>
      tpu.wait_indirect_dma semaphore(%arg13 : memref<!tpu.dma_semaphore, #tpu.memory_space<semaphore_mem>>) src(%dma_wait3A_173 : memref<20000x128xf32, #tpu.memory_space<hbm>>) dst(%arg10 : memref<125x128xf32, #tpu.memory_space<vmem>>)
      %dma_start3A_174 = arith.constant 5 : i32
      %dma_start3A_175 = arith.constant 0 : i32
      %dma_start3A_176 = tpu.memref_slice %arg8[%dma_start3A_174, %dma_start3A_175] : memref<16x125xi32, #tpu.memory_space<vmem>> -> memref<1x125xi32, #tpu.memory_space<vmem>>
      %dma_start3A_177 = tpu.memref_squeeze %dma_start3A_176 : memref<1x125xi32, #tpu.memory_space<vmem>> -> memref<125xi32, #tpu.memory_space<vmem>>
      %dma_start3A_178 = arith.constant 0 : i32
      %dma_start3A_179 = arith.constant 0 : i32
      %dma_start3A_180 = tpu.memref_slice %arg11[%dma_start3A_178, %dma_start3A_179] : memref<10240x128xf32, #tpu.memory_space<vmem_shared>> -> memref<10240x128xf32, #tpu.memory_space<vmem_shared>>
      tpu.enqueue_indirect_dma source(%arg10 : memref<125x128xf32, #tpu.memory_space<vmem>>) target(%dma_start3A_180 : memref<10240x128xf32, #tpu.memory_space<vmem_shared>>) offsets(%dma_start3A_177 : memref<125xi32, #tpu.memory_space<vmem>>) semaphore(%arg15 : memref<!tpu.dma_semaphore, #tpu.memory_space<semaphore_mem>>) {add = true}
      %dma_wait3A_181 = arith.constant 5 : i32
      %dma_wait3A_182 = arith.constant 0 : i32
      %dma_wait3A_183 = tpu.memref_slice %arg8[%dma_wait3A_181, %dma_wait3A_182] : memref<16x125xi32, #tpu.memory_space<vmem>> -> memref<1x125xi32, #tpu.memory_space<vmem>>
      %dma_wait3A_184 = tpu.memref_squeeze %dma_wait3A_183 : memref<1x125xi32, #tpu.memory_space<vmem>> -> memref<125xi32, #tpu.memory_space<vmem>>
      %dma_wait3A_185 = arith.constant 0 : i32
      %dma_wait3A_186 = arith.constant 0 : i32
      %dma_wait3A_187 = tpu.memref_slice %arg11[%dma_wait3A_185, %dma_wait3A_186] : memref<10240x128xf32, #tpu.memory_space<vmem_shared>> -> memref<10240x128xf32, #tpu.memory_space<vmem_shared>>
      tpu.wait_indirect_dma semaphore(%arg15 : memref<!tpu.dma_semaphore, #tpu.memory_space<semaphore_mem>>) src(%arg10 : memref<125x128xf32, #tpu.memory_space<vmem>>) dst(%dma_wait3A_187 : memref<10240x128xf32, #tpu.memory_space<vmem_shared>>)
      %dma_start3A_188 = arith.constant 7 : i32
      %dma_start3A_189 = arith.constant 0 : i32
      %dma_start3A_190 = tpu.memref_slice %arg7[%dma_start3A_188, %dma_start3A_189] : memref<16x125xi32, #tpu.memory_space<vmem>> -> memref<1x125xi32, #tpu.memory_space<vmem>>
      %dma_start3A_191 = tpu.memref_squeeze %dma_start3A_190 : memref<1x125xi32, #tpu.memory_space<vmem>> -> memref<125xi32, #tpu.memory_space<vmem>>
      %dma_start3A_192 = arith.constant 0 : i32
      %dma_start3A_193 = arith.constant 0 : i32
      %dma_start3A_194 = tpu.memref_slice %arg2[%dma_start3A_192, %dma_start3A_193] : memref<20000x128xf32, #tpu.memory_space<hbm>> -> memref<20000x128xf32, #tpu.memory_space<hbm>>
      tpu.enqueue_indirect_dma source(%dma_start3A_194 : memref<20000x128xf32, #tpu.memory_space<hbm>>) target(%arg10 : memref<125x128xf32, #tpu.memory_space<vmem>>) offsets(%dma_start3A_191 : memref<125xi32, #tpu.memory_space<vmem>>) semaphore(%arg13 : memref<!tpu.dma_semaphore, #tpu.memory_space<semaphore_mem>>)
      %dma_wait3A_195 = arith.constant 6 : i32
      %dma_wait3A_196 = arith.constant 0 : i32
      %dma_wait3A_197 = tpu.memref_slice %arg7[%dma_wait3A_195, %dma_wait3A_196] : memref<16x125xi32, #tpu.memory_space<vmem>> -> memref<1x125xi32, #tpu.memory_space<vmem>>
      %dma_wait3A_198 = tpu.memref_squeeze %dma_wait3A_197 : memref<1x125xi32, #tpu.memory_space<vmem>> -> memref<125xi32, #tpu.memory_space<vmem>>
      %dma_wait3A_199 = arith.constant 0 : i32
      %dma_wait3A_200 = arith.constant 0 : i32
      %dma_wait3A_201 = tpu.memref_slice %arg2[%dma_wait3A_199, %dma_wait3A_200] : memref<20000x128xf32, #tpu.memory_space<hbm>> -> memref<20000x128xf32, #tpu.memory_space<hbm>>
      tpu.wait_indirect_dma semaphore(%arg12 : memref<!tpu.dma_semaphore, #tpu.memory_space<semaphore_mem>>) src(%dma_wait3A_201 : memref<20000x128xf32, #tpu.memory_space<hbm>>) dst(%arg9 : memref<125x128xf32, #tpu.memory_space<vmem>>)
      %dma_start3A_202 = arith.constant 6 : i32
      %dma_start3A_203 = arith.constant 0 : i32
      %dma_start3A_204 = tpu.memref_slice %arg8[%dma_start3A_202, %dma_start3A_203] : memref<16x125xi32, #tpu.memory_space<vmem>> -> memref<1x125xi32, #tpu.memory_space<vmem>>
      %dma_start3A_205 = tpu.memref_squeeze %dma_start3A_204 : memref<1x125xi32, #tpu.memory_space<vmem>> -> memref<125xi32, #tpu.memory_space<vmem>>
      %dma_start3A_206 = arith.constant 0 : i32
      %dma_start3A_207 = arith.constant 0 : i32
      %dma_start3A_208 = tpu.memref_slice %arg11[%dma_start3A_206, %dma_start3A_207] : memref<10240x128xf32, #tpu.memory_space<vmem_shared>> -> memref<10240x128xf32, #tpu.memory_space<vmem_shared>>
      tpu.enqueue_indirect_dma source(%arg9 : memref<125x128xf32, #tpu.memory_space<vmem>>) target(%dma_start3A_208 : memref<10240x128xf32, #tpu.memory_space<vmem_shared>>) offsets(%dma_start3A_205 : memref<125xi32, #tpu.memory_space<vmem>>) semaphore(%arg14 : memref<!tpu.dma_semaphore, #tpu.memory_space<semaphore_mem>>) {add = true}
      %dma_wait3A_209 = arith.constant 6 : i32
      %dma_wait3A_210 = arith.constant 0 : i32
      %dma_wait3A_211 = tpu.memref_slice %arg8[%dma_wait3A_209, %dma_wait3A_210] : memref<16x125xi32, #tpu.memory_space<vmem>> -> memref<1x125xi32, #tpu.memory_space<vmem>>
      %dma_wait3A_212 = tpu.memref_squeeze %dma_wait3A_211 : memref<1x125xi32, #tpu.memory_space<vmem>> -> memref<125xi32, #tpu.memory_space<vmem>>
      %dma_wait3A_213 = arith.constant 0 : i32
      %dma_wait3A_214 = arith.constant 0 : i32
      %dma_wait3A_215 = tpu.memref_slice %arg11[%dma_wait3A_213, %dma_wait3A_214] : memref<10240x128xf32, #tpu.memory_space<vmem_shared>> -> memref<10240x128xf32, #tpu.memory_space<vmem_shared>>
      tpu.wait_indirect_dma semaphore(%arg14 : memref<!tpu.dma_semaphore, #tpu.memory_space<semaphore_mem>>) src(%arg9 : memref<125x128xf32, #tpu.memory_space<vmem>>) dst(%dma_wait3A_215 : memref<10240x128xf32, #tpu.memory_space<vmem_shared>>)
      %dma_start3A_216 = arith.constant 8 : i32
      %dma_start3A_217 = arith.constant 0 : i32
      %dma_start3A_218 = tpu.memref_slice %arg7[%dma_start3A_216, %dma_start3A_217] : memref<16x125xi32, #tpu.memory_space<vmem>> -> memref<1x125xi32, #tpu.memory_space<vmem>>
      %dma_start3A_219 = tpu.memref_squeeze %dma_start3A_218 : memref<1x125xi32, #tpu.memory_space<vmem>> -> memref<125xi32, #tpu.memory_space<vmem>>
      %dma_start3A_220 = arith.constant 0 : i32
      %dma_start3A_221 = arith.constant 0 : i32
      %dma_start3A_222 = tpu.memref_slice %arg2[%dma_start3A_220, %dma_start3A_221] : memref<20000x128xf32, #tpu.memory_space<hbm>> -> memref<20000x128xf32, #tpu.memory_space<hbm>>
      tpu.enqueue_indirect_dma source(%dma_start3A_222 : memref<20000x128xf32, #tpu.memory_space<hbm>>) target(%arg9 : memref<125x128xf32, #tpu.memory_space<vmem>>) offsets(%dma_start3A_219 : memref<125xi32, #tpu.memory_space<vmem>>) semaphore(%arg12 : memref<!tpu.dma_semaphore, #tpu.memory_space<semaphore_mem>>)
      %dma_wait3A_223 = arith.constant 7 : i32
      %dma_wait3A_224 = arith.constant 0 : i32
      %dma_wait3A_225 = tpu.memref_slice %arg7[%dma_wait3A_223, %dma_wait3A_224] : memref<16x125xi32, #tpu.memory_space<vmem>> -> memref<1x125xi32, #tpu.memory_space<vmem>>
      %dma_wait3A_226 = tpu.memref_squeeze %dma_wait3A_225 : memref<1x125xi32, #tpu.memory_space<vmem>> -> memref<125xi32, #tpu.memory_space<vmem>>
      %dma_wait3A_227 = arith.constant 0 : i32
      %dma_wait3A_228 = arith.constant 0 : i32
      %dma_wait3A_229 = tpu.memref_slice %arg2[%dma_wait3A_227, %dma_wait3A_228] : memref<20000x128xf32, #tpu.memory_space<hbm>> -> memref<20000x128xf32, #tpu.memory_space<hbm>>
      tpu.wait_indirect_dma semaphore(%arg13 : memref<!tpu.dma_semaphore, #tpu.memory_space<semaphore_mem>>) src(%dma_wait3A_229 : memref<20000x128xf32, #tpu.memory_space<hbm>>) dst(%arg10 : memref<125x128xf32, #tpu.memory_space<vmem>>)
      %dma_start3A_230 = arith.constant 7 : i32
      %dma_start3A_231 = arith.constant 0 : i32
      %dma_start3A_232 = tpu.memref_slice %arg8[%dma_start3A_230, %dma_start3A_231] : memref<16x125xi32, #tpu.memory_space<vmem>> -> memref<1x125xi32, #tpu.memory_space<vmem>>
      %dma_start3A_233 = tpu.memref_squeeze %dma_start3A_232 : memref<1x125xi32, #tpu.memory_space<vmem>> -> memref<125xi32, #tpu.memory_space<vmem>>
      %dma_start3A_234 = arith.constant 0 : i32
      %dma_start3A_235 = arith.constant 0 : i32
      %dma_start3A_236 = tpu.memref_slice %arg11[%dma_start3A_234, %dma_start3A_235] : memref<10240x128xf32, #tpu.memory_space<vmem_shared>> -> memref<10240x128xf32, #tpu.memory_space<vmem_shared>>
      tpu.enqueue_indirect_dma source(%arg10 : memref<125x128xf32, #tpu.memory_space<vmem>>) target(%dma_start3A_236 : memref<10240x128xf32, #tpu.memory_space<vmem_shared>>) offsets(%dma_start3A_233 : memref<125xi32, #tpu.memory_space<vmem>>) semaphore(%arg15 : memref<!tpu.dma_semaphore, #tpu.memory_space<semaphore_mem>>) {add = true}
      %dma_wait3A_237 = arith.constant 7 : i32
      %dma_wait3A_238 = arith.constant 0 : i32
      %dma_wait3A_239 = tpu.memref_slice %arg8[%dma_wait3A_237, %dma_wait3A_238] : memref<16x125xi32, #tpu.memory_space<vmem>> -> memref<1x125xi32, #tpu.memory_space<vmem>>
      %dma_wait3A_240 = tpu.memref_squeeze %dma_wait3A_239 : memref<1x125xi32, #tpu.memory_space<vmem>> -> memref<125xi32, #tpu.memory_space<vmem>>
      %dma_wait3A_241 = arith.constant 0 : i32
      %dma_wait3A_242 = arith.constant 0 : i32
      %dma_wait3A_243 = tpu.memref_slice %arg11[%dma_wait3A_241, %dma_wait3A_242] : memref<10240x128xf32, #tpu.memory_space<vmem_shared>> -> memref<10240x128xf32, #tpu.memory_space<vmem_shared>>
      tpu.wait_indirect_dma semaphore(%arg15 : memref<!tpu.dma_semaphore, #tpu.memory_space<semaphore_mem>>) src(%arg10 : memref<125x128xf32, #tpu.memory_space<vmem>>) dst(%dma_wait3A_243 : memref<10240x128xf32, #tpu.memory_space<vmem_shared>>)
      %dma_start3A_244 = arith.constant 9 : i32
      %dma_start3A_245 = arith.constant 0 : i32
      %dma_start3A_246 = tpu.memref_slice %arg7[%dma_start3A_244, %dma_start3A_245] : memref<16x125xi32, #tpu.memory_space<vmem>> -> memref<1x125xi32, #tpu.memory_space<vmem>>
      %dma_start3A_247 = tpu.memref_squeeze %dma_start3A_246 : memref<1x125xi32, #tpu.memory_space<vmem>> -> memref<125xi32, #tpu.memory_space<vmem>>
      %dma_start3A_248 = arith.constant 0 : i32
      %dma_start3A_249 = arith.constant 0 : i32
      %dma_start3A_250 = tpu.memref_slice %arg2[%dma_start3A_248, %dma_start3A_249] : memref<20000x128xf32, #tpu.memory_space<hbm>> -> memref<20000x128xf32, #tpu.memory_space<hbm>>
      tpu.enqueue_indirect_dma source(%dma_start3A_250 : memref<20000x128xf32, #tpu.memory_space<hbm>>) target(%arg10 : memref<125x128xf32, #tpu.memory_space<vmem>>) offsets(%dma_start3A_247 : memref<125xi32, #tpu.memory_space<vmem>>) semaphore(%arg13 : memref<!tpu.dma_semaphore, #tpu.memory_space<semaphore_mem>>)
      %dma_wait3A_251 = arith.constant 8 : i32
      %dma_wait3A_252 = arith.constant 0 : i32
      %dma_wait3A_253 = tpu.memref_slice %arg7[%dma_wait3A_251, %dma_wait3A_252] : memref<16x125xi32, #tpu.memory_space<vmem>> -> memref<1x125xi32, #tpu.memory_space<vmem>>
      %dma_wait3A_254 = tpu.memref_squeeze %dma_wait3A_253 : memref<1x125xi32, #tpu.memory_space<vmem>> -> memref<125xi32, #tpu.memory_space<vmem>>
      %dma_wait3A_255 = arith.constant 0 : i32
      %dma_wait3A_256 = arith.constant 0 : i32
      %dma_wait3A_257 = tpu.memref_slice %arg2[%dma_wait3A_255, %dma_wait3A_256] : memref<20000x128xf32, #tpu.memory_space<hbm>> -> memref<20000x128xf32, #tpu.memory_space<hbm>>
      tpu.wait_indirect_dma semaphore(%arg12 : memref<!tpu.dma_semaphore, #tpu.memory_space<semaphore_mem>>) src(%dma_wait3A_257 : memref<20000x128xf32, #tpu.memory_space<hbm>>) dst(%arg9 : memref<125x128xf32, #tpu.memory_space<vmem>>)
      %dma_start3A_258 = arith.constant 8 : i32
      %dma_start3A_259 = arith.constant 0 : i32
      %dma_start3A_260 = tpu.memref_slice %arg8[%dma_start3A_258, %dma_start3A_259] : memref<16x125xi32, #tpu.memory_space<vmem>> -> memref<1x125xi32, #tpu.memory_space<vmem>>
      %dma_start3A_261 = tpu.memref_squeeze %dma_start3A_260 : memref<1x125xi32, #tpu.memory_space<vmem>> -> memref<125xi32, #tpu.memory_space<vmem>>
      %dma_start3A_262 = arith.constant 0 : i32
      %dma_start3A_263 = arith.constant 0 : i32
      %dma_start3A_264 = tpu.memref_slice %arg11[%dma_start3A_262, %dma_start3A_263] : memref<10240x128xf32, #tpu.memory_space<vmem_shared>> -> memref<10240x128xf32, #tpu.memory_space<vmem_shared>>
      tpu.enqueue_indirect_dma source(%arg9 : memref<125x128xf32, #tpu.memory_space<vmem>>) target(%dma_start3A_264 : memref<10240x128xf32, #tpu.memory_space<vmem_shared>>) offsets(%dma_start3A_261 : memref<125xi32, #tpu.memory_space<vmem>>) semaphore(%arg14 : memref<!tpu.dma_semaphore, #tpu.memory_space<semaphore_mem>>) {add = true}
      %dma_wait3A_265 = arith.constant 8 : i32
      %dma_wait3A_266 = arith.constant 0 : i32
      %dma_wait3A_267 = tpu.memref_slice %arg8[%dma_wait3A_265, %dma_wait3A_266] : memref<16x125xi32, #tpu.memory_space<vmem>> -> memref<1x125xi32, #tpu.memory_space<vmem>>
      %dma_wait3A_268 = tpu.memref_squeeze %dma_wait3A_267 : memref<1x125xi32, #tpu.memory_space<vmem>> -> memref<125xi32, #tpu.memory_space<vmem>>
      %dma_wait3A_269 = arith.constant 0 : i32
      %dma_wait3A_270 = arith.constant 0 : i32
      %dma_wait3A_271 = tpu.memref_slice %arg11[%dma_wait3A_269, %dma_wait3A_270] : memref<10240x128xf32, #tpu.memory_space<vmem_shared>> -> memref<10240x128xf32, #tpu.memory_space<vmem_shared>>
      tpu.wait_indirect_dma semaphore(%arg14 : memref<!tpu.dma_semaphore, #tpu.memory_space<semaphore_mem>>) src(%arg9 : memref<125x128xf32, #tpu.memory_space<vmem>>) dst(%dma_wait3A_271 : memref<10240x128xf32, #tpu.memory_space<vmem_shared>>)
      %dma_start3A_272 = arith.constant 10 : i32
      %dma_start3A_273 = arith.constant 0 : i32
      %dma_start3A_274 = tpu.memref_slice %arg7[%dma_start3A_272, %dma_start3A_273] : memref<16x125xi32, #tpu.memory_space<vmem>> -> memref<1x125xi32, #tpu.memory_space<vmem>>
      %dma_start3A_275 = tpu.memref_squeeze %dma_start3A_274 : memref<1x125xi32, #tpu.memory_space<vmem>> -> memref<125xi32, #tpu.memory_space<vmem>>
      %dma_start3A_276 = arith.constant 0 : i32
      %dma_start3A_277 = arith.constant 0 : i32
      %dma_start3A_278 = tpu.memref_slice %arg2[%dma_start3A_276, %dma_start3A_277] : memref<20000x128xf32, #tpu.memory_space<hbm>> -> memref<20000x128xf32, #tpu.memory_space<hbm>>
      tpu.enqueue_indirect_dma source(%dma_start3A_278 : memref<20000x128xf32, #tpu.memory_space<hbm>>) target(%arg9 : memref<125x128xf32, #tpu.memory_space<vmem>>) offsets(%dma_start3A_275 : memref<125xi32, #tpu.memory_space<vmem>>) semaphore(%arg12 : memref<!tpu.dma_semaphore, #tpu.memory_space<semaphore_mem>>)
      %dma_wait3A_279 = arith.constant 9 : i32
      %dma_wait3A_280 = arith.constant 0 : i32
      %dma_wait3A_281 = tpu.memref_slice %arg7[%dma_wait3A_279, %dma_wait3A_280] : memref<16x125xi32, #tpu.memory_space<vmem>> -> memref<1x125xi32, #tpu.memory_space<vmem>>
      %dma_wait3A_282 = tpu.memref_squeeze %dma_wait3A_281 : memref<1x125xi32, #tpu.memory_space<vmem>> -> memref<125xi32, #tpu.memory_space<vmem>>
      %dma_wait3A_283 = arith.constant 0 : i32
      %dma_wait3A_284 = arith.constant 0 : i32
      %dma_wait3A_285 = tpu.memref_slice %arg2[%dma_wait3A_283, %dma_wait3A_284] : memref<20000x128xf32, #tpu.memory_space<hbm>> -> memref<20000x128xf32, #tpu.memory_space<hbm>>
      tpu.wait_indirect_dma semaphore(%arg13 : memref<!tpu.dma_semaphore, #tpu.memory_space<semaphore_mem>>) src(%dma_wait3A_285 : memref<20000x128xf32, #tpu.memory_space<hbm>>) dst(%arg10 : memref<125x128xf32, #tpu.memory_space<vmem>>)
      %dma_start3A_286 = arith.constant 9 : i32
      %dma_start3A_287 = arith.constant 0 : i32
      %dma_start3A_288 = tpu.memref_slice %arg8[%dma_start3A_286, %dma_start3A_287] : memref<16x125xi32, #tpu.memory_space<vmem>> -> memref<1x125xi32, #tpu.memory_space<vmem>>
      %dma_start3A_289 = tpu.memref_squeeze %dma_start3A_288 : memref<1x125xi32, #tpu.memory_space<vmem>> -> memref<125xi32, #tpu.memory_space<vmem>>
      %dma_start3A_290 = arith.constant 0 : i32
      %dma_start3A_291 = arith.constant 0 : i32
      %dma_start3A_292 = tpu.memref_slice %arg11[%dma_start3A_290, %dma_start3A_291] : memref<10240x128xf32, #tpu.memory_space<vmem_shared>> -> memref<10240x128xf32, #tpu.memory_space<vmem_shared>>
      tpu.enqueue_indirect_dma source(%arg10 : memref<125x128xf32, #tpu.memory_space<vmem>>) target(%dma_start3A_292 : memref<10240x128xf32, #tpu.memory_space<vmem_shared>>) offsets(%dma_start3A_289 : memref<125xi32, #tpu.memory_space<vmem>>) semaphore(%arg15 : memref<!tpu.dma_semaphore, #tpu.memory_space<semaphore_mem>>) {add = true}
      %dma_wait3A_293 = arith.constant 9 : i32
      %dma_wait3A_294 = arith.constant 0 : i32
      %dma_wait3A_295 = tpu.memref_slice %arg8[%dma_wait3A_293, %dma_wait3A_294] : memref<16x125xi32, #tpu.memory_space<vmem>> -> memref<1x125xi32, #tpu.memory_space<vmem>>
      %dma_wait3A_296 = tpu.memref_squeeze %dma_wait3A_295 : memref<1x125xi32, #tpu.memory_space<vmem>> -> memref<125xi32, #tpu.memory_space<vmem>>
      %dma_wait3A_297 = arith.constant 0 : i32
      %dma_wait3A_298 = arith.constant 0 : i32
      %dma_wait3A_299 = tpu.memref_slice %arg11[%dma_wait3A_297, %dma_wait3A_298] : memref<10240x128xf32, #tpu.memory_space<vmem_shared>> -> memref<10240x128xf32, #tpu.memory_space<vmem_shared>>
      tpu.wait_indirect_dma semaphore(%arg15 : memref<!tpu.dma_semaphore, #tpu.memory_space<semaphore_mem>>) src(%arg10 : memref<125x128xf32, #tpu.memory_space<vmem>>) dst(%dma_wait3A_299 : memref<10240x128xf32, #tpu.memory_space<vmem_shared>>)
      %dma_start3A_300 = arith.constant 11 : i32
      %dma_start3A_301 = arith.constant 0 : i32
      %dma_start3A_302 = tpu.memref_slice %arg7[%dma_start3A_300, %dma_start3A_301] : memref<16x125xi32, #tpu.memory_space<vmem>> -> memref<1x125xi32, #tpu.memory_space<vmem>>
      %dma_start3A_303 = tpu.memref_squeeze %dma_start3A_302 : memref<1x125xi32, #tpu.memory_space<vmem>> -> memref<125xi32, #tpu.memory_space<vmem>>
      %dma_start3A_304 = arith.constant 0 : i32
      %dma_start3A_305 = arith.constant 0 : i32
      %dma_start3A_306 = tpu.memref_slice %arg2[%dma_start3A_304, %dma_start3A_305] : memref<20000x128xf32, #tpu.memory_space<hbm>> -> memref<20000x128xf32, #tpu.memory_space<hbm>>
      tpu.enqueue_indirect_dma source(%dma_start3A_306 : memref<20000x128xf32, #tpu.memory_space<hbm>>) target(%arg10 : memref<125x128xf32, #tpu.memory_space<vmem>>) offsets(%dma_start3A_303 : memref<125xi32, #tpu.memory_space<vmem>>) semaphore(%arg13 : memref<!tpu.dma_semaphore, #tpu.memory_space<semaphore_mem>>)
      %dma_wait3A_307 = arith.constant 10 : i32
      %dma_wait3A_308 = arith.constant 0 : i32
      %dma_wait3A_309 = tpu.memref_slice %arg7[%dma_wait3A_307, %dma_wait3A_308] : memref<16x125xi32, #tpu.memory_space<vmem>> -> memref<1x125xi32, #tpu.memory_space<vmem>>
      %dma_wait3A_310 = tpu.memref_squeeze %dma_wait3A_309 : memref<1x125xi32, #tpu.memory_space<vmem>> -> memref<125xi32, #tpu.memory_space<vmem>>
      %dma_wait3A_311 = arith.constant 0 : i32
      %dma_wait3A_312 = arith.constant 0 : i32
      %dma_wait3A_313 = tpu.memref_slice %arg2[%dma_wait3A_311, %dma_wait3A_312] : memref<20000x128xf32, #tpu.memory_space<hbm>> -> memref<20000x128xf32, #tpu.memory_space<hbm>>
      tpu.wait_indirect_dma semaphore(%arg12 : memref<!tpu.dma_semaphore, #tpu.memory_space<semaphore_mem>>) src(%dma_wait3A_313 : memref<20000x128xf32, #tpu.memory_space<hbm>>) dst(%arg9 : memref<125x128xf32, #tpu.memory_space<vmem>>)
      %dma_start3A_314 = arith.constant 10 : i32
      %dma_start3A_315 = arith.constant 0 : i32
      %dma_start3A_316 = tpu.memref_slice %arg8[%dma_start3A_314, %dma_start3A_315] : memref<16x125xi32, #tpu.memory_space<vmem>> -> memref<1x125xi32, #tpu.memory_space<vmem>>
      %dma_start3A_317 = tpu.memref_squeeze %dma_start3A_316 : memref<1x125xi32, #tpu.memory_space<vmem>> -> memref<125xi32, #tpu.memory_space<vmem>>
      %dma_start3A_318 = arith.constant 0 : i32
      %dma_start3A_319 = arith.constant 0 : i32
      %dma_start3A_320 = tpu.memref_slice %arg11[%dma_start3A_318, %dma_start3A_319] : memref<10240x128xf32, #tpu.memory_space<vmem_shared>> -> memref<10240x128xf32, #tpu.memory_space<vmem_shared>>
      tpu.enqueue_indirect_dma source(%arg9 : memref<125x128xf32, #tpu.memory_space<vmem>>) target(%dma_start3A_320 : memref<10240x128xf32, #tpu.memory_space<vmem_shared>>) offsets(%dma_start3A_317 : memref<125xi32, #tpu.memory_space<vmem>>) semaphore(%arg14 : memref<!tpu.dma_semaphore, #tpu.memory_space<semaphore_mem>>) {add = true}
      %dma_wait3A_321 = arith.constant 10 : i32
      %dma_wait3A_322 = arith.constant 0 : i32
      %dma_wait3A_323 = tpu.memref_slice %arg8[%dma_wait3A_321, %dma_wait3A_322] : memref<16x125xi32, #tpu.memory_space<vmem>> -> memref<1x125xi32, #tpu.memory_space<vmem>>
      %dma_wait3A_324 = tpu.memref_squeeze %dma_wait3A_323 : memref<1x125xi32, #tpu.memory_space<vmem>> -> memref<125xi32, #tpu.memory_space<vmem>>
      %dma_wait3A_325 = arith.constant 0 : i32
      %dma_wait3A_326 = arith.constant 0 : i32
      %dma_wait3A_327 = tpu.memref_slice %arg11[%dma_wait3A_325, %dma_wait3A_326] : memref<10240x128xf32, #tpu.memory_space<vmem_shared>> -> memref<10240x128xf32, #tpu.memory_space<vmem_shared>>
      tpu.wait_indirect_dma semaphore(%arg14 : memref<!tpu.dma_semaphore, #tpu.memory_space<semaphore_mem>>) src(%arg9 : memref<125x128xf32, #tpu.memory_space<vmem>>) dst(%dma_wait3A_327 : memref<10240x128xf32, #tpu.memory_space<vmem_shared>>)
      %dma_start3A_328 = arith.constant 12 : i32
      %dma_start3A_329 = arith.constant 0 : i32
      %dma_start3A_330 = tpu.memref_slice %arg7[%dma_start3A_328, %dma_start3A_329] : memref<16x125xi32, #tpu.memory_space<vmem>> -> memref<1x125xi32, #tpu.memory_space<vmem>>
      %dma_start3A_331 = tpu.memref_squeeze %dma_start3A_330 : memref<1x125xi32, #tpu.memory_space<vmem>> -> memref<125xi32, #tpu.memory_space<vmem>>
      %dma_start3A_332 = arith.constant 0 : i32
      %dma_start3A_333 = arith.constant 0 : i32
      %dma_start3A_334 = tpu.memref_slice %arg2[%dma_start3A_332, %dma_start3A_333] : memref<20000x128xf32, #tpu.memory_space<hbm>> -> memref<20000x128xf32, #tpu.memory_space<hbm>>
      tpu.enqueue_indirect_dma source(%dma_start3A_334 : memref<20000x128xf32, #tpu.memory_space<hbm>>) target(%arg9 : memref<125x128xf32, #tpu.memory_space<vmem>>) offsets(%dma_start3A_331 : memref<125xi32, #tpu.memory_space<vmem>>) semaphore(%arg12 : memref<!tpu.dma_semaphore, #tpu.memory_space<semaphore_mem>>)
      %dma_wait3A_335 = arith.constant 11 : i32
      %dma_wait3A_336 = arith.constant 0 : i32
      %dma_wait3A_337 = tpu.memref_slice %arg7[%dma_wait3A_335, %dma_wait3A_336] : memref<16x125xi32, #tpu.memory_space<vmem>> -> memref<1x125xi32, #tpu.memory_space<vmem>>
      %dma_wait3A_338 = tpu.memref_squeeze %dma_wait3A_337 : memref<1x125xi32, #tpu.memory_space<vmem>> -> memref<125xi32, #tpu.memory_space<vmem>>
      %dma_wait3A_339 = arith.constant 0 : i32
      %dma_wait3A_340 = arith.constant 0 : i32
      %dma_wait3A_341 = tpu.memref_slice %arg2[%dma_wait3A_339, %dma_wait3A_340] : memref<20000x128xf32, #tpu.memory_space<hbm>> -> memref<20000x128xf32, #tpu.memory_space<hbm>>
      tpu.wait_indirect_dma semaphore(%arg13 : memref<!tpu.dma_semaphore, #tpu.memory_space<semaphore_mem>>) src(%dma_wait3A_341 : memref<20000x128xf32, #tpu.memory_space<hbm>>) dst(%arg10 : memref<125x128xf32, #tpu.memory_space<vmem>>)
      %dma_start3A_342 = arith.constant 11 : i32
      %dma_start3A_343 = arith.constant 0 : i32
      %dma_start3A_344 = tpu.memref_slice %arg8[%dma_start3A_342, %dma_start3A_343] : memref<16x125xi32, #tpu.memory_space<vmem>> -> memref<1x125xi32, #tpu.memory_space<vmem>>
      %dma_start3A_345 = tpu.memref_squeeze %dma_start3A_344 : memref<1x125xi32, #tpu.memory_space<vmem>> -> memref<125xi32, #tpu.memory_space<vmem>>
      %dma_start3A_346 = arith.constant 0 : i32
      %dma_start3A_347 = arith.constant 0 : i32
      %dma_start3A_348 = tpu.memref_slice %arg11[%dma_start3A_346, %dma_start3A_347] : memref<10240x128xf32, #tpu.memory_space<vmem_shared>> -> memref<10240x128xf32, #tpu.memory_space<vmem_shared>>
      tpu.enqueue_indirect_dma source(%arg10 : memref<125x128xf32, #tpu.memory_space<vmem>>) target(%dma_start3A_348 : memref<10240x128xf32, #tpu.memory_space<vmem_shared>>) offsets(%dma_start3A_345 : memref<125xi32, #tpu.memory_space<vmem>>) semaphore(%arg15 : memref<!tpu.dma_semaphore, #tpu.memory_space<semaphore_mem>>) {add = true}
      %dma_wait3A_349 = arith.constant 11 : i32
      %dma_wait3A_350 = arith.constant 0 : i32
      %dma_wait3A_351 = tpu.memref_slice %arg8[%dma_wait3A_349, %dma_wait3A_350] : memref<16x125xi32, #tpu.memory_space<vmem>> -> memref<1x125xi32, #tpu.memory_space<vmem>>
      %dma_wait3A_352 = tpu.memref_squeeze %dma_wait3A_351 : memref<1x125xi32, #tpu.memory_space<vmem>> -> memref<125xi32, #tpu.memory_space<vmem>>
      %dma_wait3A_353 = arith.constant 0 : i32
      %dma_wait3A_354 = arith.constant 0 : i32
      %dma_wait3A_355 = tpu.memref_slice %arg11[%dma_wait3A_353, %dma_wait3A_354] : memref<10240x128xf32, #tpu.memory_space<vmem_shared>> -> memref<10240x128xf32, #tpu.memory_space<vmem_shared>>
      tpu.wait_indirect_dma semaphore(%arg15 : memref<!tpu.dma_semaphore, #tpu.memory_space<semaphore_mem>>) src(%arg10 : memref<125x128xf32, #tpu.memory_space<vmem>>) dst(%dma_wait3A_355 : memref<10240x128xf32, #tpu.memory_space<vmem_shared>>)
      %dma_start3A_356 = arith.constant 13 : i32
      %dma_start3A_357 = arith.constant 0 : i32
      %dma_start3A_358 = tpu.memref_slice %arg7[%dma_start3A_356, %dma_start3A_357] : memref<16x125xi32, #tpu.memory_space<vmem>> -> memref<1x125xi32, #tpu.memory_space<vmem>>
      %dma_start3A_359 = tpu.memref_squeeze %dma_start3A_358 : memref<1x125xi32, #tpu.memory_space<vmem>> -> memref<125xi32, #tpu.memory_space<vmem>>
      %dma_start3A_360 = arith.constant 0 : i32
      %dma_start3A_361 = arith.constant 0 : i32
      %dma_start3A_362 = tpu.memref_slice %arg2[%dma_start3A_360, %dma_start3A_361] : memref<20000x128xf32, #tpu.memory_space<hbm>> -> memref<20000x128xf32, #tpu.memory_space<hbm>>
      tpu.enqueue_indirect_dma source(%dma_start3A_362 : memref<20000x128xf32, #tpu.memory_space<hbm>>) target(%arg10 : memref<125x128xf32, #tpu.memory_space<vmem>>) offsets(%dma_start3A_359 : memref<125xi32, #tpu.memory_space<vmem>>) semaphore(%arg13 : memref<!tpu.dma_semaphore, #tpu.memory_space<semaphore_mem>>)
      %dma_wait3A_363 = arith.constant 12 : i32
      %dma_wait3A_364 = arith.constant 0 : i32
      %dma_wait3A_365 = tpu.memref_slice %arg7[%dma_wait3A_363, %dma_wait3A_364] : memref<16x125xi32, #tpu.memory_space<vmem>> -> memref<1x125xi32, #tpu.memory_space<vmem>>
      %dma_wait3A_366 = tpu.memref_squeeze %dma_wait3A_365 : memref<1x125xi32, #tpu.memory_space<vmem>> -> memref<125xi32, #tpu.memory_space<vmem>>
      %dma_wait3A_367 = arith.constant 0 : i32
      %dma_wait3A_368 = arith.constant 0 : i32
      %dma_wait3A_369 = tpu.memref_slice %arg2[%dma_wait3A_367, %dma_wait3A_368] : memref<20000x128xf32, #tpu.memory_space<hbm>> -> memref<20000x128xf32, #tpu.memory_space<hbm>>
      tpu.wait_indirect_dma semaphore(%arg12 : memref<!tpu.dma_semaphore, #tpu.memory_space<semaphore_mem>>) src(%dma_wait3A_369 : memref<20000x128xf32, #tpu.memory_space<hbm>>) dst(%arg9 : memref<125x128xf32, #tpu.memory_space<vmem>>)
      %dma_start3A_370 = arith.constant 12 : i32
      %dma_start3A_371 = arith.constant 0 : i32
      %dma_start3A_372 = tpu.memref_slice %arg8[%dma_start3A_370, %dma_start3A_371] : memref<16x125xi32, #tpu.memory_space<vmem>> -> memref<1x125xi32, #tpu.memory_space<vmem>>
      %dma_start3A_373 = tpu.memref_squeeze %dma_start3A_372 : memref<1x125xi32, #tpu.memory_space<vmem>> -> memref<125xi32, #tpu.memory_space<vmem>>
      %dma_start3A_374 = arith.constant 0 : i32
      %dma_start3A_375 = arith.constant 0 : i32
      %dma_start3A_376 = tpu.memref_slice %arg11[%dma_start3A_374, %dma_start3A_375] : memref<10240x128xf32, #tpu.memory_space<vmem_shared>> -> memref<10240x128xf32, #tpu.memory_space<vmem_shared>>
      tpu.enqueue_indirect_dma source(%arg9 : memref<125x128xf32, #tpu.memory_space<vmem>>) target(%dma_start3A_376 : memref<10240x128xf32, #tpu.memory_space<vmem_shared>>) offsets(%dma_start3A_373 : memref<125xi32, #tpu.memory_space<vmem>>) semaphore(%arg14 : memref<!tpu.dma_semaphore, #tpu.memory_space<semaphore_mem>>) {add = true}
      %dma_wait3A_377 = arith.constant 12 : i32
      %dma_wait3A_378 = arith.constant 0 : i32
      %dma_wait3A_379 = tpu.memref_slice %arg8[%dma_wait3A_377, %dma_wait3A_378] : memref<16x125xi32, #tpu.memory_space<vmem>> -> memref<1x125xi32, #tpu.memory_space<vmem>>
      %dma_wait3A_380 = tpu.memref_squeeze %dma_wait3A_379 : memref<1x125xi32, #tpu.memory_space<vmem>> -> memref<125xi32, #tpu.memory_space<vmem>>
      %dma_wait3A_381 = arith.constant 0 : i32
      %dma_wait3A_382 = arith.constant 0 : i32
      %dma_wait3A_383 = tpu.memref_slice %arg11[%dma_wait3A_381, %dma_wait3A_382] : memref<10240x128xf32, #tpu.memory_space<vmem_shared>> -> memref<10240x128xf32, #tpu.memory_space<vmem_shared>>
      tpu.wait_indirect_dma semaphore(%arg14 : memref<!tpu.dma_semaphore, #tpu.memory_space<semaphore_mem>>) src(%arg9 : memref<125x128xf32, #tpu.memory_space<vmem>>) dst(%dma_wait3A_383 : memref<10240x128xf32, #tpu.memory_space<vmem_shared>>)
      %dma_start3A_384 = arith.constant 14 : i32
      %dma_start3A_385 = arith.constant 0 : i32
      %dma_start3A_386 = tpu.memref_slice %arg7[%dma_start3A_384, %dma_start3A_385] : memref<16x125xi32, #tpu.memory_space<vmem>> -> memref<1x125xi32, #tpu.memory_space<vmem>>
      %dma_start3A_387 = tpu.memref_squeeze %dma_start3A_386 : memref<1x125xi32, #tpu.memory_space<vmem>> -> memref<125xi32, #tpu.memory_space<vmem>>
      %dma_start3A_388 = arith.constant 0 : i32
      %dma_start3A_389 = arith.constant 0 : i32
      %dma_start3A_390 = tpu.memref_slice %arg2[%dma_start3A_388, %dma_start3A_389] : memref<20000x128xf32, #tpu.memory_space<hbm>> -> memref<20000x128xf32, #tpu.memory_space<hbm>>
      tpu.enqueue_indirect_dma source(%dma_start3A_390 : memref<20000x128xf32, #tpu.memory_space<hbm>>) target(%arg9 : memref<125x128xf32, #tpu.memory_space<vmem>>) offsets(%dma_start3A_387 : memref<125xi32, #tpu.memory_space<vmem>>) semaphore(%arg12 : memref<!tpu.dma_semaphore, #tpu.memory_space<semaphore_mem>>)
      %dma_wait3A_391 = arith.constant 13 : i32
      %dma_wait3A_392 = arith.constant 0 : i32
      %dma_wait3A_393 = tpu.memref_slice %arg7[%dma_wait3A_391, %dma_wait3A_392] : memref<16x125xi32, #tpu.memory_space<vmem>> -> memref<1x125xi32, #tpu.memory_space<vmem>>
      %dma_wait3A_394 = tpu.memref_squeeze %dma_wait3A_393 : memref<1x125xi32, #tpu.memory_space<vmem>> -> memref<125xi32, #tpu.memory_space<vmem>>
      %dma_wait3A_395 = arith.constant 0 : i32
      %dma_wait3A_396 = arith.constant 0 : i32
      %dma_wait3A_397 = tpu.memref_slice %arg2[%dma_wait3A_395, %dma_wait3A_396] : memref<20000x128xf32, #tpu.memory_space<hbm>> -> memref<20000x128xf32, #tpu.memory_space<hbm>>
      tpu.wait_indirect_dma semaphore(%arg13 : memref<!tpu.dma_semaphore, #tpu.memory_space<semaphore_mem>>) src(%dma_wait3A_397 : memref<20000x128xf32, #tpu.memory_space<hbm>>) dst(%arg10 : memref<125x128xf32, #tpu.memory_space<vmem>>)
      %dma_start3A_398 = arith.constant 13 : i32
      %dma_start3A_399 = arith.constant 0 : i32
      %dma_start3A_400 = tpu.memref_slice %arg8[%dma_start3A_398, %dma_start3A_399] : memref<16x125xi32, #tpu.memory_space<vmem>> -> memref<1x125xi32, #tpu.memory_space<vmem>>
      %dma_start3A_401 = tpu.memref_squeeze %dma_start3A_400 : memref<1x125xi32, #tpu.memory_space<vmem>> -> memref<125xi32, #tpu.memory_space<vmem>>
      %dma_start3A_402 = arith.constant 0 : i32
      %dma_start3A_403 = arith.constant 0 : i32
      %dma_start3A_404 = tpu.memref_slice %arg11[%dma_start3A_402, %dma_start3A_403] : memref<10240x128xf32, #tpu.memory_space<vmem_shared>> -> memref<10240x128xf32, #tpu.memory_space<vmem_shared>>
      tpu.enqueue_indirect_dma source(%arg10 : memref<125x128xf32, #tpu.memory_space<vmem>>) target(%dma_start3A_404 : memref<10240x128xf32, #tpu.memory_space<vmem_shared>>) offsets(%dma_start3A_401 : memref<125xi32, #tpu.memory_space<vmem>>) semaphore(%arg15 : memref<!tpu.dma_semaphore, #tpu.memory_space<semaphore_mem>>) {add = true}
      %dma_wait3A_405 = arith.constant 13 : i32
      %dma_wait3A_406 = arith.constant 0 : i32
      %dma_wait3A_407 = tpu.memref_slice %arg8[%dma_wait3A_405, %dma_wait3A_406] : memref<16x125xi32, #tpu.memory_space<vmem>> -> memref<1x125xi32, #tpu.memory_space<vmem>>
      %dma_wait3A_408 = tpu.memref_squeeze %dma_wait3A_407 : memref<1x125xi32, #tpu.memory_space<vmem>> -> memref<125xi32, #tpu.memory_space<vmem>>
      %dma_wait3A_409 = arith.constant 0 : i32
      %dma_wait3A_410 = arith.constant 0 : i32
      %dma_wait3A_411 = tpu.memref_slice %arg11[%dma_wait3A_409, %dma_wait3A_410] : memref<10240x128xf32, #tpu.memory_space<vmem_shared>> -> memref<10240x128xf32, #tpu.memory_space<vmem_shared>>
      tpu.wait_indirect_dma semaphore(%arg15 : memref<!tpu.dma_semaphore, #tpu.memory_space<semaphore_mem>>) src(%arg10 : memref<125x128xf32, #tpu.memory_space<vmem>>) dst(%dma_wait3A_411 : memref<10240x128xf32, #tpu.memory_space<vmem_shared>>)
      %dma_start3A_412 = arith.constant 15 : i32
      %dma_start3A_413 = arith.constant 0 : i32
      %dma_start3A_414 = tpu.memref_slice %arg7[%dma_start3A_412, %dma_start3A_413] : memref<16x125xi32, #tpu.memory_space<vmem>> -> memref<1x125xi32, #tpu.memory_space<vmem>>
      %dma_start3A_415 = tpu.memref_squeeze %dma_start3A_414 : memref<1x125xi32, #tpu.memory_space<vmem>> -> memref<125xi32, #tpu.memory_space<vmem>>
      %dma_start3A_416 = arith.constant 0 : i32
      %dma_start3A_417 = arith.constant 0 : i32
      %dma_start3A_418 = tpu.memref_slice %arg2[%dma_start3A_416, %dma_start3A_417] : memref<20000x128xf32, #tpu.memory_space<hbm>> -> memref<20000x128xf32, #tpu.memory_space<hbm>>
      tpu.enqueue_indirect_dma source(%dma_start3A_418 : memref<20000x128xf32, #tpu.memory_space<hbm>>) target(%arg10 : memref<125x128xf32, #tpu.memory_space<vmem>>) offsets(%dma_start3A_415 : memref<125xi32, #tpu.memory_space<vmem>>) semaphore(%arg13 : memref<!tpu.dma_semaphore, #tpu.memory_space<semaphore_mem>>)
      %dma_wait3A_419 = arith.constant 14 : i32
      %dma_wait3A_420 = arith.constant 0 : i32
      %dma_wait3A_421 = tpu.memref_slice %arg7[%dma_wait3A_419, %dma_wait3A_420] : memref<16x125xi32, #tpu.memory_space<vmem>> -> memref<1x125xi32, #tpu.memory_space<vmem>>
      %dma_wait3A_422 = tpu.memref_squeeze %dma_wait3A_421 : memref<1x125xi32, #tpu.memory_space<vmem>> -> memref<125xi32, #tpu.memory_space<vmem>>
      %dma_wait3A_423 = arith.constant 0 : i32
      %dma_wait3A_424 = arith.constant 0 : i32
      %dma_wait3A_425 = tpu.memref_slice %arg2[%dma_wait3A_423, %dma_wait3A_424] : memref<20000x128xf32, #tpu.memory_space<hbm>> -> memref<20000x128xf32, #tpu.memory_space<hbm>>
      tpu.wait_indirect_dma semaphore(%arg12 : memref<!tpu.dma_semaphore, #tpu.memory_space<semaphore_mem>>) src(%dma_wait3A_425 : memref<20000x128xf32, #tpu.memory_space<hbm>>) dst(%arg9 : memref<125x128xf32, #tpu.memory_space<vmem>>)
      %dma_start3A_426 = arith.constant 14 : i32
      %dma_start3A_427 = arith.constant 0 : i32
      %dma_start3A_428 = tpu.memref_slice %arg8[%dma_start3A_426, %dma_start3A_427] : memref<16x125xi32, #tpu.memory_space<vmem>> -> memref<1x125xi32, #tpu.memory_space<vmem>>
      %dma_start3A_429 = tpu.memref_squeeze %dma_start3A_428 : memref<1x125xi32, #tpu.memory_space<vmem>> -> memref<125xi32, #tpu.memory_space<vmem>>
      %dma_start3A_430 = arith.constant 0 : i32
      %dma_start3A_431 = arith.constant 0 : i32
      %dma_start3A_432 = tpu.memref_slice %arg11[%dma_start3A_430, %dma_start3A_431] : memref<10240x128xf32, #tpu.memory_space<vmem_shared>> -> memref<10240x128xf32, #tpu.memory_space<vmem_shared>>
      tpu.enqueue_indirect_dma source(%arg9 : memref<125x128xf32, #tpu.memory_space<vmem>>) target(%dma_start3A_432 : memref<10240x128xf32, #tpu.memory_space<vmem_shared>>) offsets(%dma_start3A_429 : memref<125xi32, #tpu.memory_space<vmem>>) semaphore(%arg14 : memref<!tpu.dma_semaphore, #tpu.memory_space<semaphore_mem>>) {add = true}
      %dma_wait3A_433 = arith.constant 15 : i32
      %dma_wait3A_434 = arith.constant 0 : i32
      %dma_wait3A_435 = tpu.memref_slice %arg7[%dma_wait3A_433, %dma_wait3A_434] : memref<16x125xi32, #tpu.memory_space<vmem>> -> memref<1x125xi32, #tpu.memory_space<vmem>>
      %dma_wait3A_436 = tpu.memref_squeeze %dma_wait3A_435 : memref<1x125xi32, #tpu.memory_space<vmem>> -> memref<125xi32, #tpu.memory_space<vmem>>
      %dma_wait3A_437 = arith.constant 0 : i32
      %dma_wait3A_438 = arith.constant 0 : i32
      %dma_wait3A_439 = tpu.memref_slice %arg2[%dma_wait3A_437, %dma_wait3A_438] : memref<20000x128xf32, #tpu.memory_space<hbm>> -> memref<20000x128xf32, #tpu.memory_space<hbm>>
      tpu.wait_indirect_dma semaphore(%arg13 : memref<!tpu.dma_semaphore, #tpu.memory_space<semaphore_mem>>) src(%dma_wait3A_439 : memref<20000x128xf32, #tpu.memory_space<hbm>>) dst(%arg10 : memref<125x128xf32, #tpu.memory_space<vmem>>)
      %dma_start3A_440 = arith.constant 15 : i32
      %dma_start3A_441 = arith.constant 0 : i32
      %dma_start3A_442 = tpu.memref_slice %arg8[%dma_start3A_440, %dma_start3A_441] : memref<16x125xi32, #tpu.memory_space<vmem>> -> memref<1x125xi32, #tpu.memory_space<vmem>>
      %dma_start3A_443 = tpu.memref_squeeze %dma_start3A_442 : memref<1x125xi32, #tpu.memory_space<vmem>> -> memref<125xi32, #tpu.memory_space<vmem>>
      %dma_start3A_444 = arith.constant 0 : i32
      %dma_start3A_445 = arith.constant 0 : i32
      %dma_start3A_446 = tpu.memref_slice %arg11[%dma_start3A_444, %dma_start3A_445] : memref<10240x128xf32, #tpu.memory_space<vmem_shared>> -> memref<10240x128xf32, #tpu.memory_space<vmem_shared>>
      tpu.enqueue_indirect_dma source(%arg10 : memref<125x128xf32, #tpu.memory_space<vmem>>) target(%dma_start3A_446 : memref<10240x128xf32, #tpu.memory_space<vmem_shared>>) offsets(%dma_start3A_443 : memref<125xi32, #tpu.memory_space<vmem>>) semaphore(%arg15 : memref<!tpu.dma_semaphore, #tpu.memory_space<semaphore_mem>>) {add = true}
      %dma_wait3A_447 = arith.constant 14 : i32
      %dma_wait3A_448 = arith.constant 0 : i32
      %dma_wait3A_449 = tpu.memref_slice %arg8[%dma_wait3A_447, %dma_wait3A_448] : memref<16x125xi32, #tpu.memory_space<vmem>> -> memref<1x125xi32, #tpu.memory_space<vmem>>
      %dma_wait3A_450 = tpu.memref_squeeze %dma_wait3A_449 : memref<1x125xi32, #tpu.memory_space<vmem>> -> memref<125xi32, #tpu.memory_space<vmem>>
      %dma_wait3A_451 = arith.constant 0 : i32
      %dma_wait3A_452 = arith.constant 0 : i32
      %dma_wait3A_453 = tpu.memref_slice %arg11[%dma_wait3A_451, %dma_wait3A_452] : memref<10240x128xf32, #tpu.memory_space<vmem_shared>> -> memref<10240x128xf32, #tpu.memory_space<vmem_shared>>
      tpu.wait_indirect_dma semaphore(%arg14 : memref<!tpu.dma_semaphore, #tpu.memory_space<semaphore_mem>>) src(%arg9 : memref<125x128xf32, #tpu.memory_space<vmem>>) dst(%dma_wait3A_453 : memref<10240x128xf32, #tpu.memory_space<vmem_shared>>)
      %dma_wait3A_454 = arith.constant 15 : i32
      %dma_wait3A_455 = arith.constant 0 : i32
      %dma_wait3A_456 = tpu.memref_slice %arg8[%dma_wait3A_454, %dma_wait3A_455] : memref<16x125xi32, #tpu.memory_space<vmem>> -> memref<1x125xi32, #tpu.memory_space<vmem>>
      %dma_wait3A_457 = tpu.memref_squeeze %dma_wait3A_456 : memref<1x125xi32, #tpu.memory_space<vmem>> -> memref<125xi32, #tpu.memory_space<vmem>>
      %dma_wait3A_458 = arith.constant 0 : i32
      %dma_wait3A_459 = arith.constant 0 : i32
      %dma_wait3A_460 = tpu.memref_slice %arg11[%dma_wait3A_458, %dma_wait3A_459] : memref<10240x128xf32, #tpu.memory_space<vmem_shared>> -> memref<10240x128xf32, #tpu.memory_space<vmem_shared>>
      tpu.wait_indirect_dma semaphore(%arg15 : memref<!tpu.dma_semaphore, #tpu.memory_space<semaphore_mem>>) src(%arg10 : memref<125x128xf32, #tpu.memory_space<vmem>>) dst(%dma_wait3A_460 : memref<10240x128xf32, #tpu.memory_space<vmem_shared>>)
      %scan3A_461 = arith.constant 0 : i32
      scf.yield %scan3A_461 : i32
    }
    %scan3A_8 = arith.constant 10 : i32
    %barrier3A_9 = arith.constant 0 : index
    tpu.barrier barrier_id(%barrier3A_9)
    "tpu.region"() ({
      %run_scoped3A = tpu.sem_alloc : memref<!tpu.dma_semaphore, #tpu.memory_space<semaphore_mem>>
      %dma_start3A = arith.constant 0 : i32
      %dma_start3A_10 = tpu.memref_slice %arg6[%arg0, %multiple_of3A, %dma_start3A] : memref<2x10240x128xf32, #tpu.memory_space<hbm>> -> memref<1x640x128xf32, #tpu.memory_space<hbm>>
      %dma_start3A_11 = tpu.memref_squeeze %dma_start3A_10 : memref<1x640x128xf32, #tpu.memory_space<hbm>> -> memref<640x128xf32, #tpu.memory_space<hbm>>
      %dma_start3A_12 = arith.constant 0 : i32
      %dma_start3A_13 = tpu.memref_slice %arg11[%multiple_of3A, %dma_start3A_12] : memref<10240x128xf32, #tpu.memory_space<vmem_shared>> -> memref<640x128xf32, #tpu.memory_space<vmem_shared>>
      tpu.enqueue_dma source(%dma_start3A_13 : memref<640x128xf32, #tpu.memory_space<vmem_shared>>) target(%dma_start3A_11 : memref<640x128xf32, #tpu.memory_space<hbm>>) target_semaphore(%run_scoped3A : memref<!tpu.dma_semaphore, #tpu.memory_space<semaphore_mem>>)
      %dma_wait3A = arith.constant 0 : i32
      %dma_wait3A_14 = tpu.memref_slice %arg6[%arg0, %multiple_of3A, %dma_wait3A] : memref<2x10240x128xf32, #tpu.memory_space<hbm>> -> memref<1x640x128xf32, #tpu.memory_space<hbm>>
      %dma_wait3A_15 = tpu.memref_squeeze %dma_wait3A_14 : memref<1x640x128xf32, #tpu.memory_space<hbm>> -> memref<640x128xf32, #tpu.memory_space<hbm>>
      %dma_wait3A_16 = arith.constant 0 : i32
      %dma_wait3A_17 = tpu.memref_slice %arg11[%multiple_of3A, %dma_wait3A_16] : memref<10240x128xf32, #tpu.memory_space<vmem_shared>> -> memref<640x128xf32, #tpu.memory_space<vmem_shared>>
      tpu.wait_dma2 semaphore(%run_scoped3A : memref<!tpu.dma_semaphore, #tpu.memory_space<semaphore_mem>>) src(%dma_wait3A_17 : memref<640x128xf32, #tpu.memory_space<vmem_shared>>) dst(%dma_wait3A_15 : memref<640x128xf32, #tpu.memory_space<hbm>>)
      tpu.yield
    }) : () -> ()
    return
  }
}

module attributes {stable_mosaic.version = 14 : i64} {
  func.func @_mm1_body(%arg0: i32, %arg1: i32, %arg2: memref<1000x128xf32, #tpu.memory_space<vmem>>, %arg3: memref<128x128xf32, #tpu.memory_space<vmem>>, %arg4: memref<1x8x128xf32, #tpu.memory_space<vmem>>, %arg5: memref<1000x2xf32, #tpu.memory_space<vmem>>, %arg6: memref<1x1000x128xf32, #tpu.memory_space<vmem>>) attributes {dimension_semantics = [#tpu.dimension_semantics<arbitrary>, #tpu.dimension_semantics<arbitrary>], iteration_bounds = array<i64: 2, 10>, scalar_prefetch = 0 : i64, scratch_operands = 0 : i64, tpu.core_type = #tpu.core_type<tc>, window_params = [{transform_indices = @transform_0, window_bounds = array<i64: 1000, 128>}, {transform_indices = @transform_1, window_bounds = array<i64: 128, 128>}, {transform_indices = @transform_2, window_bounds = array<i64: 1, 8, 128>}, {transform_indices = @transform_3, window_bounds = array<i64: 1000, 2>}, {transform_indices = @transform_4, window_bounds = array<i64: 1, 1000, 128>}]} {
    %get3A = arith.constant 0 : index
    %get3A_0 = arith.constant 0 : index
    %get3A_1 = vector.load %arg5[%get3A, %get3A_0] : memref<1000x2xf32, #tpu.memory_space<vmem>>, vector<1000x1xf32>
    %get3A_2 = arith.constant 0 : index
    %get3A_3 = arith.constant 1 : index
    %get3A_4 = vector.load %arg5[%get3A_2, %get3A_3] : memref<1000x2xf32, #tpu.memory_space<vmem>>, vector<1000x1xf32>
    %add3A = arith.addf %get3A_1, %get3A_4 : vector<1000x1xf32>
    %add3A_5 = arith.constant 1.000000e+00 : f32
    %add3A_6 = vector.broadcast %add3A_5 : f32 to vector<1000x1xf32>
    %add3A_7 = arith.addf %add3A, %add3A_6 : vector<1000x1xf32>
    %rsqrt3A = math.rsqrt %add3A_7 : vector<1000x1xf32>
    %get3A_8 = arith.constant 0 : index
    %get3A_9 = arith.constant 0 : index
    %get3A_10 = vector.load %arg2[%get3A_8, %get3A_9] : memref<1000x128xf32, #tpu.memory_space<vmem>>, vector<1000x128xf32>
    %get3A_11 = arith.constant 0 : index
    %get3A_12 = arith.constant 0 : index
    %get3A_13 = vector.load %arg3[%get3A_11, %get3A_12] : memref<128x128xf32, #tpu.memory_space<vmem>>, vector<128x128xf32>
    %dot_general3A = arith.constant dense<0.000000e+00> : vector<1000x128xf32>
    %dot_general3A_14 = tpu.matmul %get3A_10, %get3A_13, %dot_general3A {dimension_numbers = #tpu.dot_dimension_numbers<[1], [0], [0], [1], [0, 0, 1, 1], [], []>, precision = #tpu.contract_precision<fp32>, transpose_lhs_hint = false} : vector<1000x128xf32>, vector<128x128xf32>, vector<1000x128xf32> -> vector<1000x128xf32>
    %get3A_15 = arith.constant 0 : index
    %get3A_16 = arith.constant 0 : index
    %get3A_17 = arith.constant 0 : index
    %get3A_18 = vector.load %arg4[%get3A_15, %get3A_16, %get3A_17] : memref<1x8x128xf32, #tpu.memory_space<vmem>>, vector<1x1x128xf32>
    %get3A_19 = vector.shape_cast %get3A_18 : vector<1x1x128xf32> to vector<1x128xf32>
    %add3A_20 = vector.broadcast %get3A_19 : vector<1x128xf32> to vector<1000x128xf32>
    %add3A_21 = arith.addf %dot_general3A_14, %add3A_20 : vector<1000x128xf32>
    %mul3A = vector.broadcast %rsqrt3A : vector<1000x1xf32> to vector<1000x128xf32>
    %mul3A_22 = arith.mulf %add3A_21, %mul3A : vector<1000x128xf32>
    %swap3A = arith.constant 0 : index
    %swap3A_23 = arith.constant 0 : index
    %swap3A_24 = arith.constant 0 : index
    %swap3A_25 = vector.load %arg6[%swap3A, %swap3A_23, %swap3A_24] : memref<1x1000x128xf32, #tpu.memory_space<vmem>>, vector<1x1000x128xf32>
    %swap3A_26 = vector.shape_cast %swap3A_25 : vector<1x1000x128xf32> to vector<1000x128xf32>
    %swap3A_27 = vector.shape_cast %mul3A_22 : vector<1000x128xf32> to vector<1x1000x128xf32>
    tpu.vector_store %arg6[%swap3A, %swap3A_23, %swap3A_24], %swap3A_27 {strides = array<i32>} : memref<1x1000x128xf32, #tpu.memory_space<vmem>>, vector<1x1000x128xf32>,
    return
  }
  func.func @transform_0(%arg0: i32, %arg1: i32) -> (i32, i32) {
    %c0_i32 = arith.constant 0 : i32
    %c0_i32_0 = arith.constant 0 : i32
    return %arg1, %c0_i32 : i32, i32
  }
  func.func @transform_1(%arg0: i32, %arg1: i32) -> (i32, i32) {
    %c0_i32 = arith.constant 0 : i32
    %c0_i32_0 = arith.constant 0 : i32
    return %c0_i32, %arg0 : i32, i32
  }
  func.func @transform_2(%arg0: i32, %arg1: i32) -> (i32, i32, i32) {
    %c0_i32 = arith.constant 0 : i32
    %c0_i32_0 = arith.constant 0 : i32
    %c0_i32_1 = arith.constant 0 : i32
    return %arg0, %c0_i32, %c0_i32_0 : i32, i32, i32
  }
  func.func @transform_3(%arg0: i32, %arg1: i32) -> (i32, i32) {
    %c0_i32 = arith.constant 0 : i32
    %c0_i32_0 = arith.constant 0 : i32
    return %arg1, %c0_i32 : i32, i32
  }
  func.func @transform_4(%arg0: i32, %arg1: i32) -> (i32, i32, i32) {
    %c0_i32 = arith.constant 0 : i32
    %c0_i32_0 = arith.constant 0 : i32
    return %arg0, %arg1, %c0_i32 : i32, i32, i32
  }
}

module attributes {stable_mosaic.version = 14 : i64} {
  func.func @_mm2_body(%arg0: i32, %arg1: i32, %arg2: memref<2x1000x128xf32, #tpu.memory_space<vmem>>, %arg3: memref<2x1000x128xf32, #tpu.memory_space<vmem>>, %arg4: memref<1000x2xf32, #tpu.memory_space<vmem>>, %arg5: memref<256x128xf32, #tpu.memory_space<vmem>>, %arg6: memref<1x8x128xf32, #tpu.memory_space<vmem>>, %arg7: memref<1x1000x128xf32, #tpu.memory_space<vmem>>) attributes {dimension_semantics = [#tpu.dimension_semantics<arbitrary>, #tpu.dimension_semantics<arbitrary>], iteration_bounds = array<i64: 2, 10>, scalar_prefetch = 0 : i64, scratch_operands = 0 : i64, tpu.core_type = #tpu.core_type<tc>, window_params = [{transform_indices = @transform_0, window_bounds = array<i64: 2, 1000, 128>}, {transform_indices = @transform_1, window_bounds = array<i64: 2, 1000, 128>}, {transform_indices = @transform_2, window_bounds = array<i64: 1000, 2>}, {transform_indices = @transform_3, window_bounds = array<i64: 256, 128>}, {transform_indices = @transform_4, window_bounds = array<i64: 1, 8, 128>}, {transform_indices = @transform_5, window_bounds = array<i64: 1, 1000, 128>}]} {
    %get3A = arith.constant 0 : index
    %get3A_0 = arith.constant 0 : index
    %get3A_1 = vector.load %arg4[%get3A, %get3A_0] : memref<1000x2xf32, #tpu.memory_space<vmem>>, vector<1000x1xf32>
    %get3A_2 = arith.constant 0 : index
    %get3A_3 = arith.constant 1 : index
    %get3A_4 = vector.load %arg4[%get3A_2, %get3A_3] : memref<1000x2xf32, #tpu.memory_space<vmem>>, vector<1000x1xf32>
    %add3A = arith.addf %get3A_1, %get3A_4 : vector<1000x1xf32>
    %add3A_5 = arith.constant 1.000000e+00 : f32
    %add3A_6 = vector.broadcast %add3A_5 : f32 to vector<1000x1xf32>
    %add3A_7 = arith.addf %add3A, %add3A_6 : vector<1000x1xf32>
    %rsqrt3A = math.rsqrt %add3A_7 : vector<1000x1xf32>
    %get3A_8 = arith.constant 0 : index
    %get3A_9 = arith.constant 0 : index
    %get3A_10 = arith.constant 0 : index
    %get3A_11 = vector.load %arg2[%get3A_8, %get3A_9, %get3A_10] : memref<2x1000x128xf32, #tpu.memory_space<vmem>>, vector<1x1000x128xf32>
    %get3A_12 = vector.shape_cast %get3A_11 : vector<1x1000x128xf32> to vector<1000x128xf32>
    %get3A_13 = arith.constant 0 : index
    %get3A_14 = arith.constant 0 : index
    %get3A_15 = arith.constant 0 : index
    %get3A_16 = vector.load %arg3[%get3A_13, %get3A_14, %get3A_15] : memref<2x1000x128xf32, #tpu.memory_space<vmem>>, vector<1x1000x128xf32>
    %get3A_17 = vector.shape_cast %get3A_16 : vector<1x1000x128xf32> to vector<1000x128xf32>
    %add3A_18 = arith.addf %get3A_12, %get3A_17 : vector<1000x128xf32>
    %mul3A = vector.broadcast %rsqrt3A : vector<1000x1xf32> to vector<1000x128xf32>
    %mul3A_19 = arith.mulf %mul3A, %add3A_18 : vector<1000x128xf32>
    %max3A = arith.constant 0.000000e+00 : f32
    %max3A_20 = vector.broadcast %max3A : f32 to vector<1000x128xf32>
    %max3A_21 = arith.maximumf %mul3A_19, %max3A_20 : vector<1000x128xf32>
    %get3A_22 = arith.constant 1 : index
    %get3A_23 = arith.constant 0 : index
    %get3A_24 = arith.constant 0 : index
    %get3A_25 = vector.load %arg2[%get3A_22, %get3A_23, %get3A_24] : memref<2x1000x128xf32, #tpu.memory_space<vmem>>, vector<1x1000x128xf32>
    %get3A_26 = vector.shape_cast %get3A_25 : vector<1x1000x128xf32> to vector<1000x128xf32>
    %get3A_27 = arith.constant 1 : index
    %get3A_28 = arith.constant 0 : index
    %get3A_29 = arith.constant 0 : index
    %get3A_30 = vector.load %arg3[%get3A_27, %get3A_28, %get3A_29] : memref<2x1000x128xf32, #tpu.memory_space<vmem>>, vector<1x1000x128xf32>
    %get3A_31 = vector.shape_cast %get3A_30 : vector<1x1000x128xf32> to vector<1000x128xf32>
    %add3A_32 = arith.addf %get3A_26, %get3A_31 : vector<1000x128xf32>
    %mul3A_33 = vector.broadcast %rsqrt3A : vector<1000x1xf32> to vector<1000x128xf32>
    %mul3A_34 = arith.mulf %mul3A_33, %add3A_32 : vector<1000x128xf32>
    %max3A_35 = arith.constant 0.000000e+00 : f32
    %max3A_36 = vector.broadcast %max3A_35 : f32 to vector<1000x128xf32>
    %max3A_37 = arith.maximumf %mul3A_34, %max3A_36 : vector<1000x128xf32>
    %concatenate3A = tpu.concatenate %max3A_21, %max3A_37 in 1 : vector<1000x128xf32>, vector<1000x128xf32> -> vector<1000x256xf32>
    %get3A_38 = arith.constant 0 : index
    %get3A_39 = arith.constant 0 : index
    %get3A_40 = vector.load %arg5[%get3A_38, %get3A_39] : memref<256x128xf32, #tpu.memory_space<vmem>>, vector<256x128xf32>
    %dot_general3A = arith.constant dense<0.000000e+00> : vector<1000x128xf32>
    %dot_general3A_41 = tpu.matmul %concatenate3A, %get3A_40, %dot_general3A {dimension_numbers = #tpu.dot_dimension_numbers<[1], [0], [0], [1], [0, 0, 1, 1], [], []>, precision = #tpu.contract_precision<fp32>, transpose_lhs_hint = false} : vector<1000x256xf32>, vector<256x128xf32>, vector<1000x128xf32> -> vector<1000x128xf32>
    %get3A_42 = arith.constant 0 : index
    %get3A_43 = arith.constant 0 : index
    %get3A_44 = arith.constant 0 : index
    %get3A_45 = vector.load %arg6[%get3A_42, %get3A_43, %get3A_44] : memref<1x8x128xf32, #tpu.memory_space<vmem>>, vector<1x1x128xf32>
    %get3A_46 = vector.shape_cast %get3A_45 : vector<1x1x128xf32> to vector<1x128xf32>
    %add3A_47 = vector.broadcast %get3A_46 : vector<1x128xf32> to vector<1000x128xf32>
    %add3A_48 = arith.addf %dot_general3A_41, %add3A_47 : vector<1000x128xf32>
    %mul3A_49 = vector.broadcast %rsqrt3A : vector<1000x1xf32> to vector<1000x128xf32>
    %mul3A_50 = arith.mulf %add3A_48, %mul3A_49 : vector<1000x128xf32>
    %swap3A = arith.constant 0 : index
    %swap3A_51 = arith.constant 0 : index
    %swap3A_52 = arith.constant 0 : index
    %swap3A_53 = vector.load %arg7[%swap3A, %swap3A_51, %swap3A_52] : memref<1x1000x128xf32, #tpu.memory_space<vmem>>, vector<1x1000x128xf32>
    %swap3A_54 = vector.shape_cast %swap3A_53 : vector<1x1000x128xf32> to vector<1000x128xf32>
    %swap3A_55 = vector.shape_cast %mul3A_50 : vector<1000x128xf32> to vector<1x1000x128xf32>
    tpu.vector_store %arg7[%swap3A, %swap3A_51, %swap3A_52], %swap3A_55 {strides = array<i32>} : memref<1x1000x128xf32, #tpu.memory_space<vmem>>, vector<1x1000x128xf32>,
    return
  }
  func.func @transform_0(%arg0: i32, %arg1: i32) -> (i32, i32, i32) {
    %c0_i32 = arith.constant 0 : i32
    %c0_i32_0 = arith.constant 0 : i32
    %c0_i32_1 = arith.constant 0 : i32
    return %c0_i32, %arg1, %c0_i32_0 : i32, i32, i32
  }
  func.func @transform_1(%arg0: i32, %arg1: i32) -> (i32, i32, i32) {
    %c0_i32 = arith.constant 0 : i32
    %c0_i32_0 = arith.constant 0 : i32
    %c0_i32_1 = arith.constant 0 : i32
    return %c0_i32, %arg1, %c0_i32_0 : i32, i32, i32
  }
  func.func @transform_2(%arg0: i32, %arg1: i32) -> (i32, i32) {
    %c0_i32 = arith.constant 0 : i32
    %c0_i32_0 = arith.constant 0 : i32
    return %arg1, %c0_i32 : i32, i32
  }
  func.func @transform_3(%arg0: i32, %arg1: i32) -> (i32, i32) {
    %c0_i32 = arith.constant 0 : i32
    %c0_i32_0 = arith.constant 0 : i32
    return %c0_i32, %arg0 : i32, i32
  }
  func.func @transform_4(%arg0: i32, %arg1: i32) -> (i32, i32, i32) {
    %c0_i32 = arith.constant 0 : i32
    %c0_i32_0 = arith.constant 0 : i32
    %c0_i32_1 = arith.constant 0 : i32
    return %arg0, %c0_i32, %c0_i32_0 : i32, i32, i32
  }
  func.func @transform_5(%arg0: i32, %arg1: i32) -> (i32, i32, i32) {
    %c0_i32 = arith.constant 0 : i32
    %c0_i32_0 = arith.constant 0 : i32
    return %arg0, %arg1, %c0_i32 : i32, i32, i32
  }
}

module attributes {stable_mosaic.version = 14 : i64} {
  func.func @_final_body(%arg0: i32, %arg1: memref<2x1000x128xf32, #tpu.memory_space<vmem>>, %arg2: memref<2x1000x128xf32, #tpu.memory_space<vmem>>, %arg3: memref<1000x2xf32, #tpu.memory_space<vmem>>, %arg4: memref<256x256xf32, #tpu.memory_space<vmem>>, %arg5: memref<256x1xf32, #tpu.memory_space<vmem>>, %arg6: memref<256x256xf32, #tpu.memory_space<vmem>>, %arg7: memref<1x256xf32, #tpu.memory_space<vmem>>, %arg8: memref<1x256xf32, #tpu.memory_space<vmem>>, %arg9: memref<1x1xf32, #tpu.memory_space<vmem>>, %arg10: memref<1x1xf32, #tpu.memory_space<vmem>>, %arg11: memref<8x256xf32, #tpu.memory_space<vmem>>) attributes {dimension_semantics = [#tpu.dimension_semantics<arbitrary>], iteration_bounds = array<i64: 10>, scalar_prefetch = 0 : i64, scratch_operands = 1 : i64, tpu.core_type = #tpu.core_type<tc>, window_params = [{transform_indices = @transform_0, window_bounds = array<i64: 2, 1000, 128>}, {transform_indices = @transform_1, window_bounds = array<i64: 2, 1000, 128>}, {transform_indices = @transform_2, window_bounds = array<i64: 1000, 2>}, {pipeline_mode = #tpu.pipeline_mode<synchronous>, transform_indices = @transform_3, window_bounds = array<i64: 256, 256>}, {pipeline_mode = #tpu.pipeline_mode<synchronous>, transform_indices = @transform_4, window_bounds = array<i64: 256, 1>}, {pipeline_mode = #tpu.pipeline_mode<synchronous>, transform_indices = @transform_5, window_bounds = array<i64: 256, 256>}, {pipeline_mode = #tpu.pipeline_mode<synchronous>, transform_indices = @transform_6, window_bounds = array<i64: 1, 256>}, {pipeline_mode = #tpu.pipeline_mode<synchronous>, transform_indices = @transform_7, window_bounds = array<i64: 1, 256>}, {pipeline_mode = #tpu.pipeline_mode<synchronous>, transform_indices = @transform_8, window_bounds = array<i64: 1, 1>}, {pipeline_mode = #tpu.pipeline_mode<synchronous>, transform_indices = @transform_9, window_bounds = array<i64: 1, 1>}]} {
    %get3A = arith.constant 0 : index
    %get3A_0 = arith.constant 0 : index
    %get3A_1 = vector.load %arg3[%get3A, %get3A_0] : memref<1000x2xf32, #tpu.memory_space<vmem>>, vector<1000x1xf32>
    %get3A_2 = arith.constant 0 : index
    %get3A_3 = arith.constant 1 : index
    %get3A_4 = vector.load %arg3[%get3A_2, %get3A_3] : memref<1000x2xf32, #tpu.memory_space<vmem>>, vector<1000x1xf32>
    %add3A = arith.addf %get3A_1, %get3A_4 : vector<1000x1xf32>
    %add3A_5 = arith.constant 1.000000e+00 : f32
    %add3A_6 = vector.broadcast %add3A_5 : f32 to vector<1000x1xf32>
    %add3A_7 = arith.addf %add3A, %add3A_6 : vector<1000x1xf32>
    %rsqrt3A = math.rsqrt %add3A_7 : vector<1000x1xf32>
    %get3A_8 = arith.constant 0 : index
    %get3A_9 = arith.constant 0 : index
    %get3A_10 = arith.constant 0 : index
    %get3A_11 = vector.load %arg1[%get3A_8, %get3A_9, %get3A_10] : memref<2x1000x128xf32, #tpu.memory_space<vmem>>, vector<1x1000x128xf32>
    %get3A_12 = vector.shape_cast %get3A_11 : vector<1x1000x128xf32> to vector<1000x128xf32>
    %get3A_13 = arith.constant 0 : index
    %get3A_14 = arith.constant 0 : index
    %get3A_15 = arith.constant 0 : index
    %get3A_16 = vector.load %arg2[%get3A_13, %get3A_14, %get3A_15] : memref<2x1000x128xf32, #tpu.memory_space<vmem>>, vector<1x1000x128xf32>
    %get3A_17 = vector.shape_cast %get3A_16 : vector<1x1000x128xf32> to vector<1000x128xf32>
    %add3A_18 = arith.addf %get3A_12, %get3A_17 : vector<1000x128xf32>
    %mul3A = vector.broadcast %rsqrt3A : vector<1000x1xf32> to vector<1000x128xf32>
    %mul3A_19 = arith.mulf %mul3A, %add3A_18 : vector<1000x128xf32>
    %max3A = arith.constant 0.000000e+00 : f32
    %max3A_20 = vector.broadcast %max3A : f32 to vector<1000x128xf32>
    %max3A_21 = arith.maximumf %mul3A_19, %max3A_20 : vector<1000x128xf32>
    %get3A_22 = arith.constant 1 : index
    %get3A_23 = arith.constant 0 : index
    %get3A_24 = arith.constant 0 : index
    %get3A_25 = vector.load %arg1[%get3A_22, %get3A_23, %get3A_24] : memref<2x1000x128xf32, #tpu.memory_space<vmem>>, vector<1x1000x128xf32>
    %get3A_26 = vector.shape_cast %get3A_25 : vector<1x1000x128xf32> to vector<1000x128xf32>
    %get3A_27 = arith.constant 1 : index
    %get3A_28 = arith.constant 0 : index
    %get3A_29 = arith.constant 0 : index
    %get3A_30 = vector.load %arg2[%get3A_27, %get3A_28, %get3A_29] : memref<2x1000x128xf32, #tpu.memory_space<vmem>>, vector<1x1000x128xf32>
    %get3A_31 = vector.shape_cast %get3A_30 : vector<1x1000x128xf32> to vector<1000x128xf32>
    %add3A_32 = arith.addf %get3A_26, %get3A_31 : vector<1000x128xf32>
    %mul3A_33 = vector.broadcast %rsqrt3A : vector<1000x1xf32> to vector<1000x128xf32>
    %mul3A_34 = arith.mulf %mul3A_33, %add3A_32 : vector<1000x128xf32>
    %max3A_35 = arith.constant 0.000000e+00 : f32
    %max3A_36 = vector.broadcast %max3A_35 : f32 to vector<1000x128xf32>
    %max3A_37 = arith.maximumf %mul3A_34, %max3A_36 : vector<1000x128xf32>
    %reduce_sum3A = arith.constant dense<0.000000e+00> : vector<128xf32>
    %reduce_sum3A_38 = vector.multi_reduction <add>, %max3A_21, %reduce_sum3A [0] : vector<1000x128xf32> to vector<128xf32>
    %broadcast_in_dim3A = vector.shape_cast %reduce_sum3A_38 : vector<128xf32> to vector<1x128xf32>
    %reduce_sum3A_39 = arith.constant dense<0.000000e+00> : vector<128xf32>
    %reduce_sum3A_40 = vector.multi_reduction <add>, %max3A_37, %reduce_sum3A_39 [0] : vector<1000x128xf32> to vector<128xf32>
    %broadcast_in_dim3A_41 = vector.shape_cast %reduce_sum3A_40 : vector<128xf32> to vector<1x128xf32>
    %concatenate3A = tpu.concatenate %broadcast_in_dim3A, %broadcast_in_dim3A_41 in 1 : vector<1x128xf32>, vector<1x128xf32> -> vector<1x256xf32>
    %eq3A = arith.constant 0 : i32
    %eq3A_42 = arith.cmpi eq, %arg0, %eq3A : i32
    %convert_element_type3A = arith.extui %eq3A_42 : i1 to i32
    %cond3A = arith.constant 0 : i32
    %cond3A_43 = arith.cmpi ne, %convert_element_type3A, %cond3A : i32
    scf.if %cond3A_43 {
      %swap3A = arith.constant 0 : index
      %swap3A_53 = arith.constant 0 : index
      %swap3A_54 = vector.load %arg11[%swap3A, %swap3A_53] : memref<8x256xf32, #tpu.memory_space<vmem>>, vector<1x256xf32>
      tpu.vector_store %arg11[%swap3A, %swap3A_53], %concatenate3A {strides = array<i32>} : memref<8x256xf32, #tpu.memory_space<vmem>>, vector<1x256xf32>,
    } else {
    }
    %gt3A = arith.constant 0 : i32
    %gt3A_44 = arith.cmpi sgt, %arg0, %gt3A : i32
    %convert_element_type3A_45 = arith.extui %gt3A_44 : i1 to i32
    %cond3A_46 = arith.constant 0 : i32
    %cond3A_47 = arith.cmpi ne, %convert_element_type3A_45, %cond3A_46 : i32
    scf.if %cond3A_47 {
      %get3A_53 = arith.constant 0 : index
      %get3A_54 = arith.constant 0 : index
      %get3A_55 = vector.load %arg11[%get3A_53, %get3A_54] : memref<8x256xf32, #tpu.memory_space<vmem>>, vector<1x256xf32>
      %add3A_56 = arith.addf %get3A_55, %concatenate3A : vector<1x256xf32>
      %swap3A = arith.constant 0 : index
      %swap3A_57 = arith.constant 0 : index
      %swap3A_58 = vector.load %arg11[%swap3A, %swap3A_57] : memref<8x256xf32, #tpu.memory_space<vmem>>, vector<1x256xf32>
      tpu.vector_store %arg11[%swap3A, %swap3A_57], %add3A_56 {strides = array<i32>} : memref<8x256xf32, #tpu.memory_space<vmem>>, vector<1x256xf32>,
    } else {
    }
    %eq3A_48 = arith.constant 9 : i32
    %eq3A_49 = arith.cmpi eq, %arg0, %eq3A_48 : i32
    %convert_element_type3A_50 = arith.extui %eq3A_49 : i1 to i32
    %cond3A_51 = arith.constant 0 : i32
    %cond3A_52 = arith.cmpi ne, %convert_element_type3A_50, %cond3A_51 : i32
    scf.if %cond3A_52 {
      %get3A_53 = arith.constant 0 : index
      %get3A_54 = arith.constant 0 : index
      %get3A_55 = vector.load %arg11[%get3A_53, %get3A_54] : memref<8x256xf32, #tpu.memory_space<vmem>>, vector<1x256xf32>
      %mul3A_56 = arith.constant 9.99999974E-5 : f32
      %mul3A_57 = vector.broadcast %mul3A_56 : f32 to vector<1x256xf32>
      %mul3A_58 = arith.mulf %get3A_55, %mul3A_57 : vector<1x256xf32>
      %get3A_59 = arith.constant 0 : index
      %get3A_60 = arith.constant 0 : index
      %get3A_61 = vector.load %arg4[%get3A_59, %get3A_60] : memref<256x256xf32, #tpu.memory_space<vmem>>, vector<256x256xf32>
      %convert_element_type3A_62 = arith.truncf %get3A_61 : vector<256x256xf32> to vector<256x256xbf16>
      %convert_element_type3A_63 = arith.extf %convert_element_type3A_62 : vector<256x256xbf16> to vector<256x256xf32>
      %convert_element_type3A_64 = arith.truncf %mul3A_58 : vector<1x256xf32> to vector<1x256xbf16>
      %convert_element_type3A_65 = arith.extf %convert_element_type3A_64 : vector<1x256xbf16> to vector<1x256xf32>
      %mul3A_66 = vector.broadcast %convert_element_type3A_65 : vector<1x256xf32> to vector<256x256xf32>
      %mul3A_67 = arith.mulf %convert_element_type3A_63, %mul3A_66 : vector<256x256xf32>
      %reduce_sum3A_68 = arith.constant dense<0.000000e+00> : vector<256xf32>
      %reduce_sum3A_69 = vector.multi_reduction <add>, %mul3A_67, %reduce_sum3A_68 [1] : vector<256x256xf32> to vector<256xf32>
      %broadcast_in_dim3A_70 = vector.shape_cast %reduce_sum3A_69 : vector<256xf32> to vector<256x1xf32>
      %get3A_71 = arith.constant 0 : index
      %get3A_72 = arith.constant 0 : index
      %get3A_73 = vector.load %arg5[%get3A_71, %get3A_72] : memref<256x1xf32, #tpu.memory_space<vmem>>, vector<256x1xf32>
      %add3A_74 = arith.addf %broadcast_in_dim3A_70, %get3A_73 : vector<256x1xf32>
      %get3A_75 = arith.constant 0 : index
      %get3A_76 = arith.constant 0 : index
      %get3A_77 = vector.load %arg6[%get3A_75, %get3A_76] : memref<256x256xf32, #tpu.memory_space<vmem>>, vector<256x256xf32>
      %convert_element_type3A_78 = arith.truncf %get3A_77 : vector<256x256xf32> to vector<256x256xbf16>
      %convert_element_type3A_79 = arith.extf %convert_element_type3A_78 : vector<256x256xbf16> to vector<256x256xf32>
      %convert_element_type3A_80 = arith.truncf %add3A_74 : vector<256x1xf32> to vector<256x1xbf16>
      %convert_element_type3A_81 = arith.extf %convert_element_type3A_80 : vector<256x1xbf16> to vector<256x1xf32>
      %mul3A_82 = vector.broadcast %convert_element_type3A_81 : vector<256x1xf32> to vector<256x256xf32>
      %mul3A_83 = arith.mulf %convert_element_type3A_79, %mul3A_82 : vector<256x256xf32>
      %reduce_sum3A_84 = arith.constant dense<0.000000e+00> : vector<256xf32>
      %reduce_sum3A_85 = vector.multi_reduction <add>, %mul3A_83, %reduce_sum3A_84 [0] : vector<256x256xf32> to vector<256xf32>
      %broadcast_in_dim3A_86 = vector.shape_cast %reduce_sum3A_85 : vector<256xf32> to vector<1x256xf32>
      %get3A_87 = arith.constant 0 : index
      %get3A_88 = arith.constant 0 : index
      %get3A_89 = vector.load %arg7[%get3A_87, %get3A_88] : memref<1x256xf32, #tpu.memory_space<vmem>>, vector<1x256xf32>
      %add3A_90 = arith.addf %broadcast_in_dim3A_86, %get3A_89 : vector<1x256xf32>
      %get3A_91 = arith.constant 0 : index
      %get3A_92 = arith.constant 0 : index
      %get3A_93 = vector.load %arg8[%get3A_91, %get3A_92] : memref<1x256xf32, #tpu.memory_space<vmem>>, vector<1x256xf32>
      %mul3A_94 = arith.mulf %get3A_93, %add3A_90 : vector<1x256xf32>
      %reduce_sum3A_95 = arith.constant dense<0.000000e+00> : vector<1xf32>
      %reduce_sum3A_96 = vector.multi_reduction <add>, %mul3A_94, %reduce_sum3A_95 [1] : vector<1x256xf32> to vector<1xf32>
      %broadcast_in_dim3A_97 = vector.shape_cast %reduce_sum3A_96 : vector<1xf32> to vector<1x1xf32>
      %get3A_98 = arith.constant 0 : index
      %get3A_99 = arith.constant 0 : index
      %get3A_100 = vector.load %arg9[%get3A_98, %get3A_99] : memref<1x1xf32, #tpu.memory_space<vmem>>, vector<1x1xf32>
      %add3A_101 = arith.addf %broadcast_in_dim3A_97, %get3A_100 : vector<1x1xf32>
      %swap3A = arith.constant 0 : index
      %swap3A_102 = arith.constant 0 : index
      %swap3A_103 = vector.load %arg10[%swap3A, %swap3A_102] : memref<1x1xf32, #tpu.memory_space<vmem>>, vector<1x1xf32>
      tpu.vector_store %arg10[%swap3A, %swap3A_102], %add3A_101 {strides = array<i32>} : memref<1x1xf32, #tpu.memory_space<vmem>>, vector<1x1xf32>,
    } else {
    }
    return
  }
  func.func @transform_0(%arg0: i32) -> (i32, i32, i32) {
    %c0_i32 = arith.constant 0 : i32
    %c0_i32_0 = arith.constant 0 : i32
    %c0_i32_1 = arith.constant 0 : i32
    return %c0_i32, %arg0, %c0_i32_0 : i32, i32, i32
  }
  func.func @transform_1(%arg0: i32) -> (i32, i32, i32) {
    %c0_i32 = arith.constant 0 : i32
    %c0_i32_0 = arith.constant 0 : i32
    %c0_i32_1 = arith.constant 0 : i32
    return %c0_i32, %arg0, %c0_i32_0 : i32, i32, i32
  }
  func.func @transform_2(%arg0: i32) -> (i32, i32) {
    %c0_i32 = arith.constant 0 : i32
    %c0_i32_0 = arith.constant 0 : i32
    return %arg0, %c0_i32 : i32, i32
  }
  func.func @transform_3(%arg0: i32) -> (i32, i32) {
    %c0_i32 = arith.constant 0 : i32
    %c0_i32_0 = arith.constant 0 : i32
    %c0_i32_1 = arith.constant 0 : i32
    return %c0_i32, %c0_i32_0 : i32, i32
  }
  func.func @transform_4(%arg0: i32) -> (i32, i32) {
    %c0_i32 = arith.constant 0 : i32
    %c0_i32_0 = arith.constant 0 : i32
    %c0_i32_1 = arith.constant 0 : i32
    return %c0_i32, %c0_i32_0 : i32, i32
  }
  func.func @transform_5(%arg0: i32) -> (i32, i32) {
    %c0_i32 = arith.constant 0 : i32
    %c0_i32_0 = arith.constant 0 : i32
    %c0_i32_1 = arith.constant 0 : i32
    return %c0_i32, %c0_i32_0 : i32, i32
  }
  func.func @transform_6(%arg0: i32) -> (i32, i32) {
    %c0_i32 = arith.constant 0 : i32
    %c0_i32_0 = arith.constant 0 : i32
    %c0_i32_1 = arith.constant 0 : i32
    return %c0_i32, %c0_i32_0 : i32, i32
  }
  func.func @transform_7(%arg0: i32) -> (i32, i32) {
    %c0_i32 = arith.constant 0 : i32
    %c0_i32_0 = arith.constant 0 : i32
    %c0_i32_1 = arith.constant 0 : i32
    return %c0_i32, %c0_i32_0 : i32, i32
  }
  func.func @transform_8(%arg0: i32) -> (i32, i32) {
    %c0_i32 = arith.constant 0 : i32
    %c0_i32_0 = arith.constant 0 : i32
    %c0_i32_1 = arith.constant 0 : i32
    return %c0_i32, %c0_i32_0 : i32, i32
  }
  func.func @transform_9(%arg0: i32) -> (i32, i32) {
    %c0_i32 = arith.constant 0 : i32
    %c0_i32_0 = arith.constant 0 : i32
    %c0_i32_1 = arith.constant 0 : i32
    return %c0_i32, %c0_i32_0 : i32, i32
  }
}

</mosaic_0001>

<sc_bundles>
// kernel: kernel.11.cloned.1.call-start
scs
__scs_entry_jumppad:
0x0: {  	(pc) =	sbr.rel $0x88, $3  }
0x1: {  	(tag) =	ssettag $0x0;
	lr =	simm.s32 $0x1  }
0x2: {  	[smem:$0x3F95] =	sst lr;
	_ =	strace $0xD0000000  }
0x3: {  	_ = 	snop  }
0x4: {  	_ = 	snop  }
0x5: {  	_ = 	snop  }
0x6: {  	_ = 	snop  }
0x7: {  	_ = 	snop  }
__scs_overlays_trampoline_lowered:
0x8: {  	[smem:$0x3FA4] =	sst s0  }
0x9: {  	[smem:$0x3FA5] =	sst s1  }
0xa: {  	[smem:$0x3FA6] =	sst s2  }
0xb: {  	[smem:$0x3FA7] =	sst s3  }
0xc: {  	[smem:$0x3FA8] =	sst s4  }
0xd: {  	[smem:$0x3FA9] =	sst s5  }
0xe: {  	[smem:$0x3FAA] =	sst s6  }
0xf: {  	[smem:$0x3FAB] =	sst s7  }
0x10: {  	[smem:$0x3FAC] =	sst s8  }
0x11: {  	[smem:$0x3FAD] =	sst s9;
	s0 =	simm.s32 @!p0 $0x0  }
0x12: {  	s1 =	sld [smem:$0x3F93];
	s0 =	simm.s32 @p0 $0x1  }
0x13: {  	[smem:$0x3FAE] =	sst s0;
	s0 =	simm.s32 @!p1 $0x0  }
0x14: {  	s2 =	sld [smem:$0x3F92];
	s0 =	simm.s32 @p1 $0x1  }
0x15: {  	[smem:$0x3FAF] =	sst s0;
	s0 =	simm.s32 @!p2 $0x0  }
0x16: {  	s3 =	sld [smem:$0x3FDB];
	s0 =	simm.s32 @p2 $0x1  }
0x17: {  	s4 =	simm.s32 $0x1BF5;
	[smem:$0x3FB1] =	sst s0  }
0x18: {  	s0 =	sld [smem:$0x3F94];
	_ =	swait.ge [sflag:s4], $0x0  }
0x19: {  	s7 =	sld [smem:$0x3F95]  }
0x1a: {  	s8 =	sadd.s32 $0xFFFFE003, lr  }
0x1b: {  	s9 =	sadd.s32 $0xFFFFFEF7, lr;
	s5 =	simm.s32 $0xFFFFFFFF;
	p2 =	slt.u32 s8, $0xFFFFF086  }
0x1c: {  	p1 =	slt.u32 s9, $0xF7A;
	s5 =	simm.s32 @!p2 $0x0  }
0x1d: {  	s5 =	simm.s32 @p1 $0x1;
	p0 =	seq.s32 s7, s2  }
0x1e: {  	s7 =	smul.u32 @!p0 $0xF7A, s2;
	p2 =	seq.s32 @!p0 s5, $0x0  }
0x1f: {  	s9 =	smul.u32 $0xF7A, s1;
	s8 =	simm.s32 @!p0 $0x1BF5;
	p2 =	por !p2, p0  }
0x20: {  	[sflag:s8] =	ssyncset.s32 @!p0 $0xFFFFF086;
	s6 =	sadd.s32 @!p0 s3, s7;
	s7 =	simm.s32 @!p0 $0x108  }
0x21: {  	s3 =	sadd.s32 s3, s9;
	s6 =	sadd.s32 @!p0 $0x88, s6;
	s7 =	simm.s32 @p2 $0x1082  }
0x22: {  	[simem:s7], [sflag:s8] =	dma.local @!p0 [hbm:s6], $0xF7A  }
0x23: {  	s9 =	sor.u32 $0xD0000000, s2;
	s6 =	simm.s32 $0x108;
	_ =	swait.ge @!p0 [sflag:s8], $0x0  }
0x24: {  	s3 =	sadd.s32 $0x88, s3;
	s6 =	simm.s32 @!p1 $0x1082;
	[sflag:s4] =	ssyncset.s32 $0xFFFFF086  }
0x25: {  	[simem:s6], [sflag:s4] =	dma.local [hbm:s3], $0xF7A  }
0x26: {  	[smem:$0x3F95] =	sst s1;
	(tag) =	ssettag s2;
	_ =	strace s9  }
0x27: {  	s1 =	sld [smem:$0x3FA5]  }
0x28: {  	s2 =	sld [smem:$0x3FA6]  }
0x29: {  	s4 =	sld [smem:$0x3FA8]  }
0x2a: {  	p0 =	seq.s32 s5, $0x0;
	s5 =	sld [smem:$0x3FA9]  }
0x2b: {  	s6 =	sld [smem:$0x3FAA]  }
0x2c: {  	s7 =	sld [smem:$0x3FAB]  }
0x2d: {  	s3 =	simm.s32 $0x108;
	s8 =	sld [smem:$0x3FAC]  }
0x2e: {  	s3 =	simm.s32 @!p0 $0x1082;
	s9 =	sld [smem:$0x3FAD]  }
0x2f: {  	lr =	sadd.s32 s0, s3;
	s0 =	sld [smem:$0x3FA4]  }
0x30: {  	s3 =	sld [smem:$0x3FA7]  }
0x31: {  	[smem:$0x3FB0] =	sst s10  }
0x32: {  	s10 =	sld [smem:$0x3FAE];
	_ =	sdelay $0x3  }
0x33: {  	p0 =	seq.s32 s10, $0x1;
	s10 =	sld [smem:$0x3FB0];
	_ =	sdelay $0x3  }
0x34: {  	[smem:$0x3FB0] =	sst s10  }
0x35: {  	s10 =	sld [smem:$0x3FAF];
	_ =	sdelay $0x3  }
0x36: {  	p1 =	seq.s32 s10, $0x1;
	s10 =	sld [smem:$0x3FB0];
	_ =	sdelay $0x3  }
0x37: {  	[smem:$0x3FB0] =	sst s10  }
0x38: {  	s10 =	sld [smem:$0x3FB1]  }
0x39: {  	_ = 	snop;
	(pc) =	sbr.ind lr, $3  }
0x3a: {  	_ = 	snop  }
0x3b: {  	_ = 	snop  }
0x3c: {  	p2 =	seq.s32 s10, $0x1;
	s10 =	sld [smem:$0x3FB0]  }
0x3d: {  	_ =	shalt  }
0x3e: {  	_ =	shalt  }
0x3f: {  	_ =	shalt  }
0x40: {  	_ =	shalt  }
0x41: {  	_ =	shalt  }
0x42: {  	_ =	shalt  }
0x43: {  	_ =	shalt  }
0x44: {  	_ =	shalt  }
0x45: {  	_ =	shalt  }
0x46: {  	_ =	shalt  }
0x47: {  	_ =	shalt  }
0x48: {  	_ =	shalt  }
0x49: {  	_ =	shalt  }
0x4a: {  	_ =	shalt  }
0x4b: {  	_ =	shalt  }
0x4c: {  	_ =	shalt  }
0x4d: {  	_ =	shalt  }
0x4e: {  	_ =	shalt  }
0x4f: {  	_ =	shalt  }
0x50: {  	_ =	shalt  }
0x51: {  	_ =	shalt  }
0x52: {  	_ =	shalt  }
0x53: {  	_ =	shalt  }
0x54: {  	_ =	shalt  }
0x55: {  	_ =	shalt  }
0x56: {  	_ =	shalt  }
0x57: {  	_ =	shalt  }
0x58: {  	_ =	shalt  }
0x59: {  	_ =	shalt  }
0x5a: {  	_ =	shalt  }
0x5b: {  	_ =	shalt  }
0x5c: {  	_ =	shalt  }
0x5d: {  	_ =	shalt  }
0x5e: {  	_ =	shalt  }
0x5f: {  	_ =	shalt  }
0x60: {  	_ =	shalt  }
0x61: {  	_ =	shalt  }
0x62: {  	_ =	shalt  }
0x63: {  	_ =	shalt  }
0x64: {  	_ =	shalt  }
0x65: {  	_ =	shalt  }
0x66: {  	_ =	shalt  }
0x67: {  	_ =	shalt  }
0x68: {  	_ =	shalt  }
0x69: {  	_ =	shalt  }
0x6a: {  	_ =	shalt  }
0x6b: {  	_ =	shalt  }
0x6c: {  	_ =	shalt  }
0x6d: {  	_ =	shalt  }
0x6e: {  	_ =	shalt  }
0x6f: {  	_ =	shalt  }
0x70: {  	_ =	shalt  }
0x71: {  	_ =	shalt  }
0x72: {  	_ =	shalt  }
0x73: {  	_ =	shalt  }
0x74: {  	_ =	shalt  }
0x75: {  	_ =	shalt  }
0x76: {  	_ =	shalt  }
0x77: {  	_ =	shalt  }
0x78: {  	_ =	shalt  }
0x79: {  	_ =	shalt  }
0x7a: {  	_ =	shalt  }
0x7b: {  	_ =	shalt  }
0x7c: {  	_ =	shalt  }
0x7d: {  	_ =	shalt  }
0x7e: {  	_ =	shalt  }
0x7f: {  	_ =	shalt  }
0x80: {  	_ =	shalt  }
0x81: {  	_ =	shalt  }
0x82: {  	_ =	shalt  }
0x83: {  	_ =	shalt  }
0x84: {  	_ =	shalt  }
0x85: {  	_ =	shalt  }
0x86: {  	_ =	shalt  }
0x87: {  	_ =	shalt  }
.Lfunc_end0:
.L_simem_size_0:
called_computation.1_lowered:
.L_overlay_start_0:
0x88: {  	s2 =	sld [smem:$0x3FD9]  }
0x89: {  	s3 =	sld [smem:$0x3FFE];
	_ =	sdelay $0x1  }
0x8a: {  	s1 =	srdreg.scid  }
0x8b: {  	s0 =	sand.u32 $0x1, s1  }
0x8c: {  	s16 =	sshll.u32 s0, $0xA;
	s2 =	sadd.s32 s3, s2  }
0x8d: {  	s2 =	sadd.s32 s2, s16  }
0x8e: {  	[smem:$0x3FBC] =	sst s2  }
0x8f: {  	_ = 	snop  }
0x90: {  	(tm) =	ssettm $0x1  }
0x91: {  	s17 =	sld [smem:$0x3FFB];
	_ =	sdelay $0x3  }
0x92: {  	_ =	strace s17  }
0x93: {  	s2 =	sld [smem:$0x3FFC];
	_ =	sdelay $0x3  }
0x94: {  	_ =	strace s2  }
0x95: {  	s2 =	sld [smem:$0x3FFD];
	_ =	sdelay $0x3  }
0x96: {  	_ =	strace s2  }
0x97: {  	_ =	strace $0x8FFFFFFF  }
0x98: {  	s18 =	sld [smem:$0x3FDB];
	_ =	sdelay $0x1  }
0x99: {  	s19 =	simm.s32 $_scs_section_size  }
0x9a: {  	s4 =	simm.s32 $_size__tile_overlayer_lowered;
	s5 =	simm.s32 $_tile_overlayer_lowered  }
0x9b: {  	s22 =	simm.s32 $0x1BFF;
	s21 =	sshll.u32 s5, $0x1;
	s2 =	sadd.s32 s19, s18  }
0x9c: {  	s6 =	simm.s32 $0x0;
	s20 =	sshll.u32 s4, $0x1;
	s4 =	sadd.s32 s21, s2  }
0x9d: {  	[timem:s6], [sflag:s22] =	dma.local [hbm:s4], s20  }
0x9e: {  	_ =	swait.ge [sflag:s22], s20  }
0x9f: {  	s3 =	ssub.s32 $0x0, s20;
	[sflag:s22] =	ssyncset.done $0x0  }
0xa0: {  	[sflag:s22] =	ssyncadd.s32 s3;
	_ =	sdelay $0x1  }
0xa1: {  	s23 =	simm.s32 $0x1B8B  }
0xa2: {  	_ =	swait.ge [sflag:s23], $0x1  }
0xa3: {  	[sflag:s23] =	ssyncset.done $0x0  }
0xa4: {  	s25 =	simm.s32 $0x1B8E;
	s24 =	sld [smem:$0x3FFE];
	[sflag:s23] =	ssyncadd.s32 $0xFFFFFFFF  }
0xa5: {  	s26 =	simm.s32 $execute0_lowered;
	[smem:$0x3FD2] =	sst s25  }
0xa6: {  	s4 =	sshll.u32 s26, $0x1;
	_ =	strace $0x80000049;
	[dreg:$0x1] =	wrdreg $0xFFFFFFFF  }
0xa7: {  	s28 =	simm.s32 $_size_execute0_lowered;
	s2 =	sadd.s32 s2, s4;
	[dreg:$0x0] =	wrdreg $0x0  }
0xa8: {  	s4 =	sshll.u32 s28, $0x1;
	[dreg:$0x2] =	wrdreg s2  }
0xa9: {  	[dreg:$0x3] =	wrdreg s4  }
0xaa: {  	[dreg:$0x4] =	wrdreg $0xC0  }
0xab: {  	_ =	task [dreg:s6], $0x5FFFF  }
0xac: {  	[dreg:$0x1] =	wrdreg $0xFFFFFFFF  }
0xad: {  	[dreg:$0x0] =	wrdreg $0x60  }
0xae: {  	[dreg:$0x2] =	wrdreg s24  }
0xaf: {  	[dreg:$0x3] =	wrdreg $0x90000  }
0xb0: {  	[dreg:$0x4] =	wrdreg $0x9  }
0xb1: {  	_ =	task.clear_ibuf [dreg:s6], $0x5FFFF;
	_ =	strace $0x90000049  }
0xb2: {  	s29 =	simm.s32 $0x9;
	_ =	strace $0x8000004B  }
0xb3: {  	_ =	swait.ge [sflag:s29], $0x1  }
0xb4: {  	[sflag:s29] =	ssyncadd.s32 $0xFFFFFFFF  }
0xb5: {  	_ =	strace $0x9000004B  }
0xb6: {  	_ =	sfence  }
0xb7: {  	s30 =	sld [smem:$0x0];
	_ =	sdelay $0x2  }
0xb8: {  	s31 =	sshll.u32 s1, $0xD;
	s1 =	sshrl.u32 s1, $0x2  }
0xb9: {  	s3 =	sand.u32 $0x4000, s31;
	s1 =	sadd.s32 s1, s30  }
0xba: {  	s0 =	sor.u32 s3, s0;
	s1 =	sshll.u32 s1, $0x11  }
0xbb: {  	s0 =	sor.u32 s1, s0  }
0xbc: {  	s0 =	sadd.s32 $0x8F2B, s0  }
0xbd: {  	[sflag:s0] =	ssyncadd.remote.s32 $0x1  }
0xbe: {  	_ =	sfence.sel $0xFFFF  }
0xbf: {  	[dreg:$0x0] =	wrdreg $0xFFFFFFFF;
	(pc) =	sbr.abs _section_cstart, $3  }
0xc0: {  	[dreg:$0x1] =	wrdreg $0xFFFFFFFF  }
0xc1: {  	_ =	task.clear_ibuf [dreg:s6], $0x2FFFF;
	_ =	strace $0x9FFFFFFF  }
0xc2: {  	(tm) =	ssettm $0x7FFFFFFF  }
0xc3: {  	_ =	shalt  }
tec
execute0_lowered:
.L_overlay_start_1:
0x0: {  	(tag) =	ssettag $0x1  }
0x1: {  	s0 =	rddreg [dreg:$0x0]  }
0x2: {  	s1 =	srdreg.scid;
	s11 =	stileid.u32  }
0x3: {  	s2 =	rddreg [dreg:$0x1];
	s3 =	simm.s32 $0x0;
	s12 =	simm.s32 $0x100  }
0x4: {  	s14 =	simm.s32 $0x880;
	s15 =	simm.s32 $0x180;
	s16 =	simm.s32 $0x900  }
0x5: {  	s17 =	simm.s32 $0x200;
	s18 =	simm.s32 $0x980;
	s19 =	simm.s32 $0x280  }
0x6: {  	s20 =	simm.s32 $0xA00;
	s21 =	simm.s32 $0x300;
	[smem:$0x7FF] =	sst s3  }
0x7: {  	s22 =	simm.s32 $0xA80;
	_ =	strace $0x8000004A;
	[dreg:$0x6] =	wrdreg s12  }
0x8: {  	s23 =	simm.s32 $0x380;
	s28 =	simm.s32 $0x680;
	[dreg:$0x7] =	wrdreg s14  }
0x9: {  	s29 =	simm.s32 $0xE00;
	s4 =	smul.u32 $0x5000, s11;
	[dreg:$0x8] =	wrdreg s15  }
0xa: {  	s30 =	simm.s32 $0x700;
	s6 =	smul.u32 $0xA00, s11;
	[dreg:$0x9] =	wrdreg s16  }
0xb: {  	s31 =	simm.s32 $0xE80;
	s7 =	smul.u32 $0x14000, s11;
	[dreg:$0xa] =	wrdreg s17  }
0xc: {  	s1 =	sand.u32 $0x1, s1;
	s10 =	smul.u32 $0x50000, s11;
	[dreg:$0xb] =	wrdreg s18  }
0xd: {  	s13 =	sshll.u32 s11, $0x6;
	s5 =	smul.u32 $0x50000, s1;
	[dreg:$0xc] =	wrdreg s19  }
0xe: {  	s11 =	simm.s32 $0x800;
	s8 =	smul.u32 $0x140000, s1;
	[dreg:$0xd] =	wrdreg s20  }
0xf: {  	s1 =	ssub.s32 $0x2, s1;
	s12 =	simm.s32 $0x7D;
	[dreg:$0xe] =	wrdreg s21  }
0x10: {  	s14 =	simm.s32 $0x5000;
	[dreg:$0xf] =	wrdreg s22;
	s15 =	simm.s32 $0x1  }
0x11: {  	[dreg:$0x10] =	wrdreg s23;
	s16 =	simm.s32 $0x3;
	s17 =	simm.s32 $0x2  }
0x12: {  	s18 =	simm.s32 $0x4;
	s19 =	simm.s32 $0x480;
	s20 =	simm.s32 $0xC00  }
0x13: {  	s21 =	simm.s32 $0x500;
	s22 =	simm.s32 $0xC80;
	s23 =	simm.s32 $0x580  }
0x14: {  	s6 =	sadd.s32 s6, s0;
	s9 =	sshrl.u32 s7, $0x3;
	s24 =	sshrl.u32 s1, $0x1  }
0x15: {  	s25 =	sshrl.u32 s10, $0x2;
	s5 =	sadd.s32 s4, s5;
	s4 =	sadd.s32 $0x31800, s0  }
0x16: {  	s9 =	sadd.s32 s9, s0;
	s7 =	sadd.s32 s7, s8;
	s1 =	ssub.s32 s1, s24  }
0x17: {  	s6 =	sadd.s32 $0x13800, s6;
	s26 =	sadd.s32 s25, s2;
	s8 =	simm.s32 $0x80  }
0x18: {  	s24 =	simm.s32 $0xB00;
	s25 =	simm.s32 $0x400;
	[dreg:$0x3] =	wrdreg s6  }
0x19: {  	s5 =	sshrl.u32 s5, $0x3;
	s7 =	sshrl.u32 s7, $0x3;
	[dreg:$0x5] =	wrdreg s8  }
0x1a: {  	s10 =	sadd.s32 $0x7FA00, s9;
	s1 =	smax.u32 s1, $0x1;
	[dreg:$0x11] =	wrdreg s24  }
0x1b: {  	s8 =	sshrl.u32 s26, $0x3;
	[dreg:$0x12] =	wrdreg s25;
	s26 =	simm.s32 $0xB80  }
0x1c: {  	s24 =	simm.s32 $0xD00;
	s25 =	simm.s32 $0x600;
	[dreg:$0x14] =	wrdreg s10  }
0x1d: {  	s9 =	simm.s32 $0x0;
	s5 =	sadd.s32 s5, s0;
	[dreg:$0x17] =	wrdreg s1  }
0x1e: {  	s0 =	sadd.s32 s7, s0;
	s7 =	sor.u32 $0x1C05, s13;
	[dreg:$0x13] =	wrdreg s26  }
0x1f: {  	s10 =	simm.s32 $0x5;
	s13 =	simm.s32 $0x1000;
	[dreg:$0x18] =	wrdreg s8  }
0x20: {  	s26 =	simm.s32 $0xD80;
	s5 =	sadd.s32 $0x1D800, s5;
	[dreg:$0x15] =	wrdreg s7  }
0x21: {  	s1 =	simm.s32 $0x780;
	s0 =	sadd.s32 $0xA7A00, s0;
	[dreg:$0x4] =	wrdreg s5  }
0x22: {  	[dreg:$0x16] =	wrdreg s0;
	s0 =	simm.s32 $0xF00;
	s5 =	simm.s32 $0xF80  }
.LBB2_1:
0x23: {  	[dreg:$0x19] =	wrdreg s9  }
0x24: {  	s6 =	rddreg [dreg:$0x14]  }
0x25: {  	[spmem:s8], [sflag:s7] =	dma.local [hbm:s6], $0x2800  }
0x26: {  	_ =	swait.ge [sflag:s10], $0x2800  }
0x27: {  	[sflag:s10] =	ssyncset.done $0x0  }
0x28: {  	[sflag:s10] =	ssyncadd.s32 $0xFFFFD800  }
0x29: {  	[bflag:$0x0] =	sbarrier.arrive $0xFFFF  }
0x2a: {  	s8 =	rddreg [dreg:$0x4]  }
0x2b: {  	s6 =	sadd.s32 $0x0, s8  }
0x2c: {  	[tilespmem:s3], [sflag:$0x5] =	stream.linear.gather [hbm4b:s6+s3], $0x800, $0x38;
	[tilespmem:$0x1D000] =	vst v63  }
0x2d: {  	_ =	swait.ge [sflag:s10], $0x800  }
0x2e: {  	s9 =	rddreg [dreg:$0x3];
	[sflag:s10] =	ssyncset.done $0x0  }
0x2f: {  	[sflag:s10] =	ssyncadd.s32 $0xFFFFF800;
	s6 =	sadd.s32 $0x0, s9  }
0x30: {  	[tilespmem:s11], [sflag:$0x5] =	stream.linear.gather [hbm4b:s6+s3], $0x800, $0x38;
	[tilespmem:$0x1D000] =	vst v63  }
0x31: {  	_ =	swait.ge [sflag:s10], $0x800  }
0x32: {  	[sflag:s10] =	ssyncset.done $0x0  }
0x33: {  	[sflag:s10] =	ssyncadd.s32 $0xFFFFF800  }
0x34: {  	[tilespmem:s13], [sflag:$0x1] =	stream.indirect.gather [hbm4b:s4+s12], $0x80, s3, s12, $0xb8;
	[tilespmem:$0x1D000] =	vst v63  }
0x35: {  	s7 =	rddreg [dreg:$0x5]  }
0x36: {  	[tilespmem:s14], [sflag:$0x2] =	stream.indirect.gather [hbm4b:s4+s12], $0x80, s7, s12, $0xb8;
	[tilespmem:$0x1D000] =	vst v63  }
0x37: {  	_ =	swait.ge [sflag:s15], $0x3E80  }
0x38: {  	[sflag:s15] =	ssyncset.done $0x0  }
0x39: {  	[sflag:s15] =	ssyncadd.s32 $0xFFFFC180  }
0x3a: {  	[spmem:s2] =	stream.indirect.scatter.add.f32 [tilespmem:s13], [sflag:$0x3], $0x80, s11, s12, $0xb8;
	[tilespmem:$0x1D000] =	vst v63  }
0x3b: {  	_ =	swait.ge [sflag:s16], $0x3E80  }
0x3c: {  	[sflag:s16] =	ssyncset.done $0x0  }
0x3d: {  	s8 =	rddreg [dreg:$0x6];
	[sflag:s16] =	ssyncadd.s32 $0xFFFFC180  }
0x3e: {  	[tilespmem:s13], [sflag:$0x1] =	stream.indirect.gather [hbm4b:s4+s12], $0x80, s8, s12, $0xb8;
	[tilespmem:$0x1D000] =	vst v63  }
0x3f: {  	_ =	swait.ge [sflag:s17], $0x3E80  }
0x40: {  	[sflag:s17] =	ssyncset.done $0x0  }
0x41: {  	s9 =	rddreg [dreg:$0x7];
	[sflag:s17] =	ssyncadd.s32 $0xFFFFC180  }
0x42: {  	[spmem:s2] =	stream.indirect.scatter.add.f32 [tilespmem:s14], [sflag:$0x4], $0x80, s9, s12, $0xb8;
	[tilespmem:$0x1D000] =	vst v63  }
0x43: {  	_ =	swait.ge [sflag:s18], $0x3E80  }
0x44: {  	[sflag:s18] =	ssyncset.done $0x0  }
0x45: {  	s7 =	rddreg [dreg:$0x8];
	[sflag:s18] =	ssyncadd.s32 $0xFFFFC180  }
0x46: {  	[tilespmem:s14], [sflag:$0x2] =	stream.indirect.gather [hbm4b:s4+s12], $0x80, s7, s12, $0xb8;
	[tilespmem:$0x1D000] =	vst v63  }
0x47: {  	_ =	swait.ge [sflag:s15], $0x3E80  }
0x48: {  	[sflag:s15] =	ssyncset.done $0x0  }
0x49: {  	s8 =	rddreg [dreg:$0x9];
	[sflag:s15] =	ssyncadd.s32 $0xFFFFC180  }
0x4a: {  	[spmem:s2] =	stream.indirect.scatter.add.f32 [tilespmem:s13], [sflag:$0x3], $0x80, s8, s12, $0xb8;
	[tilespmem:$0x1D000] =	vst v63  }
0x4b: {  	_ =	swait.ge [sflag:s16], $0x3E80  }
0x4c: {  	[sflag:s16] =	ssyncset.done $0x0  }
0x4d: {  	s9 =	rddreg [dreg:$0xa];
	[sflag:s16] =	ssyncadd.s32 $0xFFFFC180  }
0x4e: {  	[tilespmem:s13], [sflag:$0x1] =	stream.indirect.gather [hbm4b:s4+s12], $0x80, s9, s12, $0xb8;
	[tilespmem:$0x1D000] =	vst v63  }
0x4f: {  	_ =	swait.ge [sflag:s17], $0x3E80  }
0x50: {  	[sflag:s17] =	ssyncset.done $0x0  }
0x51: {  	s7 =	rddreg [dreg:$0xb];
	[sflag:s17] =	ssyncadd.s32 $0xFFFFC180  }
0x52: {  	[spmem:s2] =	stream.indirect.scatter.add.f32 [tilespmem:s14], [sflag:$0x4], $0x80, s7, s12, $0xb8;
	[tilespmem:$0x1D000] =	vst v63  }
0x53: {  	_ =	swait.ge [sflag:s18], $0x3E80  }
0x54: {  	[sflag:s18] =	ssyncset.done $0x0  }
0x55: {  	s8 =	rddreg [dreg:$0xc];
	[sflag:s18] =	ssyncadd.s32 $0xFFFFC180  }
0x56: {  	[tilespmem:s14], [sflag:$0x2] =	stream.indirect.gather [hbm4b:s4+s12], $0x80, s8, s12, $0xb8;
	[tilespmem:$0x1D000] =	vst v63  }
0x57: {  	_ =	swait.ge [sflag:s15], $0x3E80  }
0x58: {  	[sflag:s15] =	ssyncset.done $0x0  }
0x59: {  	s9 =	rddreg [dreg:$0xd];
	[sflag:s15] =	ssyncadd.s32 $0xFFFFC180  }
0x5a: {  	[spmem:s2] =	stream.indirect.scatter.add.f32 [tilespmem:s13], [sflag:$0x3], $0x80, s9, s12, $0xb8;
	[tilespmem:$0x1D000] =	vst v63  }
0x5b: {  	_ =	swait.ge [sflag:s16], $0x3E80  }
0x5c: {  	[sflag:s16] =	ssyncset.done $0x0  }
0x5d: {  	s7 =	rddreg [dreg:$0xe];
	[sflag:s16] =	ssyncadd.s32 $0xFFFFC180  }
0x5e: {  	[tilespmem:s13], [sflag:$0x1] =	stream.indirect.gather [hbm4b:s4+s12], $0x80, s7, s12, $0xb8;
	[tilespmem:$0x1D000] =	vst v63  }
0x5f: {  	_ =	swait.ge [sflag:s17], $0x3E80  }
0x60: {  	[sflag:s17] =	ssyncset.done $0x0  }
0x61: {  	s8 =	rddreg [dreg:$0xf];
	[sflag:s17] =	ssyncadd.s32 $0xFFFFC180  }
0x62: {  	[spmem:s2] =	stream.indirect.scatter.add.f32 [tilespmem:s14], [sflag:$0x4], $0x80, s8, s12, $0xb8;
	[tilespmem:$0x1D000] =	vst v63  }
0x63: {  	_ =	swait.ge [sflag:s18], $0x3E80  }
0x64: {  	[sflag:s18] =	ssyncset.done $0x0  }
0x65: {  	s9 =	rddreg [dreg:$0x10];
	[sflag:s18] =	ssyncadd.s32 $0xFFFFC180  }
0x66: {  	[tilespmem:s14], [sflag:$0x2] =	stream.indirect.gather [hbm4b:s4+s12], $0x80, s9, s12, $0xb8;
	[tilespmem:$0x1D000] =	vst v63  }
0x67: {  	_ =	swait.ge [sflag:s15], $0x3E80  }
0x68: {  	[sflag:s15] =	ssyncset.done $0x0  }
0x69: {  	s7 =	rddreg [dreg:$0x11];
	[sflag:s15] =	ssyncadd.s32 $0xFFFFC180  }
0x6a: {  	[spmem:s2] =	stream.indirect.scatter.add.f32 [tilespmem:s13], [sflag:$0x3], $0x80, s7, s12, $0xb8;
	[tilespmem:$0x1D000] =	vst v63  }
0x6b: {  	_ =	swait.ge [sflag:s16], $0x3E80  }
0x6c: {  	[sflag:s16] =	ssyncset.done $0x0  }
0x6d: {  	s8 =	rddreg [dreg:$0x12];
	[sflag:s16] =	ssyncadd.s32 $0xFFFFC180  }
0x6e: {  	[tilespmem:s13], [sflag:$0x1] =	stream.indirect.gather [hbm4b:s4+s12], $0x80, s8, s12, $0xb8;
	[tilespmem:$0x1D000] =	vst v63  }
0x6f: {  	_ =	swait.ge [sflag:s17], $0x3E80  }
0x70: {  	[sflag:s17] =	ssyncset.done $0x0  }
0x71: {  	s9 =	rddreg [dreg:$0x13];
	[sflag:s17] =	ssyncadd.s32 $0xFFFFC180  }
0x72: {  	[spmem:s2] =	stream.indirect.scatter.add.f32 [tilespmem:s14], [sflag:$0x4], $0x80, s9, s12, $0xb8;
	[tilespmem:$0x1D000] =	vst v63  }
0x73: {  	_ =	swait.ge [sflag:s18], $0x3E80  }
0x74: {  	[sflag:s18] =	ssyncset.done $0x0  }
0x75: {  	[sflag:s18] =	ssyncadd.s32 $0xFFFFC180  }
0x76: {  	[tilespmem:s14], [sflag:$0x2] =	stream.indirect.gather [hbm4b:s4+s12], $0x80, s19, s12, $0xb8;
	[tilespmem:$0x1D000] =	vst v63  }
0x77: {  	_ =	swait.ge [sflag:s15], $0x3E80  }
0x78: {  	[sflag:s15] =	ssyncset.done $0x0  }
0x79: {  	[sflag:s15] =	ssyncadd.s32 $0xFFFFC180  }
0x7a: {  	[spmem:s2] =	stream.indirect.scatter.add.f32 [tilespmem:s13], [sflag:$0x3], $0x80, s20, s12, $0xb8;
	[tilespmem:$0x1D000] =	vst v63  }
0x7b: {  	_ =	swait.ge [sflag:s16], $0x3E80  }
0x7c: {  	[sflag:s16] =	ssyncset.done $0x0  }
0x7d: {  	[sflag:s16] =	ssyncadd.s32 $0xFFFFC180  }
0x7e: {  	[tilespmem:s13], [sflag:$0x1] =	stream.indirect.gather [hbm4b:s4+s12], $0x80, s21, s12, $0xb8;
	[tilespmem:$0x1D000] =	vst v63  }
0x7f: {  	_ =	swait.ge [sflag:s17], $0x3E80  }
0x80: {  	[sflag:s17] =	ssyncset.done $0x0  }
0x81: {  	[sflag:s17] =	ssyncadd.s32 $0xFFFFC180  }
0x82: {  	[spmem:s2] =	stream.indirect.scatter.add.f32 [tilespmem:s14], [sflag:$0x4], $0x80, s22, s12, $0xb8;
	[tilespmem:$0x1D000] =	vst v63  }
0x83: {  	_ =	swait.ge [sflag:s18], $0x3E80  }
0x84: {  	[sflag:s18] =	ssyncset.done $0x0  }
0x85: {  	[sflag:s18] =	ssyncadd.s32 $0xFFFFC180  }
0x86: {  	[tilespmem:s14], [sflag:$0x2] =	stream.indirect.gather [hbm4b:s4+s12], $0x80, s23, s12, $0xb8;
	[tilespmem:$0x1D000] =	vst v63  }
0x87: {  	_ =	swait.ge [sflag:s15], $0x3E80  }
0x88: {  	[sflag:s15] =	ssyncset.done $0x0  }
0x89: {  	[sflag:s15] =	ssyncadd.s32 $0xFFFFC180  }
0x8a: {  	[spmem:s2] =	stream.indirect.scatter.add.f32 [tilespmem:s13], [sflag:$0x3], $0x80, s24, s12, $0xb8;
	[tilespmem:$0x1D000] =	vst v63  }
0x8b: {  	_ =	swait.ge [sflag:s16], $0x3E80  }
0x8c: {  	[sflag:s16] =	ssyncset.done $0x0  }
0x8d: {  	[sflag:s16] =	ssyncadd.s32 $0xFFFFC180  }
0x8e: {  	[tilespmem:s13], [sflag:$0x1] =	stream.indirect.gather [hbm4b:s4+s12], $0x80, s25, s12, $0xb8;
	[tilespmem:$0x1D000] =	vst v63  }
0x8f: {  	_ =	swait.ge [sflag:s17], $0x3E80  }
0x90: {  	[sflag:s17] =	ssyncset.done $0x0  }
0x91: {  	[sflag:s17] =	ssyncadd.s32 $0xFFFFC180  }
0x92: {  	[spmem:s2] =	stream.indirect.scatter.add.f32 [tilespmem:s14], [sflag:$0x4], $0x80, s26, s12, $0xb8;
	[tilespmem:$0x1D000] =	vst v63  }
0x93: {  	_ =	swait.ge [sflag:s18], $0x3E80  }
0x94: {  	[sflag:s18] =	ssyncset.done $0x0  }
0x95: {  	[sflag:s18] =	ssyncadd.s32 $0xFFFFC180  }
0x96: {  	[tilespmem:s14], [sflag:$0x2] =	stream.indirect.gather [hbm4b:s4+s12], $0x80, s28, s12, $0xb8;
	[tilespmem:$0x1D000] =	vst v63  }
0x97: {  	_ =	swait.ge [sflag:s15], $0x3E80  }
0x98: {  	[sflag:s15] =	ssyncset.done $0x0  }
0x99: {  	[sflag:s15] =	ssyncadd.s32 $0xFFFFC180  }
0x9a: {  	[spmem:s2] =	stream.indirect.scatter.add.f32 [tilespmem:s13], [sflag:$0x3], $0x80, s29, s12, $0xb8;
	[tilespmem:$0x1D000] =	vst v63  }
0x9b: {  	_ =	swait.ge [sflag:s16], $0x3E80  }
0x9c: {  	[sflag:s16] =	ssyncset.done $0x0  }
0x9d: {  	[sflag:s16] =	ssyncadd.s32 $0xFFFFC180  }
0x9e: {  	[tilespmem:s13], [sflag:$0x1] =	stream.indirect.gather [hbm4b:s4+s12], $0x80, s30, s12, $0xb8;
	[tilespmem:$0x1D000] =	vst v63  }
0x9f: {  	_ =	swait.ge [sflag:s17], $0x3E80  }
0xa0: {  	[sflag:s17] =	ssyncset.done $0x0  }
0xa1: {  	[sflag:s17] =	ssyncadd.s32 $0xFFFFC180  }
0xa2: {  	[spmem:s2] =	stream.indirect.scatter.add.f32 [tilespmem:s14], [sflag:$0x4], $0x80, s31, s12, $0xb8;
	[tilespmem:$0x1D000] =	vst v63  }
0xa3: {  	_ =	swait.ge [sflag:s18], $0x3E80  }
0xa4: {  	[sflag:s18] =	ssyncset.done $0x0  }
0xa5: {  	[sflag:s18] =	ssyncadd.s32 $0xFFFFC180  }
0xa6: {  	[tilespmem:s14], [sflag:$0x2] =	stream.indirect.gather [hbm4b:s4+s12], $0x80, s1, s12, $0xb8;
	[tilespmem:$0x1D000] =	vst v63  }
0xa7: {  	_ =	swait.ge [sflag:s15], $0x3E80  }
0xa8: {  	[sflag:s15] =	ssyncset.done $0x0  }
0xa9: {  	[sflag:s15] =	ssyncadd.s32 $0xFFFFC180  }
0xaa: {  	[spmem:s2] =	stream.indirect.scatter.add.f32 [tilespmem:s13], [sflag:$0x3], $0x80, s0, s12, $0xb8;
	[tilespmem:$0x1D000] =	vst v63  }
0xab: {  	_ =	swait.ge [sflag:s17], $0x3E80  }
0xac: {  	[sflag:s17] =	ssyncset.done $0x0  }
0xad: {  	[sflag:s17] =	ssyncadd.s32 $0xFFFFC180  }
0xae: {  	[spmem:s2] =	stream.indirect.scatter.add.f32 [tilespmem:s14], [sflag:$0x4], $0x80, s5, s12, $0xb8;
	[tilespmem:$0x1D000] =	vst v63  }
0xaf: {  	_ =	swait.ge [sflag:s16], $0x3E80  }
0xb0: {  	[sflag:s16] =	ssyncset.done $0x0  }
0xb1: {  	[sflag:s16] =	ssyncadd.s32 $0xFFFFC180  }
0xb2: {  	s6 =	simm.s32 $0x200;
	_ =	swait.ge [sflag:s18], $0x3E80  }
0xb3: {  	s8 =	simm.s32 $0x100;
	s9 =	rddreg [dreg:$0x4];
	[sflag:s18] =	ssyncset.done $0x0  }
.LBB2_2:
0xb4: {  	[sflag:s18] =	ssyncadd.s32 $0xFFFFC180;
	s9 =	sadd.s32 s8, s9  }
0xb5: {  	[tilespmem:s3], [sflag:$0x5] =	stream.linear.gather [hbm4b:s9+s3], $0x800, $0x38;
	[tilespmem:$0x1D000] =	vst v63  }
0xb6: {  	_ =	swait.ge [sflag:s10], $0x800  }
0xb7: {  	s9 =	rddreg [dreg:$0x3];
	[sflag:s10] =	ssyncset.done $0x0  }
0xb8: {  	[sflag:s10] =	ssyncadd.s32 $0xFFFFF800;
	s9 =	sadd.s32 s8, s9  }
0xb9: {  	[tilespmem:s11], [sflag:$0x5] =	stream.linear.gather [hbm4b:s9+s3], $0x800, $0x38;
	[tilespmem:$0x1D000] =	vst v63  }
0xba: {  	_ =	swait.ge [sflag:s10], $0x800  }
0xbb: {  	[sflag:s10] =	ssyncset.done $0x0  }
0xbc: {  	[sflag:s10] =	ssyncadd.s32 $0xFFFFF800  }
0xbd: {  	[tilespmem:s13], [sflag:$0x1] =	stream.indirect.gather [hbm4b:s4+s12], $0x80, s3, s12, $0xb8;
	[tilespmem:$0x1D000] =	vst v63  }
0xbe: {  	s9 =	rddreg [dreg:$0x5]  }
0xbf: {  	[tilespmem:s14], [sflag:$0x2] =	stream.indirect.gather [hbm4b:s4+s12], $0x80, s9, s12, $0xb8;
	[tilespmem:$0x1D000] =	vst v63  }
0xc0: {  	_ =	swait.ge [sflag:s15], $0x3E80  }
0xc1: {  	[sflag:s15] =	ssyncset.done $0x0  }
0xc2: {  	[sflag:s15] =	ssyncadd.s32 $0xFFFFC180  }
0xc3: {  	[spmem:s2] =	stream.indirect.scatter.add.f32 [tilespmem:s13], [sflag:$0x3], $0x80, s11, s12, $0xb8;
	[tilespmem:$0x1D000] =	vst v63  }
0xc4: {  	_ =	swait.ge [sflag:s16], $0x3E80  }
0xc5: {  	[sflag:s16] =	ssyncset.done $0x0  }
0xc6: {  	s9 =	rddreg [dreg:$0x6];
	[sflag:s16] =	ssyncadd.s32 $0xFFFFC180  }
0xc7: {  	[tilespmem:s13], [sflag:$0x1] =	stream.indirect.gather [hbm4b:s4+s12], $0x80, s9, s12, $0xb8;
	[tilespmem:$0x1D000] =	vst v63  }
0xc8: {  	_ =	swait.ge [sflag:s17], $0x3E80  }
0xc9: {  	[sflag:s17] =	ssyncset.done $0x0  }
0xca: {  	s9 =	rddreg [dreg:$0x7];
	[sflag:s17] =	ssyncadd.s32 $0xFFFFC180  }
0xcb: {  	[spmem:s2] =	stream.indirect.scatter.add.f32 [tilespmem:s14], [sflag:$0x4], $0x80, s9, s12, $0xb8;
	[tilespmem:$0x1D000] =	vst v63  }
0xcc: {  	_ =	swait.ge [sflag:s18], $0x3E80  }
0xcd: {  	[sflag:s18] =	ssyncset.done $0x0  }
0xce: {  	s9 =	rddreg [dreg:$0x8];
	[sflag:s18] =	ssyncadd.s32 $0xFFFFC180  }
0xcf: {  	[tilespmem:s14], [sflag:$0x2] =	stream.indirect.gather [hbm4b:s4+s12], $0x80, s9, s12, $0xb8;
	[tilespmem:$0x1D000] =	vst v63  }
0xd0: {  	_ =	swait.ge [sflag:s15], $0x3E80  }
0xd1: {  	[sflag:s15] =	ssyncset.done $0x0  }
0xd2: {  	s9 =	rddreg [dreg:$0x9];
	[sflag:s15] =	ssyncadd.s32 $0xFFFFC180  }
0xd3: {  	[spmem:s2] =	stream.indirect.scatter.add.f32 [tilespmem:s13], [sflag:$0x3], $0x80, s9, s12, $0xb8;
	[tilespmem:$0x1D000] =	vst v63  }
0xd4: {  	_ =	swait.ge [sflag:s16], $0x3E80  }
0xd5: {  	[sflag:s16] =	ssyncset.done $0x0  }
0xd6: {  	s9 =	rddreg [dreg:$0xa];
	[sflag:s16] =	ssyncadd.s32 $0xFFFFC180  }
0xd7: {  	[tilespmem:s13], [sflag:$0x1] =	stream.indirect.gather [hbm4b:s4+s12], $0x80, s9, s12, $0xb8;
	[tilespmem:$0x1D000] =	vst v63  }
0xd8: {  	_ =	swait.ge [sflag:s17], $0x3E80  }
0xd9: {  	[sflag:s17] =	ssyncset.done $0x0  }
0xda: {  	s9 =	rddreg [dreg:$0xb];
	[sflag:s17] =	ssyncadd.s32 $0xFFFFC180  }
0xdb: {  	[spmem:s2] =	stream.indirect.scatter.add.f32 [tilespmem:s14], [sflag:$0x4], $0x80, s9, s12, $0xb8;
	[tilespmem:$0x1D000] =	vst v63  }
0xdc: {  	_ =	swait.ge [sflag:s18], $0x3E80  }
0xdd: {  	[sflag:s18] =	ssyncset.done $0x0  }
0xde: {  	s9 =	rddreg [dreg:$0xc];
	[sflag:s18] =	ssyncadd.s32 $0xFFFFC180  }
0xdf: {  	[tilespmem:s14], [sflag:$0x2] =	stream.indirect.gather [hbm4b:s4+s12], $0x80, s9, s12, $0xb8;
	[tilespmem:$0x1D000] =	vst v63  }
0xe0: {  	_ =	swait.ge [sflag:s15], $0x3E80  }
0xe1: {  	[sflag:s15] =	ssyncset.done $0x0  }
0xe2: {  	s9 =	rddreg [dreg:$0xd];
	[sflag:s15] =	ssyncadd.s32 $0xFFFFC180  }
0xe3: {  	[spmem:s2] =	stream.indirect.scatter.add.f32 [tilespmem:s13], [sflag:$0x3], $0x80, s9, s12, $0xb8;
	[tilespmem:$0x1D000] =	vst v63  }
0xe4: {  	_ =	swait.ge [sflag:s16], $0x3E80  }
0xe5: {  	[sflag:s16] =	ssyncset.done $0x0  }
0xe6: {  	s9 =	rddreg [dreg:$0xe];
	[sflag:s16] =	ssyncadd.s32 $0xFFFFC180  }
0xe7: {  	[tilespmem:s13], [sflag:$0x1] =	stream.indirect.gather [hbm4b:s4+s12], $0x80, s9, s12, $0xb8;
	[tilespmem:$0x1D000] =	vst v63  }
0xe8: {  	_ =	swait.ge [sflag:s17], $0x3E80  }
0xe9: {  	[sflag:s17] =	ssyncset.done $0x0  }
0xea: {  	s9 =	rddreg [dreg:$0xf];
	[sflag:s17] =	ssyncadd.s32 $0xFFFFC180  }
0xeb: {  	[spmem:s2] =	stream.indirect.scatter.add.f32 [tilespmem:s14], [sflag:$0x4], $0x80, s9, s12, $0xb8;
	[tilespmem:$0x1D000] =	vst v63  }
0xec: {  	_ =	swait.ge [sflag:s18], $0x3E80  }
0xed: {  	[sflag:s18] =	ssyncset.done $0x0  }
0xee: {  	s9 =	rddreg [dreg:$0x10];
	[sflag:s18] =	ssyncadd.s32 $0xFFFFC180  }
0xef: {  	[tilespmem:s14], [sflag:$0x2] =	stream.indirect.gather [hbm4b:s4+s12], $0x80, s9, s12, $0xb8;
	[tilespmem:$0x1D000] =	vst v63  }
0xf0: {  	_ =	swait.ge [sflag:s15], $0x3E80  }
0xf1: {  	[sflag:s15] =	ssyncset.done $0x0  }
0xf2: {  	s9 =	rddreg [dreg:$0x11];
	[sflag:s15] =	ssyncadd.s32 $0xFFFFC180  }
0xf3: {  	[spmem:s2] =	stream.indirect.scatter.add.f32 [tilespmem:s13], [sflag:$0x3], $0x80, s9, s12, $0xb8;
	[tilespmem:$0x1D000] =	vst v63  }
0xf4: {  	_ =	swait.ge [sflag:s16], $0x3E80  }
0xf5: {  	[sflag:s16] =	ssyncset.done $0x0  }
0xf6: {  	s9 =	rddreg [dreg:$0x12];
	[sflag:s16] =	ssyncadd.s32 $0xFFFFC180  }
0xf7: {  	[tilespmem:s13], [sflag:$0x1] =	stream.indirect.gather [hbm4b:s4+s12], $0x80, s9, s12, $0xb8;
	[tilespmem:$0x1D000] =	vst v63  }
0xf8: {  	_ =	swait.ge [sflag:s17], $0x3E80  }
0xf9: {  	[sflag:s17] =	ssyncset.done $0x0  }
0xfa: {  	s9 =	rddreg [dreg:$0x13];
	[sflag:s17] =	ssyncadd.s32 $0xFFFFC180  }
0xfb: {  	[spmem:s2] =	stream.indirect.scatter.add.f32 [tilespmem:s14], [sflag:$0x4], $0x80, s9, s12, $0xb8;
	[tilespmem:$0x1D000] =	vst v63  }
0xfc: {  	_ =	swait.ge [sflag:s18], $0x3E80  }
0xfd: {  	[sflag:s18] =	ssyncset.done $0x0  }
0xfe: {  	[sflag:s18] =	ssyncadd.s32 $0xFFFFC180  }
0xff: {  	[tilespmem:s14], [sflag:$0x2] =	stream.indirect.gather [hbm4b:s4+s12], $0x80, s19, s12, $0xb8;
	[tilespmem:$0x1D000] =	vst v63  }
0x100: {  	_ =	swait.ge [sflag:s15], $0x3E80  }
0x101: {  	[sflag:s15] =	ssyncset.done $0x0  }
0x102: {  	[sflag:s15] =	ssyncadd.s32 $0xFFFFC180  }
0x103: {  	[spmem:s2] =	stream.indirect.scatter.add.f32 [tilespmem:s13], [sflag:$0x3], $0x80, s20, s12, $0xb8;
	[tilespmem:$0x1D000] =	vst v63  }
0x104: {  	_ =	swait.ge [sflag:s16], $0x3E80  }
0x105: {  	[sflag:s16] =	ssyncset.done $0x0  }
0x106: {  	[sflag:s16] =	ssyncadd.s32 $0xFFFFC180  }
0x107: {  	[tilespmem:s13], [sflag:$0x1] =	stream.indirect.gather [hbm4b:s4+s12], $0x80, s21, s12, $0xb8;
	[tilespmem:$0x1D000] =	vst v63  }
0x108: {  	_ =	swait.ge [sflag:s17], $0x3E80  }
0x109: {  	[sflag:s17] =	ssyncset.done $0x0  }
0x10a: {  	[sflag:s17] =	ssyncadd.s32 $0xFFFFC180  }
0x10b: {  	[spmem:s2] =	stream.indirect.scatter.add.f32 [tilespmem:s14], [sflag:$0x4], $0x80, s22, s12, $0xb8;
	[tilespmem:$0x1D000] =	vst v63  }
0x10c: {  	_ =	swait.ge [sflag:s18], $0x3E80  }
0x10d: {  	[sflag:s18] =	ssyncset.done $0x0  }
0x10e: {  	[sflag:s18] =	ssyncadd.s32 $0xFFFFC180  }
0x10f: {  	[tilespmem:s14], [sflag:$0x2] =	stream.indirect.gather [hbm4b:s4+s12], $0x80, s23, s12, $0xb8;
	[tilespmem:$0x1D000] =	vst v63  }
0x110: {  	_ =	swait.ge [sflag:s15], $0x3E80  }
0x111: {  	[sflag:s15] =	ssyncset.done $0x0  }
0x112: {  	[sflag:s15] =	ssyncadd.s32 $0xFFFFC180  }
0x113: {  	[spmem:s2] =	stream.indirect.scatter.add.f32 [tilespmem:s13], [sflag:$0x3], $0x80, s24, s12, $0xb8;
	[tilespmem:$0x1D000] =	vst v63  }
0x114: {  	_ =	swait.ge [sflag:s16], $0x3E80  }
0x115: {  	[sflag:s16] =	ssyncset.done $0x0  }
0x116: {  	[sflag:s16] =	ssyncadd.s32 $0xFFFFC180  }
0x117: {  	[tilespmem:s13], [sflag:$0x1] =	stream.indirect.gather [hbm4b:s4+s12], $0x80, s25, s12, $0xb8;
	[tilespmem:$0x1D000] =	vst v63  }
0x118: {  	_ =	swait.ge [sflag:s17], $0x3E80  }
0x119: {  	[sflag:s17] =	ssyncset.done $0x0  }
0x11a: {  	[sflag:s17] =	ssyncadd.s32 $0xFFFFC180  }
0x11b: {  	[spmem:s2] =	stream.indirect.scatter.add.f32 [tilespmem:s14], [sflag:$0x4], $0x80, s26, s12, $0xb8;
	[tilespmem:$0x1D000] =	vst v63  }
0x11c: {  	_ =	swait.ge [sflag:s18], $0x3E80  }
0x11d: {  	[sflag:s18] =	ssyncset.done $0x0  }
0x11e: {  	[sflag:s18] =	ssyncadd.s32 $0xFFFFC180  }
0x11f: {  	[tilespmem:s14], [sflag:$0x2] =	stream.indirect.gather [hbm4b:s4+s12], $0x80, s28, s12, $0xb8;
	[tilespmem:$0x1D000] =	vst v63  }
0x120: {  	_ =	swait.ge [sflag:s15], $0x3E80  }
0x121: {  	[sflag:s15] =	ssyncset.done $0x0  }
0x122: {  	[sflag:s15] =	ssyncadd.s32 $0xFFFFC180  }
0x123: {  	[spmem:s2] =	stream.indirect.scatter.add.f32 [tilespmem:s13], [sflag:$0x3], $0x80, s29, s12, $0xb8;
	[tilespmem:$0x1D000] =	vst v63  }
0x124: {  	_ =	swait.ge [sflag:s16], $0x3E80  }
0x125: {  	[sflag:s16] =	ssyncset.done $0x0  }
0x126: {  	[sflag:s16] =	ssyncadd.s32 $0xFFFFC180  }
0x127: {  	[tilespmem:s13], [sflag:$0x1] =	stream.indirect.gather [hbm4b:s4+s12], $0x80, s30, s12, $0xb8;
	[tilespmem:$0x1D000] =	vst v63  }
0x128: {  	_ =	swait.ge [sflag:s17], $0x3E80  }
0x129: {  	[sflag:s17] =	ssyncset.done $0x0  }
0x12a: {  	[sflag:s17] =	ssyncadd.s32 $0xFFFFC180  }
0x12b: {  	[spmem:s2] =	stream.indirect.scatter.add.f32 [tilespmem:s14], [sflag:$0x4], $0x80, s31, s12, $0xb8;
	[tilespmem:$0x1D000] =	vst v63  }
0x12c: {  	_ =	swait.ge [sflag:s18], $0x3E80  }
0x12d: {  	[sflag:s18] =	ssyncset.done $0x0  }
0x12e: {  	[sflag:s18] =	ssyncadd.s32 $0xFFFFC180  }
0x12f: {  	[tilespmem:s14], [sflag:$0x2] =	stream.indirect.gather [hbm4b:s4+s12], $0x80, s1, s12, $0xb8;
	[tilespmem:$0x1D000] =	vst v63  }
0x130: {  	_ =	swait.ge [sflag:s15], $0x3E80  }
0x131: {  	[sflag:s15] =	ssyncset.done $0x0  }
0x132: {  	[sflag:s15] =	ssyncadd.s32 $0xFFFFC180  }
0x133: {  	[spmem:s2] =	stream.indirect.scatter.add.f32 [tilespmem:s13], [sflag:$0x3], $0x80, s0, s12, $0xb8;
	[tilespmem:$0x1D000] =	vst v63  }
0x134: {  	_ =	swait.ge [sflag:s17], $0x3E80  }
0x135: {  	[sflag:s17] =	ssyncset.done $0x0  }
0x136: {  	p0 =	sne.s32 s6, $0x900;
	[sflag:s17] =	ssyncadd.s32 $0xFFFFC180  }
0x137: {  	[spmem:s2] =	stream.indirect.scatter.add.f32 [tilespmem:s14], [sflag:$0x4], $0x80, s5, s12, $0xb8;
	[tilespmem:$0x1D000] =	vst v63  }
.Ltmp0:
0x138: {  	_ =	swait.ge [sflag:s16], $0x3E80;
	(pc) =	sbr.rel @p0 .LBB2_2-.Ltmp0, $4  }
0x139: {  	[sflag:s16] =	ssyncset.done $0x0  }
0x13a: {  	[sflag:s16] =	ssyncadd.s32 $0xFFFFC180  }
0x13b: {  	s7 =	smov.u32 s6;
	s6 =	sadd.s32 $0x100, s6;
	_ =	swait.ge [sflag:s18], $0x3E80  }
0x13c: {  	s8 =	smov.u32 s7;
	s9 =	rddreg [dreg:$0x4];
	[sflag:s18] =	ssyncset.done $0x0  }
0x13d: {  	[sflag:s18] =	ssyncadd.s32 $0xFFFFC180;
	s6 =	sadd.s32 s8, s9  }
0x13e: {  	[tilespmem:s3], [sflag:$0x5] =	stream.linear.gather [hbm4b:s6+s3], $0x800, $0x38;
	[tilespmem:$0x1D000] =	vst v63  }
0x13f: {  	_ =	swait.ge [sflag:s10], $0x800  }
0x140: {  	s7 =	rddreg [dreg:$0x3];
	[sflag:s10] =	ssyncset.done $0x0  }
0x141: {  	s6 =	sadd.s32 s8, s7;
	[sflag:s10] =	ssyncadd.s32 $0xFFFFF800  }
0x142: {  	[tilespmem:s11], [sflag:$0x5] =	stream.linear.gather [hbm4b:s6+s3], $0x800, $0x38;
	[tilespmem:$0x1D000] =	vst v63  }
0x143: {  	_ =	swait.ge [sflag:s10], $0x800  }
0x144: {  	[sflag:s10] =	ssyncset.done $0x0  }
0x145: {  	[sflag:s10] =	ssyncadd.s32 $0xFFFFF800  }
0x146: {  	[tilespmem:s13], [sflag:$0x1] =	stream.indirect.gather [hbm4b:s4+s12], $0x80, s3, s12, $0xb8;
	[tilespmem:$0x1D000] =	vst v63  }
0x147: {  	s9 =	rddreg [dreg:$0x5]  }
0x148: {  	[tilespmem:s14], [sflag:$0x2] =	stream.indirect.gather [hbm4b:s4+s12], $0x80, s9, s12, $0xb8;
	[tilespmem:$0x1D000] =	vst v63  }
0x149: {  	_ =	swait.ge [sflag:s15], $0x3E80  }
0x14a: {  	[sflag:s15] =	ssyncset.done $0x0  }
0x14b: {  	[sflag:s15] =	ssyncadd.s32 $0xFFFFC180  }
0x14c: {  	[spmem:s2] =	stream.indirect.scatter.add.f32 [tilespmem:s13], [sflag:$0x3], $0x80, s11, s12, $0xb8;
	[tilespmem:$0x1D000] =	vst v63  }
0x14d: {  	_ =	swait.ge [sflag:s16], $0x3E80  }
0x14e: {  	[sflag:s16] =	ssyncset.done $0x0  }
0x14f: {  	s7 =	rddreg [dreg:$0x6];
	[sflag:s16] =	ssyncadd.s32 $0xFFFFC180  }
0x150: {  	[tilespmem:s13], [sflag:$0x1] =	stream.indirect.gather [hbm4b:s4+s12], $0x80, s7, s12, $0xb8;
	[tilespmem:$0x1D000] =	vst v63  }
0x151: {  	_ =	swait.ge [sflag:s17], $0x3E80  }
0x152: {  	[sflag:s17] =	ssyncset.done $0x0  }
0x153: {  	s8 =	rddreg [dreg:$0x7];
	[sflag:s17] =	ssyncadd.s32 $0xFFFFC180  }
0x154: {  	[spmem:s2] =	stream.indirect.scatter.add.f32 [tilespmem:s14], [sflag:$0x4], $0x80, s8, s12, $0xb8;
	[tilespmem:$0x1D000] =	vst v63  }
0x155: {  	_ =	swait.ge [sflag:s18], $0x3E80  }
0x156: {  	[sflag:s18] =	ssyncset.done $0x0  }
0x157: {  	s9 =	rddreg [dreg:$0x8];
	[sflag:s18] =	ssyncadd.s32 $0xFFFFC180  }
0x158: {  	[tilespmem:s14], [sflag:$0x2] =	stream.indirect.gather [hbm4b:s4+s12], $0x80, s9, s12, $0xb8;
	[tilespmem:$0x1D000] =	vst v63  }
0x159: {  	_ =	swait.ge [sflag:s15], $0x3E80  }
0x15a: {  	[sflag:s15] =	ssyncset.done $0x0  }
0x15b: {  	s7 =	rddreg [dreg:$0x9];
	[sflag:s15] =	ssyncadd.s32 $0xFFFFC180  }
0x15c: {  	[spmem:s2] =	stream.indirect.scatter.add.f32 [tilespmem:s13], [sflag:$0x3], $0x80, s7, s12, $0xb8;
	[tilespmem:$0x1D000] =	vst v63  }
0x15d: {  	_ =	swait.ge [sflag:s16], $0x3E80  }
0x15e: {  	[sflag:s16] =	ssyncset.done $0x0  }
0x15f: {  	s8 =	rddreg [dreg:$0xa];
	[sflag:s16] =	ssyncadd.s32 $0xFFFFC180  }
0x160: {  	[tilespmem:s13], [sflag:$0x1] =	stream.indirect.gather [hbm4b:s4+s12], $0x80, s8, s12, $0xb8;
	[tilespmem:$0x1D000] =	vst v63  }
0x161: {  	_ =	swait.ge [sflag:s17], $0x3E80  }
0x162: {  	[sflag:s17] =	ssyncset.done $0x0  }
0x163: {  	s9 =	rddreg [dreg:$0xb];
	[sflag:s17] =	ssyncadd.s32 $0xFFFFC180  }
0x164: {  	[spmem:s2] =	stream.indirect.scatter.add.f32 [tilespmem:s14], [sflag:$0x4], $0x80, s9, s12, $0xb8;
	[tilespmem:$0x1D000] =	vst v63  }
0x165: {  	_ =	swait.ge [sflag:s18], $0x3E80  }
0x166: {  	[sflag:s18] =	ssyncset.done $0x0  }
0x167: {  	s7 =	rddreg [dreg:$0xc];
	[sflag:s18] =	ssyncadd.s32 $0xFFFFC180  }
0x168: {  	[tilespmem:s14], [sflag:$0x2] =	stream.indirect.gather [hbm4b:s4+s12], $0x80, s7, s12, $0xb8;
	[tilespmem:$0x1D000] =	vst v63  }
0x169: {  	_ =	swait.ge [sflag:s15], $0x3E80  }
0x16a: {  	[sflag:s15] =	ssyncset.done $0x0  }
0x16b: {  	s8 =	rddreg [dreg:$0xd];
	[sflag:s15] =	ssyncadd.s32 $0xFFFFC180  }
0x16c: {  	[spmem:s2] =	stream.indirect.scatter.add.f32 [tilespmem:s13], [sflag:$0x3], $0x80, s8, s12, $0xb8;
	[tilespmem:$0x1D000] =	vst v63  }
0x16d: {  	_ =	swait.ge [sflag:s16], $0x3E80  }
0x16e: {  	[sflag:s16] =	ssyncset.done $0x0  }
0x16f: {  	s9 =	rddreg [dreg:$0xe];
	[sflag:s16] =	ssyncadd.s32 $0xFFFFC180  }
0x170: {  	[tilespmem:s13], [sflag:$0x1] =	stream.indirect.gather [hbm4b:s4+s12], $0x80, s9, s12, $0xb8;
	[tilespmem:$0x1D000] =	vst v63  }
0x171: {  	_ =	swait.ge [sflag:s17], $0x3E80  }
0x172: {  	[sflag:s17] =	ssyncset.done $0x0  }
0x173: {  	s7 =	rddreg [dreg:$0xf];
	[sflag:s17] =	ssyncadd.s32 $0xFFFFC180  }
0x174: {  	[spmem:s2] =	stream.indirect.scatter.add.f32 [tilespmem:s14], [sflag:$0x4], $0x80, s7, s12, $0xb8;
	[tilespmem:$0x1D000] =	vst v63  }
0x175: {  	_ =	swait.ge [sflag:s18], $0x3E80  }
0x176: {  	[sflag:s18] =	ssyncset.done $0x0  }
0x177: {  	s8 =	rddreg [dreg:$0x10];
	[sflag:s18] =	ssyncadd.s32 $0xFFFFC180  }
0x178: {  	[tilespmem:s14], [sflag:$0x2] =	stream.indirect.gather [hbm4b:s4+s12], $0x80, s8, s12, $0xb8;
	[tilespmem:$0x1D000] =	vst v63  }
0x179: {  	_ =	swait.ge [sflag:s15], $0x3E80  }
0x17a: {  	[sflag:s15] =	ssyncset.done $0x0  }
0x17b: {  	s9 =	rddreg [dreg:$0x11];
	[sflag:s15] =	ssyncadd.s32 $0xFFFFC180  }
0x17c: {  	[spmem:s2] =	stream.indirect.scatter.add.f32 [tilespmem:s13], [sflag:$0x3], $0x80, s9, s12, $0xb8;
	[tilespmem:$0x1D000] =	vst v63  }
0x17d: {  	_ =	swait.ge [sflag:s16], $0x3E80  }
0x17e: {  	[sflag:s16] =	ssyncset.done $0x0  }
0x17f: {  	s7 =	rddreg [dreg:$0x12];
	[sflag:s16] =	ssyncadd.s32 $0xFFFFC180  }
0x180: {  	[tilespmem:s13], [sflag:$0x1] =	stream.indirect.gather [hbm4b:s4+s12], $0x80, s7, s12, $0xb8;
	[tilespmem:$0x1D000] =	vst v63  }
0x181: {  	_ =	swait.ge [sflag:s17], $0x3E80  }
0x182: {  	[sflag:s17] =	ssyncset.done $0x0  }
0x183: {  	s8 =	rddreg [dreg:$0x13];
	[sflag:s17] =	ssyncadd.s32 $0xFFFFC180  }
0x184: {  	[spmem:s2] =	stream.indirect.scatter.add.f32 [tilespmem:s14], [sflag:$0x4], $0x80, s8, s12, $0xb8;
	[tilespmem:$0x1D000] =	vst v63  }
0x185: {  	_ =	swait.ge [sflag:s18], $0x3E80  }
0x186: {  	[sflag:s18] =	ssyncset.done $0x0  }
0x187: {  	[sflag:s18] =	ssyncadd.s32 $0xFFFFC180  }
0x188: {  	[tilespmem:s14], [sflag:$0x2] =	stream.indirect.gather [hbm4b:s4+s12], $0x80, s19, s12, $0xb8;
	[tilespmem:$0x1D000] =	vst v63  }
0x189: {  	_ =	swait.ge [sflag:s15], $0x3E80  }
0x18a: {  	[sflag:s15] =	ssyncset.done $0x0  }
0x18b: {  	[sflag:s15] =	ssyncadd.s32 $0xFFFFC180  }
0x18c: {  	[spmem:s2] =	stream.indirect.scatter.add.f32 [tilespmem:s13], [sflag:$0x3], $0x80, s20, s12, $0xb8;
	[tilespmem:$0x1D000] =	vst v63  }
0x18d: {  	_ =	swait.ge [sflag:s16], $0x3E80  }
0x18e: {  	[sflag:s16] =	ssyncset.done $0x0  }
0x18f: {  	[sflag:s16] =	ssyncadd.s32 $0xFFFFC180  }
0x190: {  	[tilespmem:s13], [sflag:$0x1] =	stream.indirect.gather [hbm4b:s4+s12], $0x80, s21, s12, $0xb8;
	[tilespmem:$0x1D000] =	vst v63  }
0x191: {  	_ =	swait.ge [sflag:s17], $0x3E80  }
0x192: {  	[sflag:s17] =	ssyncset.done $0x0  }
0x193: {  	[sflag:s17] =	ssyncadd.s32 $0xFFFFC180  }
0x194: {  	[spmem:s2] =	stream.indirect.scatter.add.f32 [tilespmem:s14], [sflag:$0x4], $0x80, s22, s12, $0xb8;
	[tilespmem:$0x1D000] =	vst v63  }
0x195: {  	_ =	swait.ge [sflag:s18], $0x3E80  }
0x196: {  	[sflag:s18] =	ssyncset.done $0x0  }
0x197: {  	[sflag:s18] =	ssyncadd.s32 $0xFFFFC180  }
0x198: {  	[tilespmem:s14], [sflag:$0x2] =	stream.indirect.gather [hbm4b:s4+s12], $0x80, s23, s12, $0xb8;
	[tilespmem:$0x1D000] =	vst v63  }
0x199: {  	_ =	swait.ge [sflag:s15], $0x3E80  }
0x19a: {  	[sflag:s15] =	ssyncset.done $0x0  }
0x19b: {  	[sflag:s15] =	ssyncadd.s32 $0xFFFFC180  }
0x19c: {  	[spmem:s2] =	stream.indirect.scatter.add.f32 [tilespmem:s13], [sflag:$0x3], $0x80, s24, s12, $0xb8;
	[tilespmem:$0x1D000] =	vst v63  }
0x19d: {  	_ =	swait.ge [sflag:s16], $0x3E80  }
0x19e: {  	[sflag:s16] =	ssyncset.done $0x0  }
0x19f: {  	[sflag:s16] =	ssyncadd.s32 $0xFFFFC180  }
0x1a0: {  	[tilespmem:s13], [sflag:$0x1] =	stream.indirect.gather [hbm4b:s4+s12], $0x80, s25, s12, $0xb8;
	[tilespmem:$0x1D000] =	vst v63  }
0x1a1: {  	_ =	swait.ge [sflag:s17], $0x3E80  }
0x1a2: {  	[sflag:s17] =	ssyncset.done $0x0  }
0x1a3: {  	[sflag:s17] =	ssyncadd.s32 $0xFFFFC180  }
0x1a4: {  	[spmem:s2] =	stream.indirect.scatter.add.f32 [tilespmem:s14], [sflag:$0x4], $0x80, s26, s12, $0xb8;
	[tilespmem:$0x1D000] =	vst v63  }
0x1a5: {  	_ =	swait.ge [sflag:s18], $0x3E80  }
0x1a6: {  	[sflag:s18] =	ssyncset.done $0x0  }
0x1a7: {  	[sflag:s18] =	ssyncadd.s32 $0xFFFFC180  }
0x1a8: {  	[tilespmem:s14], [sflag:$0x2] =	stream.indirect.gather [hbm4b:s4+s12], $0x80, s28, s12, $0xb8;
	[tilespmem:$0x1D000] =	vst v63  }
0x1a9: {  	_ =	swait.ge [sflag:s15], $0x3E80  }
0x1aa: {  	[sflag:s15] =	ssyncset.done $0x0  }
0x1ab: {  	[sflag:s15] =	ssyncadd.s32 $0xFFFFC180  }
0x1ac: {  	[spmem:s2] =	stream.indirect.scatter.add.f32 [tilespmem:s13], [sflag:$0x3], $0x80, s29, s12, $0xb8;
	[tilespmem:$0x1D000] =	vst v63  }
0x1ad: {  	_ =	swait.ge [sflag:s16], $0x3E80  }
0x1ae: {  	[sflag:s16] =	ssyncset.done $0x0  }
0x1af: {  	[sflag:s16] =	ssyncadd.s32 $0xFFFFC180  }
0x1b0: {  	[tilespmem:s13], [sflag:$0x1] =	stream.indirect.gather [hbm4b:s4+s12], $0x80, s30, s12, $0xb8;
	[tilespmem:$0x1D000] =	vst v63  }
0x1b1: {  	_ =	swait.ge [sflag:s17], $0x3E80  }
0x1b2: {  	[sflag:s17] =	ssyncset.done $0x0  }
0x1b3: {  	[sflag:s17] =	ssyncadd.s32 $0xFFFFC180  }
0x1b4: {  	[spmem:s2] =	stream.indirect.scatter.add.f32 [tilespmem:s14], [sflag:$0x4], $0x80, s31, s12, $0xb8;
	[tilespmem:$0x1D000] =	vst v63  }
0x1b5: {  	_ =	swait.ge [sflag:s18], $0x3E80  }
0x1b6: {  	[sflag:s18] =	ssyncset.done $0x0  }
0x1b7: {  	[sflag:s18] =	ssyncadd.s32 $0xFFFFC180  }
0x1b8: {  	[tilespmem:s14], [sflag:$0x2] =	stream.indirect.gather [hbm4b:s4+s12], $0x80, s1, s12, $0xb8;
	[tilespmem:$0x1D000] =	vst v63  }
0x1b9: {  	_ =	swait.ge [sflag:s15], $0x3E80  }
0x1ba: {  	[sflag:s15] =	ssyncset.done $0x0  }
0x1bb: {  	[sflag:s15] =	ssyncadd.s32 $0xFFFFC180  }
0x1bc: {  	[spmem:s2] =	stream.indirect.scatter.add.f32 [tilespmem:s13], [sflag:$0x3], $0x80, s0, s12, $0xb8;
	[tilespmem:$0x1D000] =	vst v63  }
0x1bd: {  	_ =	swait.ge [sflag:s17], $0x3E80  }
0x1be: {  	[sflag:s17] =	ssyncset.done $0x0  }
0x1bf: {  	[sflag:s17] =	ssyncadd.s32 $0xFFFFC180  }
0x1c0: {  	[spmem:s2] =	stream.indirect.scatter.add.f32 [tilespmem:s14], [sflag:$0x4], $0x80, s5, s12, $0xb8;
	[tilespmem:$0x1D000] =	vst v63  }
0x1c1: {  	_ =	swait.ge [sflag:s16], $0x3E80  }
0x1c2: {  	[sflag:s16] =	ssyncset.done $0x0  }
0x1c3: {  	[sflag:s16] =	ssyncadd.s32 $0xFFFFC180  }
0x1c4: {  	_ =	swait.ge [sflag:s18], $0x3E80  }
0x1c5: {  	[sflag:s18] =	ssyncset.done $0x0  }
0x1c6: {  	[sflag:s18] =	ssyncadd.s32 $0xFFFFC180  }
0x1c7: {  	[bflag:$0x0] =	sbarrier.arrive $0xFFFF  }
0x1c8: {  	s7 =	rddreg [dreg:$0x15]  }
0x1c9: {  	s9 =	rddreg [dreg:$0x16]  }
0x1ca: {  	s8 =	rddreg [dreg:$0x18]  }
0x1cb: {  	[hbm:s9], [sflag:s7] =	dma.local [spmem:s8], $0x2800  }
0x1cc: {  	_ =	swait.ge [sflag:s10], $0x2800  }
0x1cd: {  	s6 =	rddreg [dreg:$0x19]  }
0x1ce: {  	s9 =	sadd.s32 $0x1, s6;
	s6 =	rddreg [dreg:$0x17]  }
0x1cf: {  	p0 =	sne.s32 s9, s6  }
.Ltmp1:
0x1d0: {  	_ = 	snop;
	(pc) =	sbr.rel @p0 .LBB2_1-.Ltmp1, $3  }
0x1d1: {  	_ =	sdelay $0x1  }
0x1d2: {  	[sflag:s10] =	ssyncset.done $0x0  }
0x1d3: {  	[sflag:s10] =	ssyncadd.s32 $0xFFFFD800  }
0x1d4: {  	_ =	sfence.sel $0x180000  }
0x1d5: {  	[bflag:$0x0] =	sbarrier.arrive $0xFFFF  }
0x1d6: {  	_ =	strace $0x9000004A  }
0x1d7: {  	s0 =	stileid.u32;
	[bflag:$0x2] =	sbarrier.arrive $0xFFFF  }
0x1d8: {  	p0 =	sne.s32 s0, $0x0;
	s0 =	rddreg [dreg:$0x2]  }
0x1d9: {  	s0 =	sadd.s32 @!p0 $0x100000, s0  }
0x1da: {  	[sflag:s0] =	ssyncadd.tile.s32 @!p0 $0x1;
	_ =	shalt  }
.Lfunc_end2:
_tile_overlayer_lowered:
.L_overlay_start_2:
0x1db: {  	(tag) =	ssettag $0x2  }
0x1dc: {  	s0 =	rddreg [dreg:$0x0];
	s2 =	stileid.u32  }
0x1dd: {  	s1 =	rddreg [dreg:$0x1];
	p0 =	sne.s32 s2, $0x0  }
0x1de: {  	s3 =	rddreg [dreg:$0x2];
	[bflag:$0x3] =	sbarrier.arrive $0xFFFF;
	s2 =	simm.s32 @!p0 $0x1C05  }
0x1df: {  	[timem:s3], [sflag:s2] =	dma.local @!p0 [hbm:s0], s1  }
0x1e0: {  	s0 =	simm.s32 @!p0 $0x5  }
0x1e1: {  	_ =	swait.ge @!p0 [sflag:s0], s1  }
0x1e2: {  	s1 =	ssub.s32 @!p0 $0x0, s1;
	[sflag:s0] =	ssyncset.done @!p0 $0x0  }
0x1e3: {  	[sflag:s0] =	ssyncadd.s32 @!p0 s1  }
0x1e4: {  	[bflag:$0x3] =	sbarrier.arrive $0xFFFF  }
0x1e5: {  	_ =	shalt  }

// kernel: kernel.14.cloned.1.call-start
scs
__scs_entry_jumppad:
0x0: {  	(pc) =	sbr.rel $0x88, $3  }
0x1: {  	(tag) =	ssettag $0x0;
	lr =	simm.s32 $0x1  }
0x2: {  	[smem:$0x3F95] =	sst lr;
	_ =	strace $0xD0000000  }
0x3: {  	_ = 	snop  }
0x4: {  	_ = 	snop  }
0x5: {  	_ = 	snop  }
0x6: {  	_ = 	snop  }
0x7: {  	_ = 	snop  }
__scs_overlays_trampoline_lowered:
0x8: {  	[smem:$0x3FA4] =	sst s0  }
0x9: {  	[smem:$0x3FA5] =	sst s1  }
0xa: {  	[smem:$0x3FA6] =	sst s2  }
0xb: {  	[smem:$0x3FA7] =	sst s3  }
0xc: {  	[smem:$0x3FA8] =	sst s4  }
0xd: {  	[smem:$0x3FA9] =	sst s5  }
0xe: {  	[smem:$0x3FAA] =	sst s6  }
0xf: {  	[smem:$0x3FAB] =	sst s7  }
0x10: {  	[smem:$0x3FAC] =	sst s8  }
0x11: {  	[smem:$0x3FAD] =	sst s9;
	s0 =	simm.s32 @!p0 $0x0  }
0x12: {  	s1 =	sld [smem:$0x3F93];
	s0 =	simm.s32 @p0 $0x1  }
0x13: {  	[smem:$0x3FAE] =	sst s0;
	s0 =	simm.s32 @!p1 $0x0  }
0x14: {  	s2 =	sld [smem:$0x3F92];
	s0 =	simm.s32 @p1 $0x1  }
0x15: {  	[smem:$0x3FAF] =	sst s0;
	s0 =	simm.s32 @!p2 $0x0  }
0x16: {  	s3 =	sld [smem:$0x3FDB];
	s0 =	simm.s32 @p2 $0x1  }
0x17: {  	s4 =	simm.s32 $0x1BF5;
	[smem:$0x3FB1] =	sst s0  }
0x18: {  	s0 =	sld [smem:$0x3F94];
	_ =	swait.ge [sflag:s4], $0x0  }
0x19: {  	s7 =	sld [smem:$0x3F95]  }
0x1a: {  	s8 =	sadd.s32 $0xFFFFE003, lr  }
0x1b: {  	s9 =	sadd.s32 $0xFFFFFEF7, lr;
	s5 =	simm.s32 $0xFFFFFFFF;
	p2 =	slt.u32 s8, $0xFFFFF086  }
0x1c: {  	p1 =	slt.u32 s9, $0xF7A;
	s5 =	simm.s32 @!p2 $0x0  }
0x1d: {  	s5 =	simm.s32 @p1 $0x1;
	p0 =	seq.s32 s7, s2  }
0x1e: {  	s7 =	smul.u32 @!p0 $0xF7A, s2;
	p2 =	seq.s32 @!p0 s5, $0x0  }
0x1f: {  	s9 =	smul.u32 $0xF7A, s1;
	s8 =	simm.s32 @!p0 $0x1BF5;
	p2 =	por !p2, p0  }
0x20: {  	[sflag:s8] =	ssyncset.s32 @!p0 $0xFFFFF086;
	s6 =	sadd.s32 @!p0 s3, s7;
	s7 =	simm.s32 @!p0 $0x108  }
0x21: {  	s3 =	sadd.s32 s3, s9;
	s6 =	sadd.s32 @!p0 $0x88, s6;
	s7 =	simm.s32 @p2 $0x1082  }
0x22: {  	[simem:s7], [sflag:s8] =	dma.local @!p0 [hbm:s6], $0xF7A  }
0x23: {  	s9 =	sor.u32 $0xD0000000, s2;
	s6 =	simm.s32 $0x108;
	_ =	swait.ge @!p0 [sflag:s8], $0x0  }
0x24: {  	s3 =	sadd.s32 $0x88, s3;
	s6 =	simm.s32 @!p1 $0x1082;
	[sflag:s4] =	ssyncset.s32 $0xFFFFF086  }
0x25: {  	[simem:s6], [sflag:s4] =	dma.local [hbm:s3], $0xF7A  }
0x26: {  	[smem:$0x3F95] =	sst s1;
	(tag) =	ssettag s2;
	_ =	strace s9  }
0x27: {  	s1 =	sld [smem:$0x3FA5]  }
0x28: {  	s2 =	sld [smem:$0x3FA6]  }
0x29: {  	s4 =	sld [smem:$0x3FA8]  }
0x2a: {  	p0 =	seq.s32 s5, $0x0;
	s5 =	sld [smem:$0x3FA9]  }
0x2b: {  	s6 =	sld [smem:$0x3FAA]  }
0x2c: {  	s7 =	sld [smem:$0x3FAB]  }
0x2d: {  	s3 =	simm.s32 $0x108;
	s8 =	sld [smem:$0x3FAC]  }
0x2e: {  	s3 =	simm.s32 @!p0 $0x1082;
	s9 =	sld [smem:$0x3FAD]  }
0x2f: {  	lr =	sadd.s32 s0, s3;
	s0 =	sld [smem:$0x3FA4]  }
0x30: {  	s3 =	sld [smem:$0x3FA7]  }
0x31: {  	[smem:$0x3FB0] =	sst s10  }
0x32: {  	s10 =	sld [smem:$0x3FAE];
	_ =	sdelay $0x3  }
0x33: {  	p0 =	seq.s32 s10, $0x1;
	s10 =	sld [smem:$0x3FB0];
	_ =	sdelay $0x3  }
0x34: {  	[smem:$0x3FB0] =	sst s10  }
0x35: {  	s10 =	sld [smem:$0x3FAF];
	_ =	sdelay $0x3  }
0x36: {  	p1 =	seq.s32 s10, $0x1;
	s10 =	sld [smem:$0x3FB0];
	_ =	sdelay $0x3  }
0x37: {  	[smem:$0x3FB0] =	sst s10  }
0x38: {  	s10 =	sld [smem:$0x3FB1]  }
0x39: {  	_ = 	snop;
	(pc) =	sbr.ind lr, $3  }
0x3a: {  	_ = 	snop  }
0x3b: {  	_ = 	snop  }
0x3c: {  	p2 =	seq.s32 s10, $0x1;
	s10 =	sld [smem:$0x3FB0]  }
0x3d: {  	_ =	shalt  }
0x3e: {  	_ =	shalt  }
0x3f: {  	_ =	shalt  }
0x40: {  	_ =	shalt  }
0x41: {  	_ =	shalt  }
0x42: {  	_ =	shalt  }
0x43: {  	_ =	shalt  }
0x44: {  	_ =	shalt  }
0x45: {  	_ =	shalt  }
0x46: {  	_ =	shalt  }
0x47: {  	_ =	shalt  }
0x48: {  	_ =	shalt  }
0x49: {  	_ =	shalt  }
0x4a: {  	_ =	shalt  }
0x4b: {  	_ =	shalt  }
0x4c: {  	_ =	shalt  }
0x4d: {  	_ =	shalt  }
0x4e: {  	_ =	shalt  }
0x4f: {  	_ =	shalt  }
0x50: {  	_ =	shalt  }
0x51: {  	_ =	shalt  }
0x52: {  	_ =	shalt  }
0x53: {  	_ =	shalt  }
0x54: {  	_ =	shalt  }
0x55: {  	_ =	shalt  }
0x56: {  	_ =	shalt  }
0x57: {  	_ =	shalt  }
0x58: {  	_ =	shalt  }
0x59: {  	_ =	shalt  }
0x5a: {  	_ =	shalt  }
0x5b: {  	_ =	shalt  }
0x5c: {  	_ =	shalt  }
0x5d: {  	_ =	shalt  }
0x5e: {  	_ =	shalt  }
0x5f: {  	_ =	shalt  }
0x60: {  	_ =	shalt  }
0x61: {  	_ =	shalt  }
0x62: {  	_ =	shalt  }
0x63: {  	_ =	shalt  }
0x64: {  	_ =	shalt  }
0x65: {  	_ =	shalt  }
0x66: {  	_ =	shalt  }
0x67: {  	_ =	shalt  }
0x68: {  	_ =	shalt  }
0x69: {  	_ =	shalt  }
0x6a: {  	_ =	shalt  }
0x6b: {  	_ =	shalt  }
0x6c: {  	_ =	shalt  }
0x6d: {  	_ =	shalt  }
0x6e: {  	_ =	shalt  }
0x6f: {  	_ =	shalt  }
0x70: {  	_ =	shalt  }
0x71: {  	_ =	shalt  }
0x72: {  	_ =	shalt  }
0x73: {  	_ =	shalt  }
0x74: {  	_ =	shalt  }
0x75: {  	_ =	shalt  }
0x76: {  	_ =	shalt  }
0x77: {  	_ =	shalt  }
0x78: {  	_ =	shalt  }
0x79: {  	_ =	shalt  }
0x7a: {  	_ =	shalt  }
0x7b: {  	_ =	shalt  }
0x7c: {  	_ =	shalt  }
0x7d: {  	_ =	shalt  }
0x7e: {  	_ =	shalt  }
0x7f: {  	_ =	shalt  }
0x80: {  	_ =	shalt  }
0x81: {  	_ =	shalt  }
0x82: {  	_ =	shalt  }
0x83: {  	_ =	shalt  }
0x84: {  	_ =	shalt  }
0x85: {  	_ =	shalt  }
0x86: {  	_ =	shalt  }
0x87: {  	_ =	shalt  }
.Lfunc_end0:
.L_simem_size_0:
called_computation.2_lowered:
.L_overlay_start_0:
0x88: {  	s2 =	sld [smem:$0x3FD9]  }
0x89: {  	s3 =	sld [smem:$0x3FFE];
	_ =	sdelay $0x1  }
0x8a: {  	s1 =	srdreg.scid  }
0x8b: {  	s0 =	sand.u32 $0x1, s1  }
0x8c: {  	s16 =	sshll.u32 s0, $0xA;
	s2 =	sadd.s32 s3, s2  }
0x8d: {  	s2 =	sadd.s32 s2, s16  }
0x8e: {  	[smem:$0x3FBC] =	sst s2  }
0x8f: {  	_ = 	snop  }
0x90: {  	(tm) =	ssettm $0x1  }
0x91: {  	s17 =	sld [smem:$0x3FFB];
	_ =	sdelay $0x3  }
0x92: {  	_ =	strace s17  }
0x93: {  	s2 =	sld [smem:$0x3FFC];
	_ =	sdelay $0x3  }
0x94: {  	_ =	strace s2  }
0x95: {  	s2 =	sld [smem:$0x3FFD];
	_ =	sdelay $0x3  }
0x96: {  	_ =	strace s2  }
0x97: {  	_ =	strace $0x8FFFFFFF  }
0x98: {  	s18 =	sld [smem:$0x3FDB];
	_ =	sdelay $0x1  }
0x99: {  	s19 =	simm.s32 $_scs_section_size  }
0x9a: {  	s4 =	simm.s32 $_size__tile_overlayer_lowered;
	s5 =	simm.s32 $_tile_overlayer_lowered  }
0x9b: {  	s22 =	simm.s32 $0x1BFF;
	s21 =	sshll.u32 s5, $0x1;
	s2 =	sadd.s32 s19, s18  }
0x9c: {  	s6 =	simm.s32 $0x0;
	s20 =	sshll.u32 s4, $0x1;
	s4 =	sadd.s32 s21, s2  }
0x9d: {  	[timem:s6], [sflag:s22] =	dma.local [hbm:s4], s20  }
0x9e: {  	_ =	swait.ge [sflag:s22], s20  }
0x9f: {  	s3 =	ssub.s32 $0x0, s20;
	[sflag:s22] =	ssyncset.done $0x0  }
0xa0: {  	[sflag:s22] =	ssyncadd.s32 s3;
	_ =	sdelay $0x1  }
0xa1: {  	s23 =	simm.s32 $0x1B8B  }
0xa2: {  	_ =	swait.ge [sflag:s23], $0x1  }
0xa3: {  	[sflag:s23] =	ssyncset.done $0x0  }
0xa4: {  	s25 =	simm.s32 $0x1B8E;
	s24 =	sld [smem:$0x3FFE];
	[sflag:s23] =	ssyncadd.s32 $0xFFFFFFFF  }
0xa5: {  	s26 =	simm.s32 $execute0_lowered;
	[smem:$0x3FD2] =	sst s25  }
0xa6: {  	s4 =	sshll.u32 s26, $0x1;
	_ =	strace $0x8000004C;
	[dreg:$0x1] =	wrdreg $0xFFFFFFFF  }
0xa7: {  	s28 =	simm.s32 $_size_execute0_lowered;
	s2 =	sadd.s32 s2, s4;
	[dreg:$0x0] =	wrdreg $0x0  }
0xa8: {  	s4 =	sshll.u32 s28, $0x1;
	[dreg:$0x2] =	wrdreg s2  }
0xa9: {  	[dreg:$0x3] =	wrdreg s4  }
0xaa: {  	[dreg:$0x4] =	wrdreg $0xC0  }
0xab: {  	_ =	task [dreg:s6], $0x5FFFF  }
0xac: {  	[dreg:$0x1] =	wrdreg $0xFFFFFFFF  }
0xad: {  	[dreg:$0x0] =	wrdreg $0x60  }
0xae: {  	[dreg:$0x2] =	wrdreg s24  }
0xaf: {  	[dreg:$0x3] =	wrdreg $0x90000  }
0xb0: {  	[dreg:$0x4] =	wrdreg $0x9  }
0xb1: {  	_ =	task.clear_ibuf [dreg:s6], $0x5FFFF;
	_ =	strace $0x9000004C  }
0xb2: {  	s29 =	simm.s32 $0x9;
	_ =	strace $0x8000004E  }
0xb3: {  	_ =	swait.ge [sflag:s29], $0x1  }
0xb4: {  	[sflag:s29] =	ssyncadd.s32 $0xFFFFFFFF  }
0xb5: {  	_ =	strace $0x9000004E  }
0xb6: {  	_ =	sfence  }
0xb7: {  	s30 =	sld [smem:$0x0];
	_ =	sdelay $0x2  }
0xb8: {  	s31 =	sshll.u32 s1, $0xD;
	s1 =	sshrl.u32 s1, $0x2  }
0xb9: {  	s3 =	sand.u32 $0x4000, s31;
	s1 =	sadd.s32 s1, s30  }
0xba: {  	s0 =	sor.u32 s3, s0;
	s1 =	sshll.u32 s1, $0x11  }
0xbb: {  	s0 =	sor.u32 s1, s0  }
0xbc: {  	s0 =	sadd.s32 $0x8F2B, s0  }
0xbd: {  	[sflag:s0] =	ssyncadd.remote.s32 $0x1  }
0xbe: {  	_ =	sfence.sel $0xFFFF  }
0xbf: {  	[dreg:$0x0] =	wrdreg $0xFFFFFFFF;
	(pc) =	sbr.abs _section_cstart, $3  }
0xc0: {  	[dreg:$0x1] =	wrdreg $0xFFFFFFFF  }
0xc1: {  	_ =	task.clear_ibuf [dreg:s6], $0x2FFFF;
	_ =	strace $0x9FFFFFFF  }
0xc2: {  	(tm) =	ssettm $0x7FFFFFFF  }
0xc3: {  	_ =	shalt  }
tec
execute0_lowered:
.L_overlay_start_1:
0x0: {  	(tag) =	ssettag $0x1  }
0x1: {  	s0 =	rddreg [dreg:$0x0]  }
0x2: {  	s1 =	srdreg.scid;
	s11 =	stileid.u32  }
0x3: {  	s2 =	rddreg [dreg:$0x1];
	s3 =	simm.s32 $0x0;
	s12 =	simm.s32 $0x100  }
0x4: {  	s14 =	simm.s32 $0x880;
	s15 =	simm.s32 $0x180;
	s16 =	simm.s32 $0x900  }
0x5: {  	s17 =	simm.s32 $0x200;
	s18 =	simm.s32 $0x980;
	s19 =	simm.s32 $0x280  }
0x6: {  	s20 =	simm.s32 $0xA00;
	s21 =	simm.s32 $0x300;
	[smem:$0x7FF] =	sst s3  }
0x7: {  	s22 =	simm.s32 $0xA80;
	_ =	strace $0x8000004D;
	[dreg:$0x6] =	wrdreg s12  }
0x8: {  	s23 =	simm.s32 $0x380;
	s28 =	simm.s32 $0x680;
	[dreg:$0x7] =	wrdreg s14  }
0x9: {  	s29 =	simm.s32 $0xE00;
	s4 =	smul.u32 $0x5000, s11;
	[dreg:$0x8] =	wrdreg s15  }
0xa: {  	s30 =	simm.s32 $0x700;
	s6 =	smul.u32 $0xA00, s11;
	[dreg:$0x9] =	wrdreg s16  }
0xb: {  	s31 =	simm.s32 $0xE80;
	s7 =	smul.u32 $0x14000, s11;
	[dreg:$0xa] =	wrdreg s17  }
0xc: {  	s1 =	sand.u32 $0x1, s1;
	s10 =	smul.u32 $0x50000, s11;
	[dreg:$0xb] =	wrdreg s18  }
0xd: {  	s13 =	sshll.u32 s11, $0x6;
	s5 =	smul.u32 $0x50000, s1;
	[dreg:$0xc] =	wrdreg s19  }
0xe: {  	s11 =	simm.s32 $0x800;
	s8 =	smul.u32 $0x140000, s1;
	[dreg:$0xd] =	wrdreg s20  }
0xf: {  	s1 =	ssub.s32 $0x2, s1;
	s12 =	simm.s32 $0x7D;
	[dreg:$0xe] =	wrdreg s21  }
0x10: {  	s14 =	simm.s32 $0x5000;
	[dreg:$0xf] =	wrdreg s22;
	s15 =	simm.s32 $0x1  }
0x11: {  	[dreg:$0x10] =	wrdreg s23;
	s16 =	simm.s32 $0x3;
	s17 =	simm.s32 $0x2  }
0x12: {  	s18 =	simm.s32 $0x4;
	s19 =	simm.s32 $0x480;
	s20 =	simm.s32 $0xC00  }
0x13: {  	s21 =	simm.s32 $0x500;
	s22 =	simm.s32 $0xC80;
	s23 =	simm.s32 $0x580  }
0x14: {  	s6 =	sadd.s32 s6, s0;
	s9 =	sshrl.u32 s7, $0x3;
	s24 =	sshrl.u32 s1, $0x1  }
0x15: {  	s25 =	sshrl.u32 s10, $0x2;
	s5 =	sadd.s32 s4, s5;
	s4 =	sadd.s32 $0x31800, s0  }
0x16: {  	s9 =	sadd.s32 s9, s0;
	s7 =	sadd.s32 s7, s8;
	s1 =	ssub.s32 s1, s24  }
0x17: {  	s6 =	sadd.s32 $0x13800, s6;
	s26 =	sadd.s32 s25, s2;
	s8 =	simm.s32 $0x80  }
0x18: {  	s24 =	simm.s32 $0xB00;
	s25 =	simm.s32 $0x400;
	[dreg:$0x3] =	wrdreg s6  }
0x19: {  	s5 =	sshrl.u32 s5, $0x3;
	s7 =	sshrl.u32 s7, $0x3;
	[dreg:$0x5] =	wrdreg s8  }
0x1a: {  	s10 =	sadd.s32 $0x7FA00, s9;
	s1 =	smax.u32 s1, $0x1;
	[dreg:$0x11] =	wrdreg s24  }
0x1b: {  	s8 =	sshrl.u32 s26, $0x3;
	[dreg:$0x12] =	wrdreg s25;
	s26 =	simm.s32 $0xB80  }
0x1c: {  	s24 =	simm.s32 $0xD00;
	s25 =	simm.s32 $0x600;
	[dreg:$0x14] =	wrdreg s10  }
0x1d: {  	s9 =	simm.s32 $0x0;
	s5 =	sadd.s32 s5, s0;
	[dreg:$0x17] =	wrdreg s1  }
0x1e: {  	s0 =	sadd.s32 s7, s0;
	s7 =	sor.u32 $0x1C05, s13;
	[dreg:$0x13] =	wrdreg s26  }
0x1f: {  	s10 =	simm.s32 $0x5;
	s13 =	simm.s32 $0x1000;
	[dreg:$0x18] =	wrdreg s8  }
0x20: {  	s26 =	simm.s32 $0xD80;
	s5 =	sadd.s32 $0x1D800, s5;
	[dreg:$0x15] =	wrdreg s7  }
0x21: {  	s1 =	simm.s32 $0x780;
	s0 =	sadd.s32 $0xA7A00, s0;
	[dreg:$0x4] =	wrdreg s5  }
0x22: {  	[dreg:$0x16] =	wrdreg s0;
	s0 =	simm.s32 $0xF00;
	s5 =	simm.s32 $0xF80  }
.LBB2_1:
0x23: {  	[dreg:$0x19] =	wrdreg s9  }
0x24: {  	s6 =	rddreg [dreg:$0x14]  }
0x25: {  	[spmem:s8], [sflag:s7] =	dma.local [hbm:s6], $0x2800  }
0x26: {  	_ =	swait.ge [sflag:s10], $0x2800  }
0x27: {  	[sflag:s10] =	ssyncset.done $0x0  }
0x28: {  	[sflag:s10] =	ssyncadd.s32 $0xFFFFD800  }
0x29: {  	[bflag:$0x0] =	sbarrier.arrive $0xFFFF  }
0x2a: {  	s8 =	rddreg [dreg:$0x4]  }
0x2b: {  	s6 =	sadd.s32 $0x0, s8  }
0x2c: {  	[tilespmem:s3], [sflag:$0x5] =	stream.linear.gather [hbm4b:s6+s3], $0x800, $0x38;
	[tilespmem:$0x1D000] =	vst v63  }
0x2d: {  	_ =	swait.ge [sflag:s10], $0x800  }
0x2e: {  	s9 =	rddreg [dreg:$0x3];
	[sflag:s10] =	ssyncset.done $0x0  }
0x2f: {  	[sflag:s10] =	ssyncadd.s32 $0xFFFFF800;
	s6 =	sadd.s32 $0x0, s9  }
0x30: {  	[tilespmem:s11], [sflag:$0x5] =	stream.linear.gather [hbm4b:s6+s3], $0x800, $0x38;
	[tilespmem:$0x1D000] =	vst v63  }
0x31: {  	_ =	swait.ge [sflag:s10], $0x800  }
0x32: {  	[sflag:s10] =	ssyncset.done $0x0  }
0x33: {  	[sflag:s10] =	ssyncadd.s32 $0xFFFFF800  }
0x34: {  	[tilespmem:s13], [sflag:$0x1] =	stream.indirect.gather [hbm4b:s4+s12], $0x80, s3, s12, $0xb8;
	[tilespmem:$0x1D000] =	vst v63  }
0x35: {  	s7 =	rddreg [dreg:$0x5]  }
0x36: {  	[tilespmem:s14], [sflag:$0x2] =	stream.indirect.gather [hbm4b:s4+s12], $0x80, s7, s12, $0xb8;
	[tilespmem:$0x1D000] =	vst v63  }
0x37: {  	_ =	swait.ge [sflag:s15], $0x3E80  }
0x38: {  	[sflag:s15] =	ssyncset.done $0x0  }
0x39: {  	[sflag:s15] =	ssyncadd.s32 $0xFFFFC180  }
0x3a: {  	[spmem:s2] =	stream.indirect.scatter.add.f32 [tilespmem:s13], [sflag:$0x3], $0x80, s11, s12, $0xb8;
	[tilespmem:$0x1D000] =	vst v63  }
0x3b: {  	_ =	swait.ge [sflag:s16], $0x3E80  }
0x3c: {  	[sflag:s16] =	ssyncset.done $0x0  }
0x3d: {  	s8 =	rddreg [dreg:$0x6];
	[sflag:s16] =	ssyncadd.s32 $0xFFFFC180  }
0x3e: {  	[tilespmem:s13], [sflag:$0x1] =	stream.indirect.gather [hbm4b:s4+s12], $0x80, s8, s12, $0xb8;
	[tilespmem:$0x1D000] =	vst v63  }
0x3f: {  	_ =	swait.ge [sflag:s17], $0x3E80  }
0x40: {  	[sflag:s17] =	ssyncset.done $0x0  }
0x41: {  	s9 =	rddreg [dreg:$0x7];
	[sflag:s17] =	ssyncadd.s32 $0xFFFFC180  }
0x42: {  	[spmem:s2] =	stream.indirect.scatter.add.f32 [tilespmem:s14], [sflag:$0x4], $0x80, s9, s12, $0xb8;
	[tilespmem:$0x1D000] =	vst v63  }
0x43: {  	_ =	swait.ge [sflag:s18], $0x3E80  }
0x44: {  	[sflag:s18] =	ssyncset.done $0x0  }
0x45: {  	s7 =	rddreg [dreg:$0x8];
	[sflag:s18] =	ssyncadd.s32 $0xFFFFC180  }
0x46: {  	[tilespmem:s14], [sflag:$0x2] =	stream.indirect.gather [hbm4b:s4+s12], $0x80, s7, s12, $0xb8;
	[tilespmem:$0x1D000] =	vst v63  }
0x47: {  	_ =	swait.ge [sflag:s15], $0x3E80  }
0x48: {  	[sflag:s15] =	ssyncset.done $0x0  }
0x49: {  	s8 =	rddreg [dreg:$0x9];
	[sflag:s15] =	ssyncadd.s32 $0xFFFFC180  }
0x4a: {  	[spmem:s2] =	stream.indirect.scatter.add.f32 [tilespmem:s13], [sflag:$0x3], $0x80, s8, s12, $0xb8;
	[tilespmem:$0x1D000] =	vst v63  }
0x4b: {  	_ =	swait.ge [sflag:s16], $0x3E80  }
0x4c: {  	[sflag:s16] =	ssyncset.done $0x0  }
0x4d: {  	s9 =	rddreg [dreg:$0xa];
	[sflag:s16] =	ssyncadd.s32 $0xFFFFC180  }
0x4e: {  	[tilespmem:s13], [sflag:$0x1] =	stream.indirect.gather [hbm4b:s4+s12], $0x80, s9, s12, $0xb8;
	[tilespmem:$0x1D000] =	vst v63  }
0x4f: {  	_ =	swait.ge [sflag:s17], $0x3E80  }
0x50: {  	[sflag:s17] =	ssyncset.done $0x0  }
0x51: {  	s7 =	rddreg [dreg:$0xb];
	[sflag:s17] =	ssyncadd.s32 $0xFFFFC180  }
0x52: {  	[spmem:s2] =	stream.indirect.scatter.add.f32 [tilespmem:s14], [sflag:$0x4], $0x80, s7, s12, $0xb8;
	[tilespmem:$0x1D000] =	vst v63  }
0x53: {  	_ =	swait.ge [sflag:s18], $0x3E80  }
0x54: {  	[sflag:s18] =	ssyncset.done $0x0  }
0x55: {  	s8 =	rddreg [dreg:$0xc];
	[sflag:s18] =	ssyncadd.s32 $0xFFFFC180  }
0x56: {  	[tilespmem:s14], [sflag:$0x2] =	stream.indirect.gather [hbm4b:s4+s12], $0x80, s8, s12, $0xb8;
	[tilespmem:$0x1D000] =	vst v63  }
0x57: {  	_ =	swait.ge [sflag:s15], $0x3E80  }
0x58: {  	[sflag:s15] =	ssyncset.done $0x0  }
0x59: {  	s9 =	rddreg [dreg:$0xd];
	[sflag:s15] =	ssyncadd.s32 $0xFFFFC180  }
0x5a: {  	[spmem:s2] =	stream.indirect.scatter.add.f32 [tilespmem:s13], [sflag:$0x3], $0x80, s9, s12, $0xb8;
	[tilespmem:$0x1D000] =	vst v63  }
0x5b: {  	_ =	swait.ge [sflag:s16], $0x3E80  }
0x5c: {  	[sflag:s16] =	ssyncset.done $0x0  }
0x5d: {  	s7 =	rddreg [dreg:$0xe];
	[sflag:s16] =	ssyncadd.s32 $0xFFFFC180  }
0x5e: {  	[tilespmem:s13], [sflag:$0x1] =	stream.indirect.gather [hbm4b:s4+s12], $0x80, s7, s12, $0xb8;
	[tilespmem:$0x1D000] =	vst v63  }
0x5f: {  	_ =	swait.ge [sflag:s17], $0x3E80  }
0x60: {  	[sflag:s17] =	ssyncset.done $0x0  }
0x61: {  	s8 =	rddreg [dreg:$0xf];
	[sflag:s17] =	ssyncadd.s32 $0xFFFFC180  }
0x62: {  	[spmem:s2] =	stream.indirect.scatter.add.f32 [tilespmem:s14], [sflag:$0x4], $0x80, s8, s12, $0xb8;
	[tilespmem:$0x1D000] =	vst v63  }
0x63: {  	_ =	swait.ge [sflag:s18], $0x3E80  }
0x64: {  	[sflag:s18] =	ssyncset.done $0x0  }
0x65: {  	s9 =	rddreg [dreg:$0x10];
	[sflag:s18] =	ssyncadd.s32 $0xFFFFC180  }
0x66: {  	[tilespmem:s14], [sflag:$0x2] =	stream.indirect.gather [hbm4b:s4+s12], $0x80, s9, s12, $0xb8;
	[tilespmem:$0x1D000] =	vst v63  }
0x67: {  	_ =	swait.ge [sflag:s15], $0x3E80  }
0x68: {  	[sflag:s15] =	ssyncset.done $0x0  }
0x69: {  	s7 =	rddreg [dreg:$0x11];
	[sflag:s15] =	ssyncadd.s32 $0xFFFFC180  }
0x6a: {  	[spmem:s2] =	stream.indirect.scatter.add.f32 [tilespmem:s13], [sflag:$0x3], $0x80, s7, s12, $0xb8;
	[tilespmem:$0x1D000] =	vst v63  }
0x6b: {  	_ =	swait.ge [sflag:s16], $0x3E80  }
0x6c: {  	[sflag:s16] =	ssyncset.done $0x0  }
0x6d: {  	s8 =	rddreg [dreg:$0x12];
	[sflag:s16] =	ssyncadd.s32 $0xFFFFC180  }
0x6e: {  	[tilespmem:s13], [sflag:$0x1] =	stream.indirect.gather [hbm4b:s4+s12], $0x80, s8, s12, $0xb8;
	[tilespmem:$0x1D000] =	vst v63  }
0x6f: {  	_ =	swait.ge [sflag:s17], $0x3E80  }
0x70: {  	[sflag:s17] =	ssyncset.done $0x0  }
0x71: {  	s9 =	rddreg [dreg:$0x13];
	[sflag:s17] =	ssyncadd.s32 $0xFFFFC180  }
0x72: {  	[spmem:s2] =	stream.indirect.scatter.add.f32 [tilespmem:s14], [sflag:$0x4], $0x80, s9, s12, $0xb8;
	[tilespmem:$0x1D000] =	vst v63  }
0x73: {  	_ =	swait.ge [sflag:s18], $0x3E80  }
0x74: {  	[sflag:s18] =	ssyncset.done $0x0  }
0x75: {  	[sflag:s18] =	ssyncadd.s32 $0xFFFFC180  }
0x76: {  	[tilespmem:s14], [sflag:$0x2] =	stream.indirect.gather [hbm4b:s4+s12], $0x80, s19, s12, $0xb8;
	[tilespmem:$0x1D000] =	vst v63  }
0x77: {  	_ =	swait.ge [sflag:s15], $0x3E80  }
0x78: {  	[sflag:s15] =	ssyncset.done $0x0  }
0x79: {  	[sflag:s15] =	ssyncadd.s32 $0xFFFFC180  }
0x7a: {  	[spmem:s2] =	stream.indirect.scatter.add.f32 [tilespmem:s13], [sflag:$0x3], $0x80, s20, s12, $0xb8;
	[tilespmem:$0x1D000] =	vst v63  }
0x7b: {  	_ =	swait.ge [sflag:s16], $0x3E80  }
0x7c: {  	[sflag:s16] =	ssyncset.done $0x0  }
0x7d: {  	[sflag:s16] =	ssyncadd.s32 $0xFFFFC180  }
0x7e: {  	[tilespmem:s13], [sflag:$0x1] =	stream.indirect.gather [hbm4b:s4+s12], $0x80, s21, s12, $0xb8;
	[tilespmem:$0x1D000] =	vst v63  }
0x7f: {  	_ =	swait.ge [sflag:s17], $0x3E80  }
0x80: {  	[sflag:s17] =	ssyncset.done $0x0  }
0x81: {  	[sflag:s17] =	ssyncadd.s32 $0xFFFFC180  }
0x82: {  	[spmem:s2] =	stream.indirect.scatter.add.f32 [tilespmem:s14], [sflag:$0x4], $0x80, s22, s12, $0xb8;
	[tilespmem:$0x1D000] =	vst v63  }
0x83: {  	_ =	swait.ge [sflag:s18], $0x3E80  }
0x84: {  	[sflag:s18] =	ssyncset.done $0x0  }
0x85: {  	[sflag:s18] =	ssyncadd.s32 $0xFFFFC180  }
0x86: {  	[tilespmem:s14], [sflag:$0x2] =	stream.indirect.gather [hbm4b:s4+s12], $0x80, s23, s12, $0xb8;
	[tilespmem:$0x1D000] =	vst v63  }
0x87: {  	_ =	swait.ge [sflag:s15], $0x3E80  }
0x88: {  	[sflag:s15] =	ssyncset.done $0x0  }
0x89: {  	[sflag:s15] =	ssyncadd.s32 $0xFFFFC180  }
0x8a: {  	[spmem:s2] =	stream.indirect.scatter.add.f32 [tilespmem:s13], [sflag:$0x3], $0x80, s24, s12, $0xb8;
	[tilespmem:$0x1D000] =	vst v63  }
0x8b: {  	_ =	swait.ge [sflag:s16], $0x3E80  }
0x8c: {  	[sflag:s16] =	ssyncset.done $0x0  }
0x8d: {  	[sflag:s16] =	ssyncadd.s32 $0xFFFFC180  }
0x8e: {  	[tilespmem:s13], [sflag:$0x1] =	stream.indirect.gather [hbm4b:s4+s12], $0x80, s25, s12, $0xb8;
	[tilespmem:$0x1D000] =	vst v63  }
0x8f: {  	_ =	swait.ge [sflag:s17], $0x3E80  }
0x90: {  	[sflag:s17] =	ssyncset.done $0x0  }
0x91: {  	[sflag:s17] =	ssyncadd.s32 $0xFFFFC180  }
0x92: {  	[spmem:s2] =	stream.indirect.scatter.add.f32 [tilespmem:s14], [sflag:$0x4], $0x80, s26, s12, $0xb8;
	[tilespmem:$0x1D000] =	vst v63  }
0x93: {  	_ =	swait.ge [sflag:s18], $0x3E80  }
0x94: {  	[sflag:s18] =	ssyncset.done $0x0  }
0x95: {  	[sflag:s18] =	ssyncadd.s32 $0xFFFFC180  }
0x96: {  	[tilespmem:s14], [sflag:$0x2] =	stream.indirect.gather [hbm4b:s4+s12], $0x80, s28, s12, $0xb8;
	[tilespmem:$0x1D000] =	vst v63  }
0x97: {  	_ =	swait.ge [sflag:s15], $0x3E80  }
0x98: {  	[sflag:s15] =	ssyncset.done $0x0  }
0x99: {  	[sflag:s15] =	ssyncadd.s32 $0xFFFFC180  }
0x9a: {  	[spmem:s2] =	stream.indirect.scatter.add.f32 [tilespmem:s13], [sflag:$0x3], $0x80, s29, s12, $0xb8;
	[tilespmem:$0x1D000] =	vst v63  }
0x9b: {  	_ =	swait.ge [sflag:s16], $0x3E80  }
0x9c: {  	[sflag:s16] =	ssyncset.done $0x0  }
0x9d: {  	[sflag:s16] =	ssyncadd.s32 $0xFFFFC180  }
0x9e: {  	[tilespmem:s13], [sflag:$0x1] =	stream.indirect.gather [hbm4b:s4+s12], $0x80, s30, s12, $0xb8;
	[tilespmem:$0x1D000] =	vst v63  }
0x9f: {  	_ =	swait.ge [sflag:s17], $0x3E80  }
0xa0: {  	[sflag:s17] =	ssyncset.done $0x0  }
0xa1: {  	[sflag:s17] =	ssyncadd.s32 $0xFFFFC180  }
0xa2: {  	[spmem:s2] =	stream.indirect.scatter.add.f32 [tilespmem:s14], [sflag:$0x4], $0x80, s31, s12, $0xb8;
	[tilespmem:$0x1D000] =	vst v63  }
0xa3: {  	_ =	swait.ge [sflag:s18], $0x3E80  }
0xa4: {  	[sflag:s18] =	ssyncset.done $0x0  }
0xa5: {  	[sflag:s18] =	ssyncadd.s32 $0xFFFFC180  }
0xa6: {  	[tilespmem:s14], [sflag:$0x2] =	stream.indirect.gather [hbm4b:s4+s12], $0x80, s1, s12, $0xb8;
	[tilespmem:$0x1D000] =	vst v63  }
0xa7: {  	_ =	swait.ge [sflag:s15], $0x3E80  }
0xa8: {  	[sflag:s15] =	ssyncset.done $0x0  }
0xa9: {  	[sflag:s15] =	ssyncadd.s32 $0xFFFFC180  }
0xaa: {  	[spmem:s2] =	stream.indirect.scatter.add.f32 [tilespmem:s13], [sflag:$0x3], $0x80, s0, s12, $0xb8;
	[tilespmem:$0x1D000] =	vst v63  }
0xab: {  	_ =	swait.ge [sflag:s17], $0x3E80  }
0xac: {  	[sflag:s17] =	ssyncset.done $0x0  }
0xad: {  	[sflag:s17] =	ssyncadd.s32 $0xFFFFC180  }
0xae: {  	[spmem:s2] =	stream.indirect.scatter.add.f32 [tilespmem:s14], [sflag:$0x4], $0x80, s5, s12, $0xb8;
	[tilespmem:$0x1D000] =	vst v63  }
0xaf: {  	_ =	swait.ge [sflag:s16], $0x3E80  }
0xb0: {  	[sflag:s16] =	ssyncset.done $0x0  }
0xb1: {  	[sflag:s16] =	ssyncadd.s32 $0xFFFFC180  }
0xb2: {  	s6 =	simm.s32 $0x200;
	_ =	swait.ge [sflag:s18], $0x3E80  }
0xb3: {  	s8 =	simm.s32 $0x100;
	s9 =	rddreg [dreg:$0x4];
	[sflag:s18] =	ssyncset.done $0x0  }
.LBB2_2:
0xb4: {  	[sflag:s18] =	ssyncadd.s32 $0xFFFFC180;
	s9 =	sadd.s32 s8, s9  }
0xb5: {  	[tilespmem:s3], [sflag:$0x5] =	stream.linear.gather [hbm4b:s9+s3], $0x800, $0x38;
	[tilespmem:$0x1D000] =	vst v63  }
0xb6: {  	_ =	swait.ge [sflag:s10], $0x800  }
0xb7: {  	s9 =	rddreg [dreg:$0x3];
	[sflag:s10] =	ssyncset.done $0x0  }
0xb8: {  	[sflag:s10] =	ssyncadd.s32 $0xFFFFF800;
	s9 =	sadd.s32 s8, s9  }
0xb9: {  	[tilespmem:s11], [sflag:$0x5] =	stream.linear.gather [hbm4b:s9+s3], $0x800, $0x38;
	[tilespmem:$0x1D000] =	vst v63  }
0xba: {  	_ =	swait.ge [sflag:s10], $0x800  }
0xbb: {  	[sflag:s10] =	ssyncset.done $0x0  }
0xbc: {  	[sflag:s10] =	ssyncadd.s32 $0xFFFFF800  }
0xbd: {  	[tilespmem:s13], [sflag:$0x1] =	stream.indirect.gather [hbm4b:s4+s12], $0x80, s3, s12, $0xb8;
	[tilespmem:$0x1D000] =	vst v63  }
0xbe: {  	s9 =	rddreg [dreg:$0x5]  }
0xbf: {  	[tilespmem:s14], [sflag:$0x2] =	stream.indirect.gather [hbm4b:s4+s12], $0x80, s9, s12, $0xb8;
	[tilespmem:$0x1D000] =	vst v63  }
0xc0: {  	_ =	swait.ge [sflag:s15], $0x3E80  }
0xc1: {  	[sflag:s15] =	ssyncset.done $0x0  }
0xc2: {  	[sflag:s15] =	ssyncadd.s32 $0xFFFFC180  }
0xc3: {  	[spmem:s2] =	stream.indirect.scatter.add.f32 [tilespmem:s13], [sflag:$0x3], $0x80, s11, s12, $0xb8;
	[tilespmem:$0x1D000] =	vst v63  }
0xc4: {  	_ =	swait.ge [sflag:s16], $0x3E80  }
0xc5: {  	[sflag:s16] =	ssyncset.done $0x0  }
0xc6: {  	s9 =	rddreg [dreg:$0x6];
	[sflag:s16] =	ssyncadd.s32 $0xFFFFC180  }
0xc7: {  	[tilespmem:s13], [sflag:$0x1] =	stream.indirect.gather [hbm4b:s4+s12], $0x80, s9, s12, $0xb8;
	[tilespmem:$0x1D000] =	vst v63  }
0xc8: {  	_ =	swait.ge [sflag:s17], $0x3E80  }
0xc9: {  	[sflag:s17] =	ssyncset.done $0x0  }
0xca: {  	s9 =	rddreg [dreg:$0x7];
	[sflag:s17] =	ssyncadd.s32 $0xFFFFC180  }
0xcb: {  	[spmem:s2] =	stream.indirect.scatter.add.f32 [tilespmem:s14], [sflag:$0x4], $0x80, s9, s12, $0xb8;
	[tilespmem:$0x1D000] =	vst v63  }
0xcc: {  	_ =	swait.ge [sflag:s18], $0x3E80  }
0xcd: {  	[sflag:s18] =	ssyncset.done $0x0  }
0xce: {  	s9 =	rddreg [dreg:$0x8];
	[sflag:s18] =	ssyncadd.s32 $0xFFFFC180  }
0xcf: {  	[tilespmem:s14], [sflag:$0x2] =	stream.indirect.gather [hbm4b:s4+s12], $0x80, s9, s12, $0xb8;
	[tilespmem:$0x1D000] =	vst v63  }
0xd0: {  	_ =	swait.ge [sflag:s15], $0x3E80  }
0xd1: {  	[sflag:s15] =	ssyncset.done $0x0  }
0xd2: {  	s9 =	rddreg [dreg:$0x9];
	[sflag:s15] =	ssyncadd.s32 $0xFFFFC180  }
0xd3: {  	[spmem:s2] =	stream.indirect.scatter.add.f32 [tilespmem:s13], [sflag:$0x3], $0x80, s9, s12, $0xb8;
	[tilespmem:$0x1D000] =	vst v63  }
0xd4: {  	_ =	swait.ge [sflag:s16], $0x3E80  }
0xd5: {  	[sflag:s16] =	ssyncset.done $0x0  }
0xd6: {  	s9 =	rddreg [dreg:$0xa];
	[sflag:s16] =	ssyncadd.s32 $0xFFFFC180  }
0xd7: {  	[tilespmem:s13], [sflag:$0x1] =	stream.indirect.gather [hbm4b:s4+s12], $0x80, s9, s12, $0xb8;
	[tilespmem:$0x1D000] =	vst v63  }
0xd8: {  	_ =	swait.ge [sflag:s17], $0x3E80  }
0xd9: {  	[sflag:s17] =	ssyncset.done $0x0  }
0xda: {  	s9 =	rddreg [dreg:$0xb];
	[sflag:s17] =	ssyncadd.s32 $0xFFFFC180  }
0xdb: {  	[spmem:s2] =	stream.indirect.scatter.add.f32 [tilespmem:s14], [sflag:$0x4], $0x80, s9, s12, $0xb8;
	[tilespmem:$0x1D000] =	vst v63  }
0xdc: {  	_ =	swait.ge [sflag:s18], $0x3E80  }
0xdd: {  	[sflag:s18] =	ssyncset.done $0x0  }
0xde: {  	s9 =	rddreg [dreg:$0xc];
	[sflag:s18] =	ssyncadd.s32 $0xFFFFC180  }
0xdf: {  	[tilespmem:s14], [sflag:$0x2] =	stream.indirect.gather [hbm4b:s4+s12], $0x80, s9, s12, $0xb8;
	[tilespmem:$0x1D000] =	vst v63  }
0xe0: {  	_ =	swait.ge [sflag:s15], $0x3E80  }
0xe1: {  	[sflag:s15] =	ssyncset.done $0x0  }
0xe2: {  	s9 =	rddreg [dreg:$0xd];
	[sflag:s15] =	ssyncadd.s32 $0xFFFFC180  }
0xe3: {  	[spmem:s2] =	stream.indirect.scatter.add.f32 [tilespmem:s13], [sflag:$0x3], $0x80, s9, s12, $0xb8;
	[tilespmem:$0x1D000] =	vst v63  }
0xe4: {  	_ =	swait.ge [sflag:s16], $0x3E80  }
0xe5: {  	[sflag:s16] =	ssyncset.done $0x0  }
0xe6: {  	s9 =	rddreg [dreg:$0xe];
	[sflag:s16] =	ssyncadd.s32 $0xFFFFC180  }
0xe7: {  	[tilespmem:s13], [sflag:$0x1] =	stream.indirect.gather [hbm4b:s4+s12], $0x80, s9, s12, $0xb8;
	[tilespmem:$0x1D000] =	vst v63  }
0xe8: {  	_ =	swait.ge [sflag:s17], $0x3E80  }
0xe9: {  	[sflag:s17] =	ssyncset.done $0x0  }
0xea: {  	s9 =	rddreg [dreg:$0xf];
	[sflag:s17] =	ssyncadd.s32 $0xFFFFC180  }
0xeb: {  	[spmem:s2] =	stream.indirect.scatter.add.f32 [tilespmem:s14], [sflag:$0x4], $0x80, s9, s12, $0xb8;
	[tilespmem:$0x1D000] =	vst v63  }
0xec: {  	_ =	swait.ge [sflag:s18], $0x3E80  }
0xed: {  	[sflag:s18] =	ssyncset.done $0x0  }
0xee: {  	s9 =	rddreg [dreg:$0x10];
	[sflag:s18] =	ssyncadd.s32 $0xFFFFC180  }
0xef: {  	[tilespmem:s14], [sflag:$0x2] =	stream.indirect.gather [hbm4b:s4+s12], $0x80, s9, s12, $0xb8;
	[tilespmem:$0x1D000] =	vst v63  }
0xf0: {  	_ =	swait.ge [sflag:s15], $0x3E80  }
0xf1: {  	[sflag:s15] =	ssyncset.done $0x0  }
0xf2: {  	s9 =	rddreg [dreg:$0x11];
	[sflag:s15] =	ssyncadd.s32 $0xFFFFC180  }
0xf3: {  	[spmem:s2] =	stream.indirect.scatter.add.f32 [tilespmem:s13], [sflag:$0x3], $0x80, s9, s12, $0xb8;
	[tilespmem:$0x1D000] =	vst v63  }
0xf4: {  	_ =	swait.ge [sflag:s16], $0x3E80  }
0xf5: {  	[sflag:s16] =	ssyncset.done $0x0  }
0xf6: {  	s9 =	rddreg [dreg:$0x12];
	[sflag:s16] =	ssyncadd.s32 $0xFFFFC180  }
0xf7: {  	[tilespmem:s13], [sflag:$0x1] =	stream.indirect.gather [hbm4b:s4+s12], $0x80, s9, s12, $0xb8;
	[tilespmem:$0x1D000] =	vst v63  }
0xf8: {  	_ =	swait.ge [sflag:s17], $0x3E80  }
0xf9: {  	[sflag:s17] =	ssyncset.done $0x0  }
0xfa: {  	s9 =	rddreg [dreg:$0x13];
	[sflag:s17] =	ssyncadd.s32 $0xFFFFC180  }
0xfb: {  	[spmem:s2] =	stream.indirect.scatter.add.f32 [tilespmem:s14], [sflag:$0x4], $0x80, s9, s12, $0xb8;
	[tilespmem:$0x1D000] =	vst v63  }
0xfc: {  	_ =	swait.ge [sflag:s18], $0x3E80  }
0xfd: {  	[sflag:s18] =	ssyncset.done $0x0  }
0xfe: {  	[sflag:s18] =	ssyncadd.s32 $0xFFFFC180  }
0xff: {  	[tilespmem:s14], [sflag:$0x2] =	stream.indirect.gather [hbm4b:s4+s12], $0x80, s19, s12, $0xb8;
	[tilespmem:$0x1D000] =	vst v63  }
0x100: {  	_ =	swait.ge [sflag:s15], $0x3E80  }
0x101: {  	[sflag:s15] =	ssyncset.done $0x0  }
0x102: {  	[sflag:s15] =	ssyncadd.s32 $0xFFFFC180  }
0x103: {  	[spmem:s2] =	stream.indirect.scatter.add.f32 [tilespmem:s13], [sflag:$0x3], $0x80, s20, s12, $0xb8;
	[tilespmem:$0x1D000] =	vst v63  }
0x104: {  	_ =	swait.ge [sflag:s16], $0x3E80  }
0x105: {  	[sflag:s16] =	ssyncset.done $0x0  }
0x106: {  	[sflag:s16] =	ssyncadd.s32 $0xFFFFC180  }
0x107: {  	[tilespmem:s13], [sflag:$0x1] =	stream.indirect.gather [hbm4b:s4+s12], $0x80, s21, s12, $0xb8;
	[tilespmem:$0x1D000] =	vst v63  }
0x108: {  	_ =	swait.ge [sflag:s17], $0x3E80  }
0x109: {  	[sflag:s17] =	ssyncset.done $0x0  }
0x10a: {  	[sflag:s17] =	ssyncadd.s32 $0xFFFFC180  }
0x10b: {  	[spmem:s2] =	stream.indirect.scatter.add.f32 [tilespmem:s14], [sflag:$0x4], $0x80, s22, s12, $0xb8;
	[tilespmem:$0x1D000] =	vst v63  }
0x10c: {  	_ =	swait.ge [sflag:s18], $0x3E80  }
0x10d: {  	[sflag:s18] =	ssyncset.done $0x0  }
0x10e: {  	[sflag:s18] =	ssyncadd.s32 $0xFFFFC180  }
0x10f: {  	[tilespmem:s14], [sflag:$0x2] =	stream.indirect.gather [hbm4b:s4+s12], $0x80, s23, s12, $0xb8;
	[tilespmem:$0x1D000] =	vst v63  }
0x110: {  	_ =	swait.ge [sflag:s15], $0x3E80  }
0x111: {  	[sflag:s15] =	ssyncset.done $0x0  }
0x112: {  	[sflag:s15] =	ssyncadd.s32 $0xFFFFC180  }
0x113: {  	[spmem:s2] =	stream.indirect.scatter.add.f32 [tilespmem:s13], [sflag:$0x3], $0x80, s24, s12, $0xb8;
	[tilespmem:$0x1D000] =	vst v63  }
0x114: {  	_ =	swait.ge [sflag:s16], $0x3E80  }
0x115: {  	[sflag:s16] =	ssyncset.done $0x0  }
0x116: {  	[sflag:s16] =	ssyncadd.s32 $0xFFFFC180  }
0x117: {  	[tilespmem:s13], [sflag:$0x1] =	stream.indirect.gather [hbm4b:s4+s12], $0x80, s25, s12, $0xb8;
	[tilespmem:$0x1D000] =	vst v63  }
0x118: {  	_ =	swait.ge [sflag:s17], $0x3E80  }
0x119: {  	[sflag:s17] =	ssyncset.done $0x0  }
0x11a: {  	[sflag:s17] =	ssyncadd.s32 $0xFFFFC180  }
0x11b: {  	[spmem:s2] =	stream.indirect.scatter.add.f32 [tilespmem:s14], [sflag:$0x4], $0x80, s26, s12, $0xb8;
	[tilespmem:$0x1D000] =	vst v63  }
0x11c: {  	_ =	swait.ge [sflag:s18], $0x3E80  }
0x11d: {  	[sflag:s18] =	ssyncset.done $0x0  }
0x11e: {  	[sflag:s18] =	ssyncadd.s32 $0xFFFFC180  }
0x11f: {  	[tilespmem:s14], [sflag:$0x2] =	stream.indirect.gather [hbm4b:s4+s12], $0x80, s28, s12, $0xb8;
	[tilespmem:$0x1D000] =	vst v63  }
0x120: {  	_ =	swait.ge [sflag:s15], $0x3E80  }
0x121: {  	[sflag:s15] =	ssyncset.done $0x0  }
0x122: {  	[sflag:s15] =	ssyncadd.s32 $0xFFFFC180  }
0x123: {  	[spmem:s2] =	stream.indirect.scatter.add.f32 [tilespmem:s13], [sflag:$0x3], $0x80, s29, s12, $0xb8;
	[tilespmem:$0x1D000] =	vst v63  }
0x124: {  	_ =	swait.ge [sflag:s16], $0x3E80  }
0x125: {  	[sflag:s16] =	ssyncset.done $0x0  }
0x126: {  	[sflag:s16] =	ssyncadd.s32 $0xFFFFC180  }
0x127: {  	[tilespmem:s13], [sflag:$0x1] =	stream.indirect.gather [hbm4b:s4+s12], $0x80, s30, s12, $0xb8;
	[tilespmem:$0x1D000] =	vst v63  }
0x128: {  	_ =	swait.ge [sflag:s17], $0x3E80  }
0x129: {  	[sflag:s17] =	ssyncset.done $0x0  }
0x12a: {  	[sflag:s17] =	ssyncadd.s32 $0xFFFFC180  }
0x12b: {  	[spmem:s2] =	stream.indirect.scatter.add.f32 [tilespmem:s14], [sflag:$0x4], $0x80, s31, s12, $0xb8;
	[tilespmem:$0x1D000] =	vst v63  }
0x12c: {  	_ =	swait.ge [sflag:s18], $0x3E80  }
0x12d: {  	[sflag:s18] =	ssyncset.done $0x0  }
0x12e: {  	[sflag:s18] =	ssyncadd.s32 $0xFFFFC180  }
0x12f: {  	[tilespmem:s14], [sflag:$0x2] =	stream.indirect.gather [hbm4b:s4+s12], $0x80, s1, s12, $0xb8;
	[tilespmem:$0x1D000] =	vst v63  }
0x130: {  	_ =	swait.ge [sflag:s15], $0x3E80  }
0x131: {  	[sflag:s15] =	ssyncset.done $0x0  }
0x132: {  	[sflag:s15] =	ssyncadd.s32 $0xFFFFC180  }
0x133: {  	[spmem:s2] =	stream.indirect.scatter.add.f32 [tilespmem:s13], [sflag:$0x3], $0x80, s0, s12, $0xb8;
	[tilespmem:$0x1D000] =	vst v63  }
0x134: {  	_ =	swait.ge [sflag:s17], $0x3E80  }
0x135: {  	[sflag:s17] =	ssyncset.done $0x0  }
0x136: {  	p0 =	sne.s32 s6, $0x900;
	[sflag:s17] =	ssyncadd.s32 $0xFFFFC180  }
0x137: {  	[spmem:s2] =	stream.indirect.scatter.add.f32 [tilespmem:s14], [sflag:$0x4], $0x80, s5, s12, $0xb8;
	[tilespmem:$0x1D000] =	vst v63  }
.Ltmp0:
0x138: {  	_ =	swait.ge [sflag:s16], $0x3E80;
	(pc) =	sbr.rel @p0 .LBB2_2-.Ltmp0, $4  }
0x139: {  	[sflag:s16] =	ssyncset.done $0x0  }
0x13a: {  	[sflag:s16] =	ssyncadd.s32 $0xFFFFC180  }
0x13b: {  	s7 =	smov.u32 s6;
	s6 =	sadd.s32 $0x100, s6;
	_ =	swait.ge [sflag:s18], $0x3E80  }
0x13c: {  	s8 =	smov.u32 s7;
	s9 =	rddreg [dreg:$0x4];
	[sflag:s18] =	ssyncset.done $0x0  }
0x13d: {  	[sflag:s18] =	ssyncadd.s32 $0xFFFFC180;
	s6 =	sadd.s32 s8, s9  }
0x13e: {  	[tilespmem:s3], [sflag:$0x5] =	stream.linear.gather [hbm4b:s6+s3], $0x800, $0x38;
	[tilespmem:$0x1D000] =	vst v63  }
0x13f: {  	_ =	swait.ge [sflag:s10], $0x800  }
0x140: {  	s7 =	rddreg [dreg:$0x3];
	[sflag:s10] =	ssyncset.done $0x0  }
0x141: {  	s6 =	sadd.s32 s8, s7;
	[sflag:s10] =	ssyncadd.s32 $0xFFFFF800  }
0x142: {  	[tilespmem:s11], [sflag:$0x5] =	stream.linear.gather [hbm4b:s6+s3], $0x800, $0x38;
	[tilespmem:$0x1D000] =	vst v63  }
0x143: {  	_ =	swait.ge [sflag:s10], $0x800  }
0x144: {  	[sflag:s10] =	ssyncset.done $0x0  }
0x145: {  	[sflag:s10] =	ssyncadd.s32 $0xFFFFF800  }
0x146: {  	[tilespmem:s13], [sflag:$0x1] =	stream.indirect.gather [hbm4b:s4+s12], $0x80, s3, s12, $0xb8;
	[tilespmem:$0x1D000] =	vst v63  }
0x147: {  	s9 =	rddreg [dreg:$0x5]  }
0x148: {  	[tilespmem:s14], [sflag:$0x2] =	stream.indirect.gather [hbm4b:s4+s12], $0x80, s9, s12, $0xb8;
	[tilespmem:$0x1D000] =	vst v63  }
0x149: {  	_ =	swait.ge [sflag:s15], $0x3E80  }
0x14a: {  	[sflag:s15] =	ssyncset.done $0x0  }
0x14b: {  	[sflag:s15] =	ssyncadd.s32 $0xFFFFC180  }
0x14c: {  	[spmem:s2] =	stream.indirect.scatter.add.f32 [tilespmem:s13], [sflag:$0x3], $0x80, s11, s12, $0xb8;
	[tilespmem:$0x1D000] =	vst v63  }
0x14d: {  	_ =	swait.ge [sflag:s16], $0x3E80  }
0x14e: {  	[sflag:s16] =	ssyncset.done $0x0  }
0x14f: {  	s7 =	rddreg [dreg:$0x6];
	[sflag:s16] =	ssyncadd.s32 $0xFFFFC180  }
0x150: {  	[tilespmem:s13], [sflag:$0x1] =	stream.indirect.gather [hbm4b:s4+s12], $0x80, s7, s12, $0xb8;
	[tilespmem:$0x1D000] =	vst v63  }
0x151: {  	_ =	swait.ge [sflag:s17], $0x3E80  }
0x152: {  	[sflag:s17] =	ssyncset.done $0x0  }
0x153: {  	s8 =	rddreg [dreg:$0x7];
	[sflag:s17] =	ssyncadd.s32 $0xFFFFC180  }
0x154: {  	[spmem:s2] =	stream.indirect.scatter.add.f32 [tilespmem:s14], [sflag:$0x4], $0x80, s8, s12, $0xb8;
	[tilespmem:$0x1D000] =	vst v63  }
0x155: {  	_ =	swait.ge [sflag:s18], $0x3E80  }
0x156: {  	[sflag:s18] =	ssyncset.done $0x0  }
0x157: {  	s9 =	rddreg [dreg:$0x8];
	[sflag:s18] =	ssyncadd.s32 $0xFFFFC180  }
0x158: {  	[tilespmem:s14], [sflag:$0x2] =	stream.indirect.gather [hbm4b:s4+s12], $0x80, s9, s12, $0xb8;
	[tilespmem:$0x1D000] =	vst v63  }
0x159: {  	_ =	swait.ge [sflag:s15], $0x3E80  }
0x15a: {  	[sflag:s15] =	ssyncset.done $0x0  }
0x15b: {  	s7 =	rddreg [dreg:$0x9];
	[sflag:s15] =	ssyncadd.s32 $0xFFFFC180  }
0x15c: {  	[spmem:s2] =	stream.indirect.scatter.add.f32 [tilespmem:s13], [sflag:$0x3], $0x80, s7, s12, $0xb8;
	[tilespmem:$0x1D000] =	vst v63  }
0x15d: {  	_ =	swait.ge [sflag:s16], $0x3E80  }
0x15e: {  	[sflag:s16] =	ssyncset.done $0x0  }
0x15f: {  	s8 =	rddreg [dreg:$0xa];
	[sflag:s16] =	ssyncadd.s32 $0xFFFFC180  }
0x160: {  	[tilespmem:s13], [sflag:$0x1] =	stream.indirect.gather [hbm4b:s4+s12], $0x80, s8, s12, $0xb8;
	[tilespmem:$0x1D000] =	vst v63  }
0x161: {  	_ =	swait.ge [sflag:s17], $0x3E80  }
0x162: {  	[sflag:s17] =	ssyncset.done $0x0  }
0x163: {  	s9 =	rddreg [dreg:$0xb];
	[sflag:s17] =	ssyncadd.s32 $0xFFFFC180  }
0x164: {  	[spmem:s2] =	stream.indirect.scatter.add.f32 [tilespmem:s14], [sflag:$0x4], $0x80, s9, s12, $0xb8;
	[tilespmem:$0x1D000] =	vst v63  }
0x165: {  	_ =	swait.ge [sflag:s18], $0x3E80  }
0x166: {  	[sflag:s18] =	ssyncset.done $0x0  }
0x167: {  	s7 =	rddreg [dreg:$0xc];
	[sflag:s18] =	ssyncadd.s32 $0xFFFFC180  }
0x168: {  	[tilespmem:s14], [sflag:$0x2] =	stream.indirect.gather [hbm4b:s4+s12], $0x80, s7, s12, $0xb8;
	[tilespmem:$0x1D000] =	vst v63  }
0x169: {  	_ =	swait.ge [sflag:s15], $0x3E80  }
0x16a: {  	[sflag:s15] =	ssyncset.done $0x0  }
0x16b: {  	s8 =	rddreg [dreg:$0xd];
	[sflag:s15] =	ssyncadd.s32 $0xFFFFC180  }
0x16c: {  	[spmem:s2] =	stream.indirect.scatter.add.f32 [tilespmem:s13], [sflag:$0x3], $0x80, s8, s12, $0xb8;
	[tilespmem:$0x1D000] =	vst v63  }
0x16d: {  	_ =	swait.ge [sflag:s16], $0x3E80  }
0x16e: {  	[sflag:s16] =	ssyncset.done $0x0  }
0x16f: {  	s9 =	rddreg [dreg:$0xe];
	[sflag:s16] =	ssyncadd.s32 $0xFFFFC180  }
0x170: {  	[tilespmem:s13], [sflag:$0x1] =	stream.indirect.gather [hbm4b:s4+s12], $0x80, s9, s12, $0xb8;
	[tilespmem:$0x1D000] =	vst v63  }
0x171: {  	_ =	swait.ge [sflag:s17], $0x3E80  }
0x172: {  	[sflag:s17] =	ssyncset.done $0x0  }
0x173: {  	s7 =	rddreg [dreg:$0xf];
	[sflag:s17] =	ssyncadd.s32 $0xFFFFC180  }
0x174: {  	[spmem:s2] =	stream.indirect.scatter.add.f32 [tilespmem:s14], [sflag:$0x4], $0x80, s7, s12, $0xb8;
	[tilespmem:$0x1D000] =	vst v63  }
0x175: {  	_ =	swait.ge [sflag:s18], $0x3E80  }
0x176: {  	[sflag:s18] =	ssyncset.done $0x0  }
0x177: {  	s8 =	rddreg [dreg:$0x10];
	[sflag:s18] =	ssyncadd.s32 $0xFFFFC180  }
0x178: {  	[tilespmem:s14], [sflag:$0x2] =	stream.indirect.gather [hbm4b:s4+s12], $0x80, s8, s12, $0xb8;
	[tilespmem:$0x1D000] =	vst v63  }
0x179: {  	_ =	swait.ge [sflag:s15], $0x3E80  }
0x17a: {  	[sflag:s15] =	ssyncset.done $0x0  }
0x17b: {  	s9 =	rddreg [dreg:$0x11];
	[sflag:s15] =	ssyncadd.s32 $0xFFFFC180  }
0x17c: {  	[spmem:s2] =	stream.indirect.scatter.add.f32 [tilespmem:s13], [sflag:$0x3], $0x80, s9, s12, $0xb8;
	[tilespmem:$0x1D000] =	vst v63  }
0x17d: {  	_ =	swait.ge [sflag:s16], $0x3E80  }
0x17e: {  	[sflag:s16] =	ssyncset.done $0x0  }
0x17f: {  	s7 =	rddreg [dreg:$0x12];
	[sflag:s16] =	ssyncadd.s32 $0xFFFFC180  }
0x180: {  	[tilespmem:s13], [sflag:$0x1] =	stream.indirect.gather [hbm4b:s4+s12], $0x80, s7, s12, $0xb8;
	[tilespmem:$0x1D000] =	vst v63  }
0x181: {  	_ =	swait.ge [sflag:s17], $0x3E80  }
0x182: {  	[sflag:s17] =	ssyncset.done $0x0  }
0x183: {  	s8 =	rddreg [dreg:$0x13];
	[sflag:s17] =	ssyncadd.s32 $0xFFFFC180  }
0x184: {  	[spmem:s2] =	stream.indirect.scatter.add.f32 [tilespmem:s14], [sflag:$0x4], $0x80, s8, s12, $0xb8;
	[tilespmem:$0x1D000] =	vst v63  }
0x185: {  	_ =	swait.ge [sflag:s18], $0x3E80  }
0x186: {  	[sflag:s18] =	ssyncset.done $0x0  }
0x187: {  	[sflag:s18] =	ssyncadd.s32 $0xFFFFC180  }
0x188: {  	[tilespmem:s14], [sflag:$0x2] =	stream.indirect.gather [hbm4b:s4+s12], $0x80, s19, s12, $0xb8;
	[tilespmem:$0x1D000] =	vst v63  }
0x189: {  	_ =	swait.ge [sflag:s15], $0x3E80  }
0x18a: {  	[sflag:s15] =	ssyncset.done $0x0  }
0x18b: {  	[sflag:s15] =	ssyncadd.s32 $0xFFFFC180  }
0x18c: {  	[spmem:s2] =	stream.indirect.scatter.add.f32 [tilespmem:s13], [sflag:$0x3], $0x80, s20, s12, $0xb8;
	[tilespmem:$0x1D000] =	vst v63  }
0x18d: {  	_ =	swait.ge [sflag:s16], $0x3E80  }
0x18e: {  	[sflag:s16] =	ssyncset.done $0x0  }
0x18f: {  	[sflag:s16] =	ssyncadd.s32 $0xFFFFC180  }
0x190: {  	[tilespmem:s13], [sflag:$0x1] =	stream.indirect.gather [hbm4b:s4+s12], $0x80, s21, s12, $0xb8;
	[tilespmem:$0x1D000] =	vst v63  }
0x191: {  	_ =	swait.ge [sflag:s17], $0x3E80  }
0x192: {  	[sflag:s17] =	ssyncset.done $0x0  }
0x193: {  	[sflag:s17] =	ssyncadd.s32 $0xFFFFC180  }
0x194: {  	[spmem:s2] =	stream.indirect.scatter.add.f32 [tilespmem:s14], [sflag:$0x4], $0x80, s22, s12, $0xb8;
	[tilespmem:$0x1D000] =	vst v63  }
0x195: {  	_ =	swait.ge [sflag:s18], $0x3E80  }
0x196: {  	[sflag:s18] =	ssyncset.done $0x0  }
0x197: {  	[sflag:s18] =	ssyncadd.s32 $0xFFFFC180  }
0x198: {  	[tilespmem:s14], [sflag:$0x2] =	stream.indirect.gather [hbm4b:s4+s12], $0x80, s23, s12, $0xb8;
	[tilespmem:$0x1D000] =	vst v63  }
0x199: {  	_ =	swait.ge [sflag:s15], $0x3E80  }
0x19a: {  	[sflag:s15] =	ssyncset.done $0x0  }
0x19b: {  	[sflag:s15] =	ssyncadd.s32 $0xFFFFC180  }
0x19c: {  	[spmem:s2] =	stream.indirect.scatter.add.f32 [tilespmem:s13], [sflag:$0x3], $0x80, s24, s12, $0xb8;
	[tilespmem:$0x1D000] =	vst v63  }
0x19d: {  	_ =	swait.ge [sflag:s16], $0x3E80  }
0x19e: {  	[sflag:s16] =	ssyncset.done $0x0  }
0x19f: {  	[sflag:s16] =	ssyncadd.s32 $0xFFFFC180  }
0x1a0: {  	[tilespmem:s13], [sflag:$0x1] =	stream.indirect.gather [hbm4b:s4+s12], $0x80, s25, s12, $0xb8;
	[tilespmem:$0x1D000] =	vst v63  }
0x1a1: {  	_ =	swait.ge [sflag:s17], $0x3E80  }
0x1a2: {  	[sflag:s17] =	ssyncset.done $0x0  }
0x1a3: {  	[sflag:s17] =	ssyncadd.s32 $0xFFFFC180  }
0x1a4: {  	[spmem:s2] =	stream.indirect.scatter.add.f32 [tilespmem:s14], [sflag:$0x4], $0x80, s26, s12, $0xb8;
	[tilespmem:$0x1D000] =	vst v63  }
0x1a5: {  	_ =	swait.ge [sflag:s18], $0x3E80  }
0x1a6: {  	[sflag:s18] =	ssyncset.done $0x0  }
0x1a7: {  	[sflag:s18] =	ssyncadd.s32 $0xFFFFC180  }
0x1a8: {  	[tilespmem:s14], [sflag:$0x2] =	stream.indirect.gather [hbm4b:s4+s12], $0x80, s28, s12, $0xb8;
	[tilespmem:$0x1D000] =	vst v63  }
0x1a9: {  	_ =	swait.ge [sflag:s15], $0x3E80  }
0x1aa: {  	[sflag:s15] =	ssyncset.done $0x0  }
0x1ab: {  	[sflag:s15] =	ssyncadd.s32 $0xFFFFC180  }
0x1ac: {  	[spmem:s2] =	stream.indirect.scatter.add.f32 [tilespmem:s13], [sflag:$0x3], $0x80, s29, s12, $0xb8;
	[tilespmem:$0x1D000] =	vst v63  }
0x1ad: {  	_ =	swait.ge [sflag:s16], $0x3E80  }
0x1ae: {  	[sflag:s16] =	ssyncset.done $0x0  }
0x1af: {  	[sflag:s16] =	ssyncadd.s32 $0xFFFFC180  }
0x1b0: {  	[tilespmem:s13], [sflag:$0x1] =	stream.indirect.gather [hbm4b:s4+s12], $0x80, s30, s12, $0xb8;
	[tilespmem:$0x1D000] =	vst v63  }
0x1b1: {  	_ =	swait.ge [sflag:s17], $0x3E80  }
0x1b2: {  	[sflag:s17] =	ssyncset.done $0x0  }
0x1b3: {  	[sflag:s17] =	ssyncadd.s32 $0xFFFFC180  }
0x1b4: {  	[spmem:s2] =	stream.indirect.scatter.add.f32 [tilespmem:s14], [sflag:$0x4], $0x80, s31, s12, $0xb8;
	[tilespmem:$0x1D000] =	vst v63  }
0x1b5: {  	_ =	swait.ge [sflag:s18], $0x3E80  }
0x1b6: {  	[sflag:s18] =	ssyncset.done $0x0  }
0x1b7: {  	[sflag:s18] =	ssyncadd.s32 $0xFFFFC180  }
0x1b8: {  	[tilespmem:s14], [sflag:$0x2] =	stream.indirect.gather [hbm4b:s4+s12], $0x80, s1, s12, $0xb8;
	[tilespmem:$0x1D000] =	vst v63  }
0x1b9: {  	_ =	swait.ge [sflag:s15], $0x3E80  }
0x1ba: {  	[sflag:s15] =	ssyncset.done $0x0  }
0x1bb: {  	[sflag:s15] =	ssyncadd.s32 $0xFFFFC180  }
0x1bc: {  	[spmem:s2] =	stream.indirect.scatter.add.f32 [tilespmem:s13], [sflag:$0x3], $0x80, s0, s12, $0xb8;
	[tilespmem:$0x1D000] =	vst v63  }
0x1bd: {  	_ =	swait.ge [sflag:s17], $0x3E80  }
0x1be: {  	[sflag:s17] =	ssyncset.done $0x0  }
0x1bf: {  	[sflag:s17] =	ssyncadd.s32 $0xFFFFC180  }
0x1c0: {  	[spmem:s2] =	stream.indirect.scatter.add.f32 [tilespmem:s14], [sflag:$0x4], $0x80, s5, s12, $0xb8;
	[tilespmem:$0x1D000] =	vst v63  }
0x1c1: {  	_ =	swait.ge [sflag:s16], $0x3E80  }
0x1c2: {  	[sflag:s16] =	ssyncset.done $0x0  }
0x1c3: {  	[sflag:s16] =	ssyncadd.s32 $0xFFFFC180  }
0x1c4: {  	_ =	swait.ge [sflag:s18], $0x3E80  }
0x1c5: {  	[sflag:s18] =	ssyncset.done $0x0  }
0x1c6: {  	[sflag:s18] =	ssyncadd.s32 $0xFFFFC180  }
0x1c7: {  	[bflag:$0x0] =	sbarrier.arrive $0xFFFF  }
0x1c8: {  	s7 =	rddreg [dreg:$0x15]  }
0x1c9: {  	s9 =	rddreg [dreg:$0x16]  }
0x1ca: {  	s8 =	rddreg [dreg:$0x18]  }
0x1cb: {  	[hbm:s9], [sflag:s7] =	dma.local [spmem:s8], $0x2800  }
0x1cc: {  	_ =	swait.ge [sflag:s10], $0x2800  }
0x1cd: {  	s6 =	rddreg [dreg:$0x19]  }
0x1ce: {  	s9 =	sadd.s32 $0x1, s6;
	s6 =	rddreg [dreg:$0x17]  }
0x1cf: {  	p0 =	sne.s32 s9, s6  }
.Ltmp1:
0x1d0: {  	_ = 	snop;
	(pc) =	sbr.rel @p0 .LBB2_1-.Ltmp1, $3  }
0x1d1: {  	_ =	sdelay $0x1  }
0x1d2: {  	[sflag:s10] =	ssyncset.done $0x0  }
0x1d3: {  	[sflag:s10] =	ssyncadd.s32 $0xFFFFD800  }
0x1d4: {  	_ =	sfence.sel $0x180000  }
0x1d5: {  	[bflag:$0x0] =	sbarrier.arrive $0xFFFF  }
0x1d6: {  	_ =	strace $0x9000004D  }
0x1d7: {  	s0 =	stileid.u32;
	[bflag:$0x2] =	sbarrier.arrive $0xFFFF  }
0x1d8: {  	p0 =	sne.s32 s0, $0x0;
	s0 =	rddreg [dreg:$0x2]  }
0x1d9: {  	s0 =	sadd.s32 @!p0 $0x100000, s0  }
0x1da: {  	[sflag:s0] =	ssyncadd.tile.s32 @!p0 $0x1;
	_ =	shalt  }
.Lfunc_end2:
_tile_overlayer_lowered:
.L_overlay_start_2:
0x1db: {  	(tag) =	ssettag $0x2  }
0x1dc: {  	s0 =	rddreg [dreg:$0x0];
	s2 =	stileid.u32  }
0x1dd: {  	s1 =	rddreg [dreg:$0x1];
	p0 =	sne.s32 s2, $0x0  }
0x1de: {  	s3 =	rddreg [dreg:$0x2];
	[bflag:$0x3] =	sbarrier.arrive $0xFFFF;
	s2 =	simm.s32 @!p0 $0x1C05  }
0x1df: {  	[timem:s3], [sflag:s2] =	dma.local @!p0 [hbm:s0], s1  }
0x1e0: {  	s0 =	simm.s32 @!p0 $0x5  }
0x1e1: {  	_ =	swait.ge @!p0 [sflag:s0], s1  }
0x1e2: {  	s1 =	ssub.s32 @!p0 $0x0, s1;
	[sflag:s0] =	ssyncset.done @!p0 $0x0  }
0x1e3: {  	[sflag:s0] =	ssyncadd.s32 @!p0 s1  }
0x1e4: {  	[bflag:$0x3] =	sbarrier.arrive $0xFFFF  }
0x1e5: {  	_ =	shalt  }

// kernel: kernel.8.cloned.1.call-start
scs
__scs_entry_jumppad:
0x0: {  	(pc) =	sbr.rel $0x88, $3  }
0x1: {  	(tag) =	ssettag $0x0;
	lr =	simm.s32 $0x1  }
0x2: {  	[smem:$0x3F95] =	sst lr;
	_ =	strace $0xD0000000  }
0x3: {  	_ = 	snop  }
0x4: {  	_ = 	snop  }
0x5: {  	_ = 	snop  }
0x6: {  	_ = 	snop  }
0x7: {  	_ = 	snop  }
__scs_overlays_trampoline_lowered:
0x8: {  	[smem:$0x3FA4] =	sst s0  }
0x9: {  	[smem:$0x3FA5] =	sst s1  }
0xa: {  	[smem:$0x3FA6] =	sst s2  }
0xb: {  	[smem:$0x3FA7] =	sst s3  }
0xc: {  	[smem:$0x3FA8] =	sst s4  }
0xd: {  	[smem:$0x3FA9] =	sst s5  }
0xe: {  	[smem:$0x3FAA] =	sst s6  }
0xf: {  	[smem:$0x3FAB] =	sst s7  }
0x10: {  	[smem:$0x3FAC] =	sst s8  }
0x11: {  	[smem:$0x3FAD] =	sst s9;
	s0 =	simm.s32 @!p0 $0x0  }
0x12: {  	s1 =	sld [smem:$0x3F93];
	s0 =	simm.s32 @p0 $0x1  }
0x13: {  	[smem:$0x3FAE] =	sst s0;
	s0 =	simm.s32 @!p1 $0x0  }
0x14: {  	s2 =	sld [smem:$0x3F92];
	s0 =	simm.s32 @p1 $0x1  }
0x15: {  	[smem:$0x3FAF] =	sst s0;
	s0 =	simm.s32 @!p2 $0x0  }
0x16: {  	s3 =	sld [smem:$0x3FDB];
	s0 =	simm.s32 @p2 $0x1  }
0x17: {  	s4 =	simm.s32 $0x1BF5;
	[smem:$0x3FB1] =	sst s0  }
0x18: {  	s0 =	sld [smem:$0x3F94];
	_ =	swait.ge [sflag:s4], $0x0  }
0x19: {  	s7 =	sld [smem:$0x3F95]  }
0x1a: {  	s8 =	sadd.s32 $0xFFFFE003, lr  }
0x1b: {  	s9 =	sadd.s32 $0xFFFFFEF7, lr;
	s5 =	simm.s32 $0xFFFFFFFF;
	p2 =	slt.u32 s8, $0xFFFFF086  }
0x1c: {  	p1 =	slt.u32 s9, $0xF7A;
	s5 =	simm.s32 @!p2 $0x0  }
0x1d: {  	s5 =	simm.s32 @p1 $0x1;
	p0 =	seq.s32 s7, s2  }
0x1e: {  	s7 =	smul.u32 @!p0 $0xF7A, s2;
	p2 =	seq.s32 @!p0 s5, $0x0  }
0x1f: {  	s9 =	smul.u32 $0xF7A, s1;
	s8 =	simm.s32 @!p0 $0x1BF5;
	p2 =	por !p2, p0  }
0x20: {  	[sflag:s8] =	ssyncset.s32 @!p0 $0xFFFFF086;
	s6 =	sadd.s32 @!p0 s3, s7;
	s7 =	simm.s32 @!p0 $0x108  }
0x21: {  	s3 =	sadd.s32 s3, s9;
	s6 =	sadd.s32 @!p0 $0x88, s6;
	s7 =	simm.s32 @p2 $0x1082  }
0x22: {  	[simem:s7], [sflag:s8] =	dma.local @!p0 [hbm:s6], $0xF7A  }
0x23: {  	s9 =	sor.u32 $0xD0000000, s2;
	s6 =	simm.s32 $0x108;
	_ =	swait.ge @!p0 [sflag:s8], $0x0  }
0x24: {  	s3 =	sadd.s32 $0x88, s3;
	s6 =	simm.s32 @!p1 $0x1082;
	[sflag:s4] =	ssyncset.s32 $0xFFFFF086  }
0x25: {  	[simem:s6], [sflag:s4] =	dma.local [hbm:s3], $0xF7A  }
0x26: {  	[smem:$0x3F95] =	sst s1;
	(tag) =	ssettag s2;
	_ =	strace s9  }
0x27: {  	s1 =	sld [smem:$0x3FA5]  }
0x28: {  	s2 =	sld [smem:$0x3FA6]  }
0x29: {  	s4 =	sld [smem:$0x3FA8]  }
0x2a: {  	p0 =	seq.s32 s5, $0x0;
	s5 =	sld [smem:$0x3FA9]  }
0x2b: {  	s6 =	sld [smem:$0x3FAA]  }
0x2c: {  	s7 =	sld [smem:$0x3FAB]  }
0x2d: {  	s3 =	simm.s32 $0x108;
	s8 =	sld [smem:$0x3FAC]  }
0x2e: {  	s3 =	simm.s32 @!p0 $0x1082;
	s9 =	sld [smem:$0x3FAD]  }
0x2f: {  	lr =	sadd.s32 s0, s3;
	s0 =	sld [smem:$0x3FA4]  }
0x30: {  	s3 =	sld [smem:$0x3FA7]  }
0x31: {  	[smem:$0x3FB0] =	sst s10  }
0x32: {  	s10 =	sld [smem:$0x3FAE];
	_ =	sdelay $0x3  }
0x33: {  	p0 =	seq.s32 s10, $0x1;
	s10 =	sld [smem:$0x3FB0];
	_ =	sdelay $0x3  }
0x34: {  	[smem:$0x3FB0] =	sst s10  }
0x35: {  	s10 =	sld [smem:$0x3FAF];
	_ =	sdelay $0x3  }
0x36: {  	p1 =	seq.s32 s10, $0x1;
	s10 =	sld [smem:$0x3FB0];
	_ =	sdelay $0x3  }
0x37: {  	[smem:$0x3FB0] =	sst s10  }
0x38: {  	s10 =	sld [smem:$0x3FB1]  }
0x39: {  	_ = 	snop;
	(pc) =	sbr.ind lr, $3  }
0x3a: {  	_ = 	snop  }
0x3b: {  	_ = 	snop  }
0x3c: {  	p2 =	seq.s32 s10, $0x1;
	s10 =	sld [smem:$0x3FB0]  }
0x3d: {  	_ =	shalt  }
0x3e: {  	_ =	shalt  }
0x3f: {  	_ =	shalt  }
0x40: {  	_ =	shalt  }
0x41: {  	_ =	shalt  }
0x42: {  	_ =	shalt  }
0x43: {  	_ =	shalt  }
0x44: {  	_ =	shalt  }
0x45: {  	_ =	shalt  }
0x46: {  	_ =	shalt  }
0x47: {  	_ =	shalt  }
0x48: {  	_ =	shalt  }
0x49: {  	_ =	shalt  }
0x4a: {  	_ =	shalt  }
0x4b: {  	_ =	shalt  }
0x4c: {  	_ =	shalt  }
0x4d: {  	_ =	shalt  }
0x4e: {  	_ =	shalt  }
0x4f: {  	_ =	shalt  }
0x50: {  	_ =	shalt  }
0x51: {  	_ =	shalt  }
0x52: {  	_ =	shalt  }
0x53: {  	_ =	shalt  }
0x54: {  	_ =	shalt  }
0x55: {  	_ =	shalt  }
0x56: {  	_ =	shalt  }
0x57: {  	_ =	shalt  }
0x58: {  	_ =	shalt  }
0x59: {  	_ =	shalt  }
0x5a: {  	_ =	shalt  }
0x5b: {  	_ =	shalt  }
0x5c: {  	_ =	shalt  }
0x5d: {  	_ =	shalt  }
0x5e: {  	_ =	shalt  }
0x5f: {  	_ =	shalt  }
0x60: {  	_ =	shalt  }
0x61: {  	_ =	shalt  }
0x62: {  	_ =	shalt  }
0x63: {  	_ =	shalt  }
0x64: {  	_ =	shalt  }
0x65: {  	_ =	shalt  }
0x66: {  	_ =	shalt  }
0x67: {  	_ =	shalt  }
0x68: {  	_ =	shalt  }
0x69: {  	_ =	shalt  }
0x6a: {  	_ =	shalt  }
0x6b: {  	_ =	shalt  }
0x6c: {  	_ =	shalt  }
0x6d: {  	_ =	shalt  }
0x6e: {  	_ =	shalt  }
0x6f: {  	_ =	shalt  }
0x70: {  	_ =	shalt  }
0x71: {  	_ =	shalt  }
0x72: {  	_ =	shalt  }
0x73: {  	_ =	shalt  }
0x74: {  	_ =	shalt  }
0x75: {  	_ =	shalt  }
0x76: {  	_ =	shalt  }
0x77: {  	_ =	shalt  }
0x78: {  	_ =	shalt  }
0x79: {  	_ =	shalt  }
0x7a: {  	_ =	shalt  }
0x7b: {  	_ =	shalt  }
0x7c: {  	_ =	shalt  }
0x7d: {  	_ =	shalt  }
0x7e: {  	_ =	shalt  }
0x7f: {  	_ =	shalt  }
0x80: {  	_ =	shalt  }
0x81: {  	_ =	shalt  }
0x82: {  	_ =	shalt  }
0x83: {  	_ =	shalt  }
0x84: {  	_ =	shalt  }
0x85: {  	_ =	shalt  }
0x86: {  	_ =	shalt  }
0x87: {  	_ =	shalt  }
.Lfunc_end0:
.L_simem_size_0:
called_computation_lowered:
.L_overlay_start_0:
0x88: {  	s2 =	sld [smem:$0x3FD9]  }
0x89: {  	s3 =	sld [smem:$0x3FFE];
	_ =	sdelay $0x1  }
0x8a: {  	s1 =	srdreg.scid  }
0x8b: {  	s0 =	sand.u32 $0x1, s1  }
0x8c: {  	s16 =	sshll.u32 s0, $0xA;
	s2 =	sadd.s32 s3, s2  }
0x8d: {  	s2 =	sadd.s32 s2, s16  }
0x8e: {  	[smem:$0x3FBC] =	sst s2  }
0x8f: {  	_ = 	snop  }
0x90: {  	(tm) =	ssettm $0x1  }
0x91: {  	s17 =	sld [smem:$0x3FFB];
	_ =	sdelay $0x3  }
0x92: {  	_ =	strace s17  }
0x93: {  	s2 =	sld [smem:$0x3FFC];
	_ =	sdelay $0x3  }
0x94: {  	_ =	strace s2  }
0x95: {  	s2 =	sld [smem:$0x3FFD];
	_ =	sdelay $0x3  }
0x96: {  	_ =	strace s2  }
0x97: {  	_ =	strace $0x8FFFFFFF  }
0x98: {  	s18 =	sld [smem:$0x3FDB];
	_ =	sdelay $0x1  }
0x99: {  	s19 =	simm.s32 $_scs_section_size  }
0x9a: {  	s4 =	simm.s32 $_size__tile_overlayer_lowered;
	s5 =	simm.s32 $_tile_overlayer_lowered  }
0x9b: {  	s22 =	simm.s32 $0x1BFF;
	s21 =	sshll.u32 s5, $0x1;
	s2 =	sadd.s32 s19, s18  }
0x9c: {  	s6 =	simm.s32 $0x0;
	s20 =	sshll.u32 s4, $0x1;
	s4 =	sadd.s32 s21, s2  }
0x9d: {  	[timem:s6], [sflag:s22] =	dma.local [hbm:s4], s20  }
0x9e: {  	_ =	swait.ge [sflag:s22], s20  }
0x9f: {  	s3 =	ssub.s32 $0x0, s20;
	[sflag:s22] =	ssyncset.done $0x0  }
0xa0: {  	[sflag:s22] =	ssyncadd.s32 s3;
	_ =	sdelay $0x1  }
0xa1: {  	s23 =	simm.s32 $0x1B8B  }
0xa2: {  	_ =	swait.ge [sflag:s23], $0x1  }
0xa3: {  	[sflag:s23] =	ssyncset.done $0x0  }
0xa4: {  	s25 =	simm.s32 $0x1B8E;
	s24 =	sld [smem:$0x3FFE];
	[sflag:s23] =	ssyncadd.s32 $0xFFFFFFFF  }
0xa5: {  	s26 =	simm.s32 $execute0_lowered;
	[smem:$0x3FD2] =	sst s25  }
0xa6: {  	s4 =	sshll.u32 s26, $0x1;
	_ =	strace $0x80000046;
	[dreg:$0x1] =	wrdreg $0xFFFFFFFF  }
0xa7: {  	s28 =	simm.s32 $_size_execute0_lowered;
	s2 =	sadd.s32 s2, s4;
	[dreg:$0x0] =	wrdreg $0x0  }
0xa8: {  	s4 =	sshll.u32 s28, $0x1;
	[dreg:$0x2] =	wrdreg s2  }
0xa9: {  	[dreg:$0x3] =	wrdreg s4  }
0xaa: {  	[dreg:$0x4] =	wrdreg $0xC0  }
0xab: {  	_ =	task [dreg:s6], $0x5FFFF  }
0xac: {  	[dreg:$0x1] =	wrdreg $0xFFFFFFFF  }
0xad: {  	[dreg:$0x0] =	wrdreg $0x60  }
0xae: {  	[dreg:$0x2] =	wrdreg s24  }
0xaf: {  	[dreg:$0x3] =	wrdreg $0x43000  }
0xb0: {  	[dreg:$0x4] =	wrdreg $0x9  }
0xb1: {  	_ =	task.clear_ibuf [dreg:s6], $0x5FFFF;
	_ =	strace $0x90000046  }
0xb2: {  	s29 =	simm.s32 $0x9;
	_ =	strace $0x80000048  }
0xb3: {  	_ =	swait.ge [sflag:s29], $0x1  }
0xb4: {  	[sflag:s29] =	ssyncadd.s32 $0xFFFFFFFF  }
0xb5: {  	_ =	strace $0x90000048  }
0xb6: {  	_ =	sfence  }
0xb7: {  	s30 =	sld [smem:$0x0];
	_ =	sdelay $0x2  }
0xb8: {  	s31 =	sshll.u32 s1, $0xD;
	s1 =	sshrl.u32 s1, $0x2  }
0xb9: {  	s3 =	sand.u32 $0x4000, s31;
	s1 =	sadd.s32 s1, s30  }
0xba: {  	s0 =	sor.u32 s3, s0;
	s1 =	sshll.u32 s1, $0x11  }
0xbb: {  	s0 =	sor.u32 s1, s0  }
0xbc: {  	s0 =	sadd.s32 $0x8F2B, s0  }
0xbd: {  	[sflag:s0] =	ssyncadd.remote.s32 $0x1  }
0xbe: {  	_ =	sfence.sel $0xFFFF  }
0xbf: {  	[dreg:$0x0] =	wrdreg $0xFFFFFFFF;
	(pc) =	sbr.abs _section_cstart, $3  }
0xc0: {  	[dreg:$0x1] =	wrdreg $0xFFFFFFFF  }
0xc1: {  	_ =	task.clear_ibuf [dreg:s6], $0x2FFFF;
	_ =	strace $0x9FFFFFFF  }
0xc2: {  	(tm) =	ssettm $0x7FFFFFFF  }
0xc3: {  	_ =	shalt  }
tec
execute0_lowered:
.L_overlay_start_1:
0x0: {  	(tag) =	ssettag $0x1  }
0x1: {  	s3 =	rddreg [dreg:$0x0]  }
0x2: {  	s1 =	rddreg [dreg:$0x1]  }
0x3: {  	s0 =	rddreg [dreg:$0x2];
	s2 =	simm.s32 $0x0  }
0x4: {  	s10 =	stileid.u32;
	s4 =	srdreg.scid;
	s9 =	simm.s32 $0x50  }
0x5: {  	s12 =	simm.s32 $0x0;
	[smem:$0x7FF] =	sst s2;
	s5 =	sshll.u32 s10, $0xB  }
0x6: {  	s4 =	sand.u32 $0x1, s4;
	s7 =	smul.u32 $0xA00, s10;
	p0 =	sne.s32 s10, $0x0  }
0x7: {  	s10 =	simm.s32 $0x4000;
	_ =	strace $0x80000047;
	s5 =	sadd.s32 s5, s3  }
0x8: {  	s6 =	sshll.u32 s4, $0x4;
	s29 =	ssub.s32 $0x2, s4;
	s4 =	sshll.u32 s4, $0xF  }
0x9: {  	s11 =	sshrl.u32 @!p0 s1, $0x3;
	s6 =	sadd.s32 s6, s3;
	s8 =	sshrl.u32 s29, $0x1  }
0xa: {  	s4 =	sadd.s32 s4, s5;
	s30 =	sshrl.u32 s7, $0x2;
	s7 =	simm.s32 $0x1  }
0xb: {  	s31 =	ssub.s32 s29, s8;
	s3 =	sadd.s32 $0x2E00, s4;
	s4 =	sadd.s32 s30, s1  }
0xc: {  	v0 =	vimm.f32 $1.000000000e+00;
	v1 =	vimm.f32 $0.0e+00;
	s5 =	sadd.s32 $0x12E00, s6;
	s8 =	simm.s32 $0x4080;
	s6 =	smax.u32 s31, $0x1  }
.LBB2_1:
0xd: {  	[tilespmem:s2], [sflag:$0x1] =	stream.linear.gather [hbm4b:s3+s2], $0x3E80, $0x38;
	[tilespmem:$0x4580] =	vst v63  }
0xe: {  	_ =	swait.ge [sflag:s7], $0x3E80  }
0xf: {  	[sflag:s7] =	ssyncset.done $0x0  }
0x10: {  	[sflag:s7] =	ssyncadd.s32 $0xFFFFC180  }
0x11: {  	[tilespmem:$0x4000] =	vst v0  }
0x12: {  	[tilespmem:$0x4010] =	vst v0  }
0x13: {  	[tilespmem:$0x4020] =	vst v0  }
0x14: {  	[tilespmem:$0x4030] =	vst v0  }
0x15: {  	[tilespmem:$0x4040] =	vst v0  }
0x16: {  	[tilespmem:$0x4080] =	vst v1  }
0x17: {  	[tilespmem:$0x4090] =	vst v1  }
0x18: {  	[tilespmem:$0x40A0] =	vst v1  }
0x19: {  	[tilespmem:$0x40B0] =	vst v1  }
0x1a: {  	[tilespmem:$0x40C0] =	vst v1  }
0x1b: {  	[tilespmem:$0x40D0] =	vst v1  }
0x1c: {  	[tilespmem:$0x40E0] =	vst v1  }
0x1d: {  	[tilespmem:$0x40F0] =	vst v1  }
0x1e: {  	[tilespmem:$0x4100] =	vst v1  }
0x1f: {  	[tilespmem:$0x4110] =	vst v1  }
0x20: {  	[tilespmem:$0x4120] =	vst v1  }
0x21: {  	[tilespmem:$0x4130] =	vst v1  }
0x22: {  	[tilespmem:$0x4140] =	vst v1  }
0x23: {  	[tilespmem:$0x4150] =	vst v1  }
0x24: {  	[tilespmem:$0x4160] =	vst v1  }
0x25: {  	[tilespmem:$0x4170] =	vst v1  }
0x26: {  	[tilespmem:$0x4180] =	vst v1  }
0x27: {  	[tilespmem:$0x4190] =	vst v1  }
0x28: {  	[tilespmem:$0x41A0] =	vst v1  }
0x29: {  	[tilespmem:$0x41B0] =	vst v1  }
0x2a: {  	[tilespmem:$0x41C0] =	vst v1  }
0x2b: {  	[tilespmem:$0x41D0] =	vst v1  }
0x2c: {  	[tilespmem:$0x41E0] =	vst v1  }
0x2d: {  	[tilespmem:$0x41F0] =	vst v1  }
0x2e: {  	[tilespmem:$0x4200] =	vst v1  }
0x2f: {  	[tilespmem:$0x4210] =	vst v1  }
0x30: {  	[tilespmem:$0x4220] =	vst v1  }
0x31: {  	[tilespmem:$0x4230] =	vst v1  }
0x32: {  	[tilespmem:$0x4240] =	vst v1  }
0x33: {  	[tilespmem:$0x4250] =	vst v1  }
0x34: {  	[tilespmem:$0x4260] =	vst v1  }
0x35: {  	[tilespmem:$0x4270] =	vst v1  }
0x36: {  	[tilespmem:$0x4280] =	vst v1  }
0x37: {  	[tilespmem:$0x4290] =	vst v1  }
0x38: {  	[tilespmem:$0x42A0] =	vst v1  }
0x39: {  	[tilespmem:$0x42B0] =	vst v1  }
0x3a: {  	[tilespmem:$0x42C0] =	vst v1  }
0x3b: {  	[tilespmem:$0x42D0] =	vst v1  }
0x3c: {  	[tilespmem:$0x42E0] =	vst v1  }
0x3d: {  	[tilespmem:$0x42F0] =	vst v1  }
0x3e: {  	[spmem:s4] =	stream.linear.scatter [tilespmem:s8], [sflag:$0x1], $0x280, $0x38;
	[tilespmem:$0x4580] =	vst v63  }
0x3f: {  	_ =	swait.ge [sflag:s7], $0x280  }
0x40: {  	[sflag:s7] =	ssyncset.done $0x0  }
0x41: {  	[sflag:s7] =	ssyncadd.s32 $0xFFFFFD80  }
0x42: {  	s13 =	simm.s32 $0x0;
	[bflag:$0x0] =	sbarrier.arrive $0xFFFF  }
0x43: {  	[spmem:s1] =	stream.indirect.scatter.add.f32 [tilespmem:s10], [sflag:$0x1], $0x1, s13, s9, $0xb8;
	[tilespmem:$0x4580] =	vst v63  }
0x44: {  	_ =	swait.ge [sflag:s7], $0x50  }
0x45: {  	s13 =	simm.s32 $0x200;
	[sflag:s7] =	ssyncset.done $0x0  }
.LBB2_2:
0x46: {  	s14 =	sshra.s32 s13, $0x2;
	[sflag:s7] =	ssyncadd.s32 $0xFFFFFFB0;
	p1 =	sne.s32 s13, $0xF800  }
0x47: {  	[spmem:s1] =	stream.indirect.scatter.add.f32 [tilespmem:s10], [sflag:$0x1], $0x1, s14, s9, $0xb8;
	[tilespmem:$0x4580] =	vst v63  }
.Ltmp0:
0x48: {  	_ = 	snop;
	(pc) =	sbr.rel @p1 .LBB2_2-.Ltmp0, $4  }
0x49: {  	_ = 	snop  }
0x4a: {  	s13 =	sadd.s32 $0x200, s13  }
0x4b: {  	_ =	swait.ge [sflag:s7], $0x50  }
0x4c: {  	[sflag:s7] =	ssyncset.done $0x0  }
0x4d: {  	[sflag:s7] =	ssyncadd.s32 $0xFFFFFFB0;
	s13 =	simm.s32 @!p0 $0x1;
	s12 =	sadd.s32 $0x1, s12  }
0x4e: {  	s14 =	simm.s32 @!p0 $0x20;
	s15 =	simm.s32 @!p0 $0x10;
	p1 =	sne.s32 s12, s6  }
.Ltmp1:
0x4f: {  	s16 =	simm.s32 @!p0 $0x1C01;
	[bflag:$0x0] =	sbarrier.arrive $0xFFFF;
	(pc) =	sbr.rel @p1 .LBB2_1-.Ltmp1, $4  }
0x50: {  	[hbm:s5@s14], [sflag:s16] =	dma.strided @!p0 [spmem:s11@s15], $0x500, s13, $0x10   }
0x51: {  	_ =	swait.ge @!p0 [sflag:s13], $0x500  }
0x52: {  	[sflag:s13] =	ssyncset.done @!p0 $0x0  }
0x53: {  	[sflag:s13] =	ssyncadd.s32 @!p0 $0xFFFFFB00  }
0x54: {  	_ =	sfence.sel $0x180000  }
0x55: {  	[bflag:$0x0] =	sbarrier.arrive $0xFFFF  }
0x56: {  	_ =	strace $0x90000047  }
0x57: {  	s0 =	sadd.s32 @!p0 $0x100000, s0;
	[bflag:$0x2] =	sbarrier.arrive $0xFFFF  }
0x58: {  	[sflag:s0] =	ssyncadd.tile.s32 @!p0 $0x1;
	_ =	shalt  }
.Lfunc_end2:
_tile_overlayer_lowered:
.L_overlay_start_2:
0x59: {  	(tag) =	ssettag $0x2  }
0x5a: {  	s0 =	rddreg [dreg:$0x0];
	s2 =	stileid.u32  }
0x5b: {  	s1 =	rddreg [dreg:$0x1];
	p0 =	sne.s32 s2, $0x0  }
0x5c: {  	s3 =	rddreg [dreg:$0x2];
	[bflag:$0x3] =	sbarrier.arrive $0xFFFF;
	s2 =	simm.s32 @!p0 $0x1C01  }
0x5d: {  	[timem:s3], [sflag:s2] =	dma.local @!p0 [hbm:s0], s1  }
0x5e: {  	s0 =	simm.s32 @!p0 $0x1  }
0x5f: {  	_ =	swait.ge @!p0 [sflag:s0], s1  }
0x60: {  	s1 =	ssub.s32 @!p0 $0x0, s1;
	[sflag:s0] =	ssyncset.done @!p0 $0x0  }
0x61: {  	[sflag:s0] =	ssyncadd.s32 @!p0 s1  }
0x62: {  	[bflag:$0x3] =	sbarrier.arrive $0xFFFF  }
0x63: {  	_ =	shalt  }

</sc_bundles>
